<compile_context>
chip_gen: v7x
topology: tpu7x:2x2x1
jax: 0.10.2.dev20260603
libtpu: 0.0.44.dev20260713+nightly
codegen_flags: <defaults>
</compile_context>

<pallas_src>
import jax
import jax.numpy as jnp
from jax import lax
from jax.experimental import pallas as pl
from jax.experimental.pallas import tpu as pltpu
from jax.experimental.pallas import tpu_sc as plsc

N = 10000
D = 128
DH = D // 2

NC = 2
NS = 16
NW = NC * NS

CHUNK = 80
IB = 16
ROWS_PER_TILE = 640
N_ACC = NS * ROWS_PER_TILE
STAGE_STEP = 624

_MESH = dict(core_axis_name="c", subcore_axis_name="s")


def _tile_ids():
  cid = lax.axis_index("c")
  sid = lax.axis_index("s")
  return cid, sid


def _zero_vmem(ref, nrows, width):
  zvec = jnp.zeros((16,), jnp.float32)

  def zero_row(j, _):
    for i in range(width // 16):
      ref[j, pl.ds(i * 16, 16)] = zvec
    return 0

  lax.fori_loop(0, nrows, zero_row, 0)


def _make_sc_aggregate(steps: int):
  assert steps % IB == 0
  scratch = {
      "src_v": pltpu.VMEM((IB, CHUNK), jnp.int32),
      "dst_v": pltpu.VMEM((IB, CHUNK), jnp.int32),
      "rows0_v": pltpu.VMEM((CHUNK, DH), jnp.float32),
      "rows1_v": pltpu.VMEM((CHUNK, DH), jnp.float32),
      "rows2_v": pltpu.VMEM((CHUNK, DH), jnp.float32),
      "rows3_v": pltpu.VMEM((CHUNK, DH), jnp.float32),
      "g0": pltpu.SemaphoreType.DMA,
      "g1": pltpu.SemaphoreType.DMA,
      "g2": pltpu.SemaphoreType.DMA,
      "g3": pltpu.SemaphoreType.DMA,
      "s0": pltpu.SemaphoreType.DMA,
      "s1": pltpu.SemaphoreType.DMA,
      "s2": pltpu.SemaphoreType.DMA,
      "s3": pltpu.SemaphoreType.DMA,
      "h_sp": pltpu.VMEM_SHARED((N_ACC, DH), jnp.float32),
      "agg_sh": pltpu.VMEM_SHARED((N_ACC, DH), jnp.float32),
  }

  def body(hp_hbm, src_hbm, dst_hbm, agg_out, *, src_v, dst_v, rows0_v,
           rows1_v, rows2_v, rows3_v, g0, g1, g2, g3, s0, s1, s2, s3,
           h_sp, agg_sh):
    cid, sid = _tile_ids()
    row0 = sid * ROWS_PER_TILE

    pltpu.sync_copy(hp_hbm.at[cid, pl.ds(sid * STAGE_STEP, ROWS_PER_TILE)],
                    h_sp.at[pl.ds(sid * STAGE_STEP, ROWS_PER_TILE)])

    _zero_vmem(rows0_v, CHUNK, DH)
    nfull = ROWS_PER_TILE // CHUNK
    for r in range(nfull):
      pltpu.sync_copy(rows0_v, agg_sh.at[pl.ds(row0 + r * CHUNK, CHUNK)])
    rem = ROWS_PER_TILE - nfull * CHUNK
    if rem:
      pltpu.sync_copy(rows0_v.at[pl.ds(0, rem)],
                      agg_sh.at[pl.ds(row0 + nfull * CHUNK, rem)])

    plsc.subcore_barrier()

    def outer(ib, _):
      pltpu.sync_copy(src_hbm.at[sid, pl.ds(ib * IB, IB)], src_v)
      pltpu.sync_copy(dst_hbm.at[sid, pl.ds(ib * IB, IB)], dst_v)

      rows = (rows0_v, rows1_v, rows2_v, rows3_v)
      gsem = (g0, g1, g2, g3)
      ssem = (s0, s1, s2, s3)

      def quad(p, _):
        gets = [pltpu.async_copy(h_sp.at[src_v.at[4 * p + q]], rows[q],
                                 gsem[q]) for q in range(4)]
        puts = []
        for q in range(4):
          gets[q].wait()
          puts.append(pltpu.async_copy(rows[q], agg_sh.at[dst_v.at[4 * p + q]],
                                       ssem[q], add=True))
        for q in range(4):
          puts[q].wait()
        return 0

      lax.fori_loop(0, IB // 4, quad, 0)
      return 0

    lax.fori_loop(0, steps // IB, outer, 0)

    plsc.subcore_barrier()

    pltpu.sync_copy(agg_sh.at[pl.ds(row0, ROWS_PER_TILE)],
                    agg_out.at[cid, pl.ds(row0, ROWS_PER_TILE)])

  return pl.kernel(
      body,
      out_type=jax.ShapeDtypeStruct((NC, N_ACC, DH), jnp.float32),
      mesh=plsc.VectorSubcoreMesh(**_MESH),
      scratch_types=scratch,
  )


def _make_sc_degree(steps: int):
  assert steps % (2 * IB) == 0
  nblk = steps // (2 * IB)
  scratch = {
      "dst_v": pltpu.VMEM((IB, CHUNK), jnp.int32),
      "hist_v": pltpu.VMEM((N_ACC,), jnp.float32),
      "red_v": pltpu.VMEM((NS, ROWS_PER_TILE), jnp.float32),
      "dcol_v": pltpu.VMEM((ROWS_PER_TILE, D), jnp.float32),
      "stage_sh": pltpu.VMEM_SHARED((NS, N_ACC), jnp.float32),
  }

  def body(dst_hbm, deg_out, *, dst_v, hist_v, red_v, dcol_v, stage_sh):
    cid, sid = _tile_ids()
    row0 = sid * ROWS_PER_TILE

    zvec = jnp.zeros((16,), jnp.float32)

    def zrow(j, _):
      hist_v[pl.ds(j * 16, 16)] = zvec
      return 0

    lax.fori_loop(0, N_ACC // 16, zrow, 0)

    ones16 = jnp.full((16,), 1.0, jnp.float32)

    def outer(ib, _):
      pltpu.sync_copy(dst_hbm.at[sid, pl.ds((cid * nblk + ib) * IB, IB)],
                      dst_v)

      def step(j, _):
        for i in range(CHUNK // 16):
          idx = dst_v[j, pl.ds(i * 16, 16)]
          plsc.addupdate_scatter(hist_v, [idx], ones16)
        return 0

      lax.fori_loop(0, IB, step, 0)
      return 0

    lax.fori_loop(0, nblk, outer, 0)

    pltpu.sync_copy(hist_v, stage_sh.at[sid])
    plsc.subcore_barrier()
    pltpu.sync_copy(stage_sh.at[:, pl.ds(row0, ROWS_PER_TILE)], red_v)

    col0 = jnp.zeros((16,), jnp.int32)
    lanes = lax.iota(jnp.int32, 16)

    def columnize(k, _):
      acc = red_v[0, pl.ds(k * 16, 16)]
      for r in range(1, NS):
        acc = acc + red_v[r, pl.ds(k * 16, 16)]
      plsc.store_scatter(dcol_v, [lanes + k * 16, col0], acc)
      return 0

    lax.fori_loop(0, ROWS_PER_TILE // 16, columnize, 0)

    pltpu.sync_copy(dcol_v, deg_out.at[cid, pl.ds(row0, ROWS_PER_TILE)])

  return pl.kernel(
      body,
      out_type=jax.ShapeDtypeStruct((NC, N_ACC, D), jnp.float32),
      mesh=plsc.VectorSubcoreMesh(**_MESH),
      compiler_params=pltpu.CompilerParams(needs_layout_passes=False),
      scratch_types=scratch,
  )


def _dot_t(x, w):
  return lax.dot_general(x, w, (((1,), (1,)), ((), ())),
                         preferred_element_type=jnp.float32)


BR = 2000


def _sage_block(h, ag_ref, dg_ref, ws_ref, wn_ref, b_ref):
  a = jnp.concatenate([ag_ref[0], ag_ref[1]], axis=1)
  d = dg_ref[0, :, 0:1] + dg_ref[1, :, 0:1]
  d = jnp.maximum(d, 1.0)
  x = _dot_t(h, ws_ref[...]) + _dot_t(a / d, wn_ref[...]) + b_ref[...]
  return jnp.maximum(x, 0.0)


def _layer1_tc(h_ref, ag_ref, dg_ref, ws_ref, wn_ref, b_ref, o_ref):
  x = _sage_block(h_ref[...], ag_ref, dg_ref, ws_ref, wn_ref, b_ref)
  o_ref[0] = x[:, :DH]
  o_ref[1] = x[:, DH:]


def _layer2_head_tc(h_ref, ag_ref, dg_ref, ws_ref, wn_ref, b_ref,
                    wh1_ref, bh1_ref, wh2_ref, bh2_ref, o_ref):
  h = jnp.concatenate([h_ref[0], h_ref[1]], axis=1)
  x = _sage_block(h, ag_ref, dg_ref, ws_ref, wn_ref, b_ref)
  y = jnp.maximum(_dot_t(x, wh1_ref[...]) + bh1_ref[...], 0.0)
  o_ref[...] = _dot_t(y, wh2_ref[...]) + bh2_ref[...]


def _row_spec():
  return pl.BlockSpec((BR, D), lambda i: (i, 0))


def _full_spec(shape):
  nd = len(shape)
  return pl.BlockSpec(shape, lambda i: (0,) * nd)


def _half_spec():
  return pl.BlockSpec((NC, BR, DH), lambda i: (0, i, 0))


def _deg_spec():
  return pl.BlockSpec((NC, BR, D), lambda i: (0, i, 0))


def kernel(node_input, Wself0, Wneigh0, b0, Wself1, Wneigh1, b1,
           Wh1, bh1, Wh2, bh2, edge_index):
  e = edge_index.shape[1]
  ec = 2 * e
  blk = NS * CHUNK * 2 * IB
  steps = 2 * IB * (-(-ec // blk))
  e_pad = steps * NS * CHUNK

  src = jnp.concatenate([edge_index[0], edge_index[1],
                         jnp.zeros((e_pad - ec,), jnp.int32)])
  dst = jnp.concatenate([edge_index[1], edge_index[0],
                         jnp.full((e_pad - ec,), N, jnp.int32)])
  src3 = src.reshape(NS, steps, CHUNK)
  dst3 = dst.reshape(NS, steps, CHUNK)

  h_parts = jnp.stack([node_input[:, :DH], node_input[:, DH:]])

  sc_agg = _make_sc_aggregate(steps)
  sc_deg = _make_sc_degree(steps)

  deg = sc_deg(dst3)
  agg1 = sc_agg(h_parts, src3, dst3)

  b0r = b0.reshape(1, D)
  b1r = b1.reshape(1, D)
  bh1r = bh1.reshape(1, D)
  bh2r = bh2.reshape(1, D)

  h1_parts = pl.pallas_call(
      _layer1_tc,
      grid=(N // BR,),
      in_specs=[_row_spec(), _half_spec(), _deg_spec(),
                _full_spec((D, D)), _full_spec((D, D)), _full_spec((1, D))],
      out_specs=_half_spec(),
      out_shape=jax.ShapeDtypeStruct((NC, N, DH), jnp.float32),
  )(node_input, agg1, deg, Wself0, Wneigh0, b0r)

  agg2 = sc_agg(h1_parts, src3, dst3)

  out = pl.pallas_call(
      _layer2_head_tc,
      grid=(N // BR,),
      in_specs=[_half_spec(), _half_spec(), _deg_spec(),
                _full_spec((D, D)), _full_spec((D, D)), _full_spec((1, D)),
                _full_spec((D, D)), _full_spec((1, D)),
                _full_spec((D, D)), _full_spec((1, D))],
      out_specs=_row_spec(),
      out_shape=jax.ShapeDtypeStruct((N, D), jnp.float32),
  )(h1_parts, agg2, deg, Wself1, Wneigh1, b1r, Wh1, bh1r, Wh2, bh2r)

  return out

# --- scband reference (transcript-rebuilt; emitter-appended) ---
"""Pipeline reference for scband-graph-sagemodel-55490977464426 (READ-ONLY COPY).

The authoritative reference and input builder live on the scoring server;
editing this copy changes nothing except your own understanding.
"""

import jax, jax.numpy as jnp
import numpy as np

N = 10000
E = 320000
D = 128

def setup_inputs(seed: int = 0) -> dict:
    key = jax.random.key(seed)
    ks = jax.random.split(key, 12)
    x = jax.random.normal(ks[0], (N, D), dtype=jnp.float32)
    edge_index = jax.random.randint(ks[1], (2, E), 0, N, dtype=jnp.int32)
    s = 1.0 / np.sqrt(D)
    Wself0 = jax.random.uniform(ks[2], (D, D), minval=-s, maxval=s, dtype=jnp.float32)
    Wneigh0 = jax.random.uniform(ks[3], (D, D), minval=-s, maxval=s, dtype=jnp.float32)
    b0 = jnp.zeros((D,), dtype=jnp.float32)
    Wself1 = jax.random.uniform(ks[4], (D, D), minval=-s, maxval=s, dtype=jnp.float32)
    Wneigh1 = jax.random.uniform(ks[5], (D, D), minval=-s, maxval=s, dtype=jnp.float32)
    b1 = jnp.zeros((D,), dtype=jnp.float32)
    Wh1 = jax.random.uniform(ks[6], (D, D), minval=-s, maxval=s, dtype=jnp.float32)
    bh1 = jax.random.uniform(ks[7], (D,), minval=-s, maxval=s, dtype=jnp.float32)
    Wh2 = jax.random.uniform(ks[8], (D, D), minval=-s, maxval=s, dtype=jnp.float32)
    bh2 = jax.random.uniform(ks[9], (D,), minval=-s, maxval=s, dtype=jnp.float32)
    return {"node_input": x, "Wself0": Wself0, "Wneigh0": Wneigh0, "b0": b0,
            "Wself1": Wself1, "Wneigh1": Wneigh1, "b1": b1,
            "Wh1": Wh1, "bh1": bh1, "Wh2": Wh2, "bh2": bh2,
            "edge_index": edge_index}

def reference(node_input, Wself0, Wneigh0, b0, Wself1, Wneigh1, b1, Wh1, bh1, Wh2, bh2, edge_index):
    # make_bidirectional: concat edges with reversed src/dst
    ei = jnp.concatenate([edge_index, edge_index[::-1, :]], axis=1)
    src, dst = ei[0], ei[1]

    def sage_layer(h, Ws, Wn, b):
        self_term = h @ Ws.T
        agg = jax.ops.segment_sum(h[src], dst, num_segments=N)  # gather + scatter-add
        deg = jax.ops.segment_sum(jnp.ones_like(dst, dtype=h.dtype), dst, num_segments=N)
        deg = jnp.clip(deg, 1.0)[:, None]
        neigh = (agg / deg) @ Wn.T
        return jax.nn.relu(self_term + neigh + b)

    h = sage_layer(node_input, Wself0, Wneigh0, b0)
    h = sage_layer(h, Wself1, Wneigh1, b1)
    h = jax.nn.relu(h @ Wh1.T + bh1)
    out = h @ Wh2.T + bh2
    return out

if __name__ == "__main__":
    import jax
    _d = setup_inputs()
    print(jax.jit(kernel)(*tuple(_d.values())))

</pallas_src>

<mosaic_0001>
#map = affine_map<(d0, d1) -> (0, 0, 0)>
module attributes {stable_mosaic.version = 14 : i64} {
  func.func @body(%arg0: i32, %arg1: i32, %arg2: memref<2x10000x64xf32, #tpu.memory_space<hbm>>, %arg3: memref<16x512x80xi32, #tpu.memory_space<hbm>>, %arg4: memref<16x512x80xi32, #tpu.memory_space<hbm>>, %arg5: memref<2x10240x64xf32, #tpu.memory_space<hbm>>, %arg6: memref<10240x64xf32, #tpu.memory_space<vmem_shared>>, %arg7: memref<16x80xi32, #tpu.memory_space<vmem>>, %arg8: memref<!tpu.dma_semaphore, #tpu.memory_space<semaphore_mem>>, %arg9: memref<!tpu.dma_semaphore, #tpu.memory_space<semaphore_mem>>, %arg10: memref<!tpu.dma_semaphore, #tpu.memory_space<semaphore_mem>>, %arg11: memref<!tpu.dma_semaphore, #tpu.memory_space<semaphore_mem>>, %arg12: memref<10240x64xf32, #tpu.memory_space<vmem_shared>>, %arg13: memref<80x64xf32, #tpu.memory_space<vmem>>, %arg14: memref<80x64xf32, #tpu.memory_space<vmem>>, %arg15: memref<80x64xf32, #tpu.memory_space<vmem>>, %arg16: memref<80x64xf32, #tpu.memory_space<vmem>>, %arg17: memref<!tpu.dma_semaphore, #tpu.memory_space<semaphore_mem>>, %arg18: memref<!tpu.dma_semaphore, #tpu.memory_space<semaphore_mem>>, %arg19: memref<!tpu.dma_semaphore, #tpu.memory_space<semaphore_mem>>, %arg20: memref<!tpu.dma_semaphore, #tpu.memory_space<semaphore_mem>>, %arg21: memref<16x80xi32, #tpu.memory_space<vmem>>) attributes {dimension_semantics = [#tpu.dimension_semantics<core_parallel>, #tpu.dimension_semantics<subcore_parallel>], iteration_bounds = array<i64: 2, 16>, scalar_prefetch = 0 : i64, scratch_operands = 16 : i64, tpu.core_type = #tpu.core_type<sc_vector_subcore>, window_params = [{transform_indices = #map}, {transform_indices = #map}, {transform_indices = #map}, {transform_indices = #map}]} {
    %mul3A = arith.constant 640 : i32
    %mul3A_0 = arith.muli %arg1, %mul3A : i32
    %mul3A_1 = arith.constant 624 : i32
    %mul3A_2 = arith.muli %arg1, %mul3A_1 : i32
    %mul3A_3 = arith.constant 624 : i32
    %mul3A_4 = arith.muli %arg1, %mul3A_3 : i32
    "tpu.region"() ({
      %run_scoped3A = tpu.sem_alloc : memref<!tpu.dma_semaphore, #tpu.memory_space<semaphore_mem>>
      %dma_start3A = arith.constant 0 : i32
      %dma_start3A_35 = tpu.memref_slice %arg12[%mul3A_4, %dma_start3A] : memref<10240x64xf32, #tpu.memory_space<vmem_shared>> -> memref<640x64xf32, #tpu.memory_space<vmem_shared>>
      %dma_start3A_36 = arith.constant 0 : i32
      %dma_start3A_37 = tpu.memref_slice %arg2[%arg0, %mul3A_2, %dma_start3A_36] : memref<2x10000x64xf32, #tpu.memory_space<hbm>> -> memref<1x640x64xf32, #tpu.memory_space<hbm>>
      %dma_start3A_38 = tpu.memref_squeeze %dma_start3A_37 : memref<1x640x64xf32, #tpu.memory_space<hbm>> -> memref<640x64xf32, #tpu.memory_space<hbm>>
      tpu.enqueue_dma source(%dma_start3A_38 : memref<640x64xf32, #tpu.memory_space<hbm>>) target(%dma_start3A_35 : memref<640x64xf32, #tpu.memory_space<vmem_shared>>) target_semaphore(%run_scoped3A : memref<!tpu.dma_semaphore, #tpu.memory_space<semaphore_mem>>)
      %dma_wait3A = arith.constant 0 : i32
      %dma_wait3A_39 = tpu.memref_slice %arg12[%mul3A_4, %dma_wait3A] : memref<10240x64xf32, #tpu.memory_space<vmem_shared>> -> memref<640x64xf32, #tpu.memory_space<vmem_shared>>
      %dma_wait3A_40 = arith.constant 0 : i32
      %dma_wait3A_41 = tpu.memref_slice %arg2[%arg0, %mul3A_2, %dma_wait3A_40] : memref<2x10000x64xf32, #tpu.memory_space<hbm>> -> memref<1x640x64xf32, #tpu.memory_space<hbm>>
      %dma_wait3A_42 = tpu.memref_squeeze %dma_wait3A_41 : memref<1x640x64xf32, #tpu.memory_space<hbm>> -> memref<640x64xf32, #tpu.memory_space<hbm>>
      tpu.wait_dma2 semaphore(%run_scoped3A : memref<!tpu.dma_semaphore, #tpu.memory_space<semaphore_mem>>) src(%dma_wait3A_42 : memref<640x64xf32, #tpu.memory_space<hbm>>) dst(%dma_wait3A_39 : memref<640x64xf32, #tpu.memory_space<vmem_shared>>)
      tpu.yield
    }) : () -> ()
    %broadcast_in_dim3A = arith.constant 0.000000e+00 : f32
    %broadcast_in_dim3A_5 = vector.broadcast %broadcast_in_dim3A : f32 to vector<16xf32>
    %scan3A = arith.constant 0 : i32
    %scan3A_6 = arith.constant 0 : i32
    %scan3A_7 = arith.constant 80 : i32
    %scan3A_8 = arith.addi %scan3A_6, %scan3A_7 : i32
    %scan3A_9 = arith.constant 1 : i32
    %scan3A_10 = scf.for %scan3A_35 = %scan3A_6 to %scan3A_8 step %scan3A_9 iter_args(%scan3A_36 = %scan3A) -> (i32)  : i32 {
      %swap3A = arith.index_cast %scan3A_35 : i32 to index
      %swap3A_37 = arith.constant 0 : index
      %swap3A_38 = tpu.vector_load %arg13[%swap3A, %swap3A_37] {strides = array<i32>} : memref<80x64xf32, #tpu.memory_space<vmem>>, vector<1x16xf32>,
      %swap3A_39 = vector.shape_cast %swap3A_38 : vector<1x16xf32> to vector<16xf32>
      %swap3A_40 = vector.shape_cast %broadcast_in_dim3A_5 : vector<16xf32> to vector<1x16xf32>
      tpu.vector_store %arg13[%swap3A, %swap3A_37], %swap3A_40 {strides = array<i32>} : memref<80x64xf32, #tpu.memory_space<vmem>>, vector<1x16xf32>,
      %swap3A_41 = arith.index_cast %scan3A_35 : i32 to index
      %swap3A_42 = arith.constant 16 : index
      %swap3A_43 = tpu.vector_load %arg13[%swap3A_41, %swap3A_42] {strides = array<i32>} : memref<80x64xf32, #tpu.memory_space<vmem>>, vector<1x16xf32>,
      %swap3A_44 = vector.shape_cast %swap3A_43 : vector<1x16xf32> to vector<16xf32>
      %swap3A_45 = vector.shape_cast %broadcast_in_dim3A_5 : vector<16xf32> to vector<1x16xf32>
      tpu.vector_store %arg13[%swap3A_41, %swap3A_42], %swap3A_45 {strides = array<i32>} : memref<80x64xf32, #tpu.memory_space<vmem>>, vector<1x16xf32>,
      %swap3A_46 = arith.index_cast %scan3A_35 : i32 to index
      %swap3A_47 = arith.constant 32 : index
      %swap3A_48 = tpu.vector_load %arg13[%swap3A_46, %swap3A_47] {strides = array<i32>} : memref<80x64xf32, #tpu.memory_space<vmem>>, vector<1x16xf32>,
      %swap3A_49 = vector.shape_cast %swap3A_48 : vector<1x16xf32> to vector<16xf32>
      %swap3A_50 = vector.shape_cast %broadcast_in_dim3A_5 : vector<16xf32> to vector<1x16xf32>
      tpu.vector_store %arg13[%swap3A_46, %swap3A_47], %swap3A_50 {strides = array<i32>} : memref<80x64xf32, #tpu.memory_space<vmem>>, vector<1x16xf32>,
      %swap3A_51 = arith.index_cast %scan3A_35 : i32 to index
      %swap3A_52 = arith.constant 48 : index
      %swap3A_53 = tpu.vector_load %arg13[%swap3A_51, %swap3A_52] {strides = array<i32>} : memref<80x64xf32, #tpu.memory_space<vmem>>, vector<1x16xf32>,
      %swap3A_54 = vector.shape_cast %swap3A_53 : vector<1x16xf32> to vector<16xf32>
      %swap3A_55 = vector.shape_cast %broadcast_in_dim3A_5 : vector<16xf32> to vector<1x16xf32>
      tpu.vector_store %arg13[%swap3A_51, %swap3A_52], %swap3A_55 {strides = array<i32>} : memref<80x64xf32, #tpu.memory_space<vmem>>, vector<1x16xf32>,
      %scan3A_56 = arith.constant 0 : i32
      scf.yield %scan3A_56 : i32
    }
    %scan3A_11 = arith.constant 80 : i32
    %add3A = arith.constant 0 : i32
    %add3A_12 = arith.addi %mul3A_0, %add3A : i32
    "tpu.region"() ({
      %run_scoped3A = tpu.sem_alloc : memref<!tpu.dma_semaphore, #tpu.memory_space<semaphore_mem>>
      %dma_start3A = arith.constant 0 : i32
      %dma_start3A_35 = tpu.memref_slice %arg6[%add3A_12, %dma_start3A] : memref<10240x64xf32, #tpu.memory_space<vmem_shared>> -> memref<80x64xf32, #tpu.memory_space<vmem_shared>>
      %dma_start3A_36 = arith.constant 0 : i32
      %dma_start3A_37 = tpu.memref_slice %arg6[%add3A_12, %dma_start3A_36] : memref<10240x64xf32, #tpu.memory_space<vmem_shared>> -> memref<80x64xf32, #tpu.memory_space<vmem_shared>>
      tpu.enqueue_dma source(%arg13 : memref<80x64xf32, #tpu.memory_space<vmem>>) target(%dma_start3A_37 : memref<80x64xf32, #tpu.memory_space<vmem_shared>>) target_semaphore(%run_scoped3A : memref<!tpu.dma_semaphore, #tpu.memory_space<semaphore_mem>>)
      %dma_wait3A = arith.constant 0 : i32
      %dma_wait3A_38 = tpu.memref_slice %arg6[%add3A_12, %dma_wait3A] : memref<10240x64xf32, #tpu.memory_space<vmem_shared>> -> memref<80x64xf32, #tpu.memory_space<vmem_shared>>
      %dma_wait3A_39 = arith.constant 0 : i32
      %dma_wait3A_40 = tpu.memref_slice %arg6[%add3A_12, %dma_wait3A_39] : memref<10240x64xf32, #tpu.memory_space<vmem_shared>> -> memref<80x64xf32, #tpu.memory_space<vmem_shared>>
      tpu.wait_dma2 semaphore(%run_scoped3A : memref<!tpu.dma_semaphore, #tpu.memory_space<semaphore_mem>>) src(%arg13 : memref<80x64xf32, #tpu.memory_space<vmem>>) dst(%dma_wait3A_40 : memref<80x64xf32, #tpu.memory_space<vmem_shared>>)
      tpu.yield
    }) : () -> ()
    %add3A_13 = arith.constant 80 : i32
    %add3A_14 = arith.addi %mul3A_0, %add3A_13 : i32
    "tpu.region"() ({
      %run_scoped3A = tpu.sem_alloc : memref<!tpu.dma_semaphore, #tpu.memory_space<semaphore_mem>>
      %dma_start3A = arith.constant 0 : i32
      %dma_start3A_35 = tpu.memref_slice %arg6[%add3A_14, %dma_start3A] : memref<10240x64xf32, #tpu.memory_space<vmem_shared>> -> memref<80x64xf32, #tpu.memory_space<vmem_shared>>
      %dma_start3A_36 = arith.constant 0 : i32
      %dma_start3A_37 = tpu.memref_slice %arg6[%add3A_14, %dma_start3A_36] : memref<10240x64xf32, #tpu.memory_space<vmem_shared>> -> memref<80x64xf32, #tpu.memory_space<vmem_shared>>
      tpu.enqueue_dma source(%arg13 : memref<80x64xf32, #tpu.memory_space<vmem>>) target(%dma_start3A_37 : memref<80x64xf32, #tpu.memory_space<vmem_shared>>) target_semaphore(%run_scoped3A : memref<!tpu.dma_semaphore, #tpu.memory_space<semaphore_mem>>)
      %dma_wait3A = arith.constant 0 : i32
      %dma_wait3A_38 = tpu.memref_slice %arg6[%add3A_14, %dma_wait3A] : memref<10240x64xf32, #tpu.memory_space<vmem_shared>> -> memref<80x64xf32, #tpu.memory_space<vmem_shared>>
      %dma_wait3A_39 = arith.constant 0 : i32
      %dma_wait3A_40 = tpu.memref_slice %arg6[%add3A_14, %dma_wait3A_39] : memref<10240x64xf32, #tpu.memory_space<vmem_shared>> -> memref<80x64xf32, #tpu.memory_space<vmem_shared>>
      tpu.wait_dma2 semaphore(%run_scoped3A : memref<!tpu.dma_semaphore, #tpu.memory_space<semaphore_mem>>) src(%arg13 : memref<80x64xf32, #tpu.memory_space<vmem>>) dst(%dma_wait3A_40 : memref<80x64xf32, #tpu.memory_space<vmem_shared>>)
      tpu.yield
    }) : () -> ()
    %add3A_15 = arith.constant 160 : i32
    %add3A_16 = arith.addi %mul3A_0, %add3A_15 : i32
    "tpu.region"() ({
      %run_scoped3A = tpu.sem_alloc : memref<!tpu.dma_semaphore, #tpu.memory_space<semaphore_mem>>
      %dma_start3A = arith.constant 0 : i32
      %dma_start3A_35 = tpu.memref_slice %arg6[%add3A_16, %dma_start3A] : memref<10240x64xf32, #tpu.memory_space<vmem_shared>> -> memref<80x64xf32, #tpu.memory_space<vmem_shared>>
      %dma_start3A_36 = arith.constant 0 : i32
      %dma_start3A_37 = tpu.memref_slice %arg6[%add3A_16, %dma_start3A_36] : memref<10240x64xf32, #tpu.memory_space<vmem_shared>> -> memref<80x64xf32, #tpu.memory_space<vmem_shared>>
      tpu.enqueue_dma source(%arg13 : memref<80x64xf32, #tpu.memory_space<vmem>>) target(%dma_start3A_37 : memref<80x64xf32, #tpu.memory_space<vmem_shared>>) target_semaphore(%run_scoped3A : memref<!tpu.dma_semaphore, #tpu.memory_space<semaphore_mem>>)
      %dma_wait3A = arith.constant 0 : i32
      %dma_wait3A_38 = tpu.memref_slice %arg6[%add3A_16, %dma_wait3A] : memref<10240x64xf32, #tpu.memory_space<vmem_shared>> -> memref<80x64xf32, #tpu.memory_space<vmem_shared>>
      %dma_wait3A_39 = arith.constant 0 : i32
      %dma_wait3A_40 = tpu.memref_slice %arg6[%add3A_16, %dma_wait3A_39] : memref<10240x64xf32, #tpu.memory_space<vmem_shared>> -> memref<80x64xf32, #tpu.memory_space<vmem_shared>>
      tpu.wait_dma2 semaphore(%run_scoped3A : memref<!tpu.dma_semaphore, #tpu.memory_space<semaphore_mem>>) src(%arg13 : memref<80x64xf32, #tpu.memory_space<vmem>>) dst(%dma_wait3A_40 : memref<80x64xf32, #tpu.memory_space<vmem_shared>>)
      tpu.yield
    }) : () -> ()
    %add3A_17 = arith.constant 240 : i32
    %add3A_18 = arith.addi %mul3A_0, %add3A_17 : i32
    "tpu.region"() ({
      %run_scoped3A = tpu.sem_alloc : memref<!tpu.dma_semaphore, #tpu.memory_space<semaphore_mem>>
      %dma_start3A = arith.constant 0 : i32
      %dma_start3A_35 = tpu.memref_slice %arg6[%add3A_18, %dma_start3A] : memref<10240x64xf32, #tpu.memory_space<vmem_shared>> -> memref<80x64xf32, #tpu.memory_space<vmem_shared>>
      %dma_start3A_36 = arith.constant 0 : i32
      %dma_start3A_37 = tpu.memref_slice %arg6[%add3A_18, %dma_start3A_36] : memref<10240x64xf32, #tpu.memory_space<vmem_shared>> -> memref<80x64xf32, #tpu.memory_space<vmem_shared>>
      tpu.enqueue_dma source(%arg13 : memref<80x64xf32, #tpu.memory_space<vmem>>) target(%dma_start3A_37 : memref<80x64xf32, #tpu.memory_space<vmem_shared>>) target_semaphore(%run_scoped3A : memref<!tpu.dma_semaphore, #tpu.memory_space<semaphore_mem>>)
      %dma_wait3A = arith.constant 0 : i32
      %dma_wait3A_38 = tpu.memref_slice %arg6[%add3A_18, %dma_wait3A] : memref<10240x64xf32, #tpu.memory_space<vmem_shared>> -> memref<80x64xf32, #tpu.memory_space<vmem_shared>>
      %dma_wait3A_39 = arith.constant 0 : i32
      %dma_wait3A_40 = tpu.memref_slice %arg6[%add3A_18, %dma_wait3A_39] : memref<10240x64xf32, #tpu.memory_space<vmem_shared>> -> memref<80x64xf32, #tpu.memory_space<vmem_shared>>
      tpu.wait_dma2 semaphore(%run_scoped3A : memref<!tpu.dma_semaphore, #tpu.memory_space<semaphore_mem>>) src(%arg13 : memref<80x64xf32, #tpu.memory_space<vmem>>) dst(%dma_wait3A_40 : memref<80x64xf32, #tpu.memory_space<vmem_shared>>)
      tpu.yield
    }) : () -> ()
    %add3A_19 = arith.constant 320 : i32
    %add3A_20 = arith.addi %mul3A_0, %add3A_19 : i32
    "tpu.region"() ({
      %run_scoped3A = tpu.sem_alloc : memref<!tpu.dma_semaphore, #tpu.memory_space<semaphore_mem>>
      %dma_start3A = arith.constant 0 : i32
      %dma_start3A_35 = tpu.memref_slice %arg6[%add3A_20, %dma_start3A] : memref<10240x64xf32, #tpu.memory_space<vmem_shared>> -> memref<80x64xf32, #tpu.memory_space<vmem_shared>>
      %dma_start3A_36 = arith.constant 0 : i32
      %dma_start3A_37 = tpu.memref_slice %arg6[%add3A_20, %dma_start3A_36] : memref<10240x64xf32, #tpu.memory_space<vmem_shared>> -> memref<80x64xf32, #tpu.memory_space<vmem_shared>>
      tpu.enqueue_dma source(%arg13 : memref<80x64xf32, #tpu.memory_space<vmem>>) target(%dma_start3A_37 : memref<80x64xf32, #tpu.memory_space<vmem_shared>>) target_semaphore(%run_scoped3A : memref<!tpu.dma_semaphore, #tpu.memory_space<semaphore_mem>>)
      %dma_wait3A = arith.constant 0 : i32
      %dma_wait3A_38 = tpu.memref_slice %arg6[%add3A_20, %dma_wait3A] : memref<10240x64xf32, #tpu.memory_space<vmem_shared>> -> memref<80x64xf32, #tpu.memory_space<vmem_shared>>
      %dma_wait3A_39 = arith.constant 0 : i32
      %dma_wait3A_40 = tpu.memref_slice %arg6[%add3A_20, %dma_wait3A_39] : memref<10240x64xf32, #tpu.memory_space<vmem_shared>> -> memref<80x64xf32, #tpu.memory_space<vmem_shared>>
      tpu.wait_dma2 semaphore(%run_scoped3A : memref<!tpu.dma_semaphore, #tpu.memory_space<semaphore_mem>>) src(%arg13 : memref<80x64xf32, #tpu.memory_space<vmem>>) dst(%dma_wait3A_40 : memref<80x64xf32, #tpu.memory_space<vmem_shared>>)
      tpu.yield
    }) : () -> ()
    %add3A_21 = arith.constant 400 : i32
    %add3A_22 = arith.addi %mul3A_0, %add3A_21 : i32
    "tpu.region"() ({
      %run_scoped3A = tpu.sem_alloc : memref<!tpu.dma_semaphore, #tpu.memory_space<semaphore_mem>>
      %dma_start3A = arith.constant 0 : i32
      %dma_start3A_35 = tpu.memref_slice %arg6[%add3A_22, %dma_start3A] : memref<10240x64xf32, #tpu.memory_space<vmem_shared>> -> memref<80x64xf32, #tpu.memory_space<vmem_shared>>
      %dma_start3A_36 = arith.constant 0 : i32
      %dma_start3A_37 = tpu.memref_slice %arg6[%add3A_22, %dma_start3A_36] : memref<10240x64xf32, #tpu.memory_space<vmem_shared>> -> memref<80x64xf32, #tpu.memory_space<vmem_shared>>
      tpu.enqueue_dma source(%arg13 : memref<80x64xf32, #tpu.memory_space<vmem>>) target(%dma_start3A_37 : memref<80x64xf32, #tpu.memory_space<vmem_shared>>) target_semaphore(%run_scoped3A : memref<!tpu.dma_semaphore, #tpu.memory_space<semaphore_mem>>)
      %dma_wait3A = arith.constant 0 : i32
      %dma_wait3A_38 = tpu.memref_slice %arg6[%add3A_22, %dma_wait3A] : memref<10240x64xf32, #tpu.memory_space<vmem_shared>> -> memref<80x64xf32, #tpu.memory_space<vmem_shared>>
      %dma_wait3A_39 = arith.constant 0 : i32
      %dma_wait3A_40 = tpu.memref_slice %arg6[%add3A_22, %dma_wait3A_39] : memref<10240x64xf32, #tpu.memory_space<vmem_shared>> -> memref<80x64xf32, #tpu.memory_space<vmem_shared>>
      tpu.wait_dma2 semaphore(%run_scoped3A : memref<!tpu.dma_semaphore, #tpu.memory_space<semaphore_mem>>) src(%arg13 : memref<80x64xf32, #tpu.memory_space<vmem>>) dst(%dma_wait3A_40 : memref<80x64xf32, #tpu.memory_space<vmem_shared>>)
      tpu.yield
    }) : () -> ()
    %add3A_23 = arith.constant 480 : i32
    %add3A_24 = arith.addi %mul3A_0, %add3A_23 : i32
    "tpu.region"() ({
      %run_scoped3A = tpu.sem_alloc : memref<!tpu.dma_semaphore, #tpu.memory_space<semaphore_mem>>
      %dma_start3A = arith.constant 0 : i32
      %dma_start3A_35 = tpu.memref_slice %arg6[%add3A_24, %dma_start3A] : memref<10240x64xf32, #tpu.memory_space<vmem_shared>> -> memref<80x64xf32, #tpu.memory_space<vmem_shared>>
      %dma_start3A_36 = arith.constant 0 : i32
      %dma_start3A_37 = tpu.memref_slice %arg6[%add3A_24, %dma_start3A_36] : memref<10240x64xf32, #tpu.memory_space<vmem_shared>> -> memref<80x64xf32, #tpu.memory_space<vmem_shared>>
      tpu.enqueue_dma source(%arg13 : memref<80x64xf32, #tpu.memory_space<vmem>>) target(%dma_start3A_37 : memref<80x64xf32, #tpu.memory_space<vmem_shared>>) target_semaphore(%run_scoped3A : memref<!tpu.dma_semaphore, #tpu.memory_space<semaphore_mem>>)
      %dma_wait3A = arith.constant 0 : i32
      %dma_wait3A_38 = tpu.memref_slice %arg6[%add3A_24, %dma_wait3A] : memref<10240x64xf32, #tpu.memory_space<vmem_shared>> -> memref<80x64xf32, #tpu.memory_space<vmem_shared>>
      %dma_wait3A_39 = arith.constant 0 : i32
      %dma_wait3A_40 = tpu.memref_slice %arg6[%add3A_24, %dma_wait3A_39] : memref<10240x64xf32, #tpu.memory_space<vmem_shared>> -> memref<80x64xf32, #tpu.memory_space<vmem_shared>>
      tpu.wait_dma2 semaphore(%run_scoped3A : memref<!tpu.dma_semaphore, #tpu.memory_space<semaphore_mem>>) src(%arg13 : memref<80x64xf32, #tpu.memory_space<vmem>>) dst(%dma_wait3A_40 : memref<80x64xf32, #tpu.memory_space<vmem_shared>>)
      tpu.yield
    }) : () -> ()
    %add3A_25 = arith.constant 560 : i32
    %add3A_26 = arith.addi %mul3A_0, %add3A_25 : i32
    "tpu.region"() ({
      %run_scoped3A = tpu.sem_alloc : memref<!tpu.dma_semaphore, #tpu.memory_space<semaphore_mem>>
      %dma_start3A = arith.constant 0 : i32
      %dma_start3A_35 = tpu.memref_slice %arg6[%add3A_26, %dma_start3A] : memref<10240x64xf32, #tpu.memory_space<vmem_shared>> -> memref<80x64xf32, #tpu.memory_space<vmem_shared>>
      %dma_start3A_36 = arith.constant 0 : i32
      %dma_start3A_37 = tpu.memref_slice %arg6[%add3A_26, %dma_start3A_36] : memref<10240x64xf32, #tpu.memory_space<vmem_shared>> -> memref<80x64xf32, #tpu.memory_space<vmem_shared>>
      tpu.enqueue_dma source(%arg13 : memref<80x64xf32, #tpu.memory_space<vmem>>) target(%dma_start3A_37 : memref<80x64xf32, #tpu.memory_space<vmem_shared>>) target_semaphore(%run_scoped3A : memref<!tpu.dma_semaphore, #tpu.memory_space<semaphore_mem>>)
      %dma_wait3A = arith.constant 0 : i32
      %dma_wait3A_38 = tpu.memref_slice %arg6[%add3A_26, %dma_wait3A] : memref<10240x64xf32, #tpu.memory_space<vmem_shared>> -> memref<80x64xf32, #tpu.memory_space<vmem_shared>>
      %dma_wait3A_39 = arith.constant 0 : i32
      %dma_wait3A_40 = tpu.memref_slice %arg6[%add3A_26, %dma_wait3A_39] : memref<10240x64xf32, #tpu.memory_space<vmem_shared>> -> memref<80x64xf32, #tpu.memory_space<vmem_shared>>
      tpu.wait_dma2 semaphore(%run_scoped3A : memref<!tpu.dma_semaphore, #tpu.memory_space<semaphore_mem>>) src(%arg13 : memref<80x64xf32, #tpu.memory_space<vmem>>) dst(%dma_wait3A_40 : memref<80x64xf32, #tpu.memory_space<vmem_shared>>)
      tpu.yield
    }) : () -> ()
    %barrier3A = arith.constant 0 : index
    tpu.barrier barrier_id(%barrier3A)
    %scan3A_27 = arith.constant 0 : i32
    %scan3A_28 = arith.constant 0 : i32
    %scan3A_29 = arith.constant 32 : i32
    %scan3A_30 = arith.addi %scan3A_28, %scan3A_29 : i32
    %scan3A_31 = arith.constant 1 : i32
    %scan3A_32 = scf.for %scan3A_35 = %scan3A_28 to %scan3A_30 step %scan3A_31 iter_args(%scan3A_36 = %scan3A_27) -> (i32)  : i32 {
      %mul3A_37 = arith.constant 16 : i32
      %mul3A_38 = arith.muli %scan3A_35, %mul3A_37 : i32
      "tpu.region"() ({
        %run_scoped3A = tpu.sem_alloc : memref<!tpu.dma_semaphore, #tpu.memory_space<semaphore_mem>>
        %dma_start3A = arith.constant 0 : i32
        %dma_start3A_49 = tpu.memref_slice %arg3[%arg1, %mul3A_38, %dma_start3A] : memref<16x512x80xi32, #tpu.memory_space<hbm>> -> memref<1x16x80xi32, #tpu.memory_space<hbm>>
        %dma_start3A_50 = tpu.memref_squeeze %dma_start3A_49 : memref<1x16x80xi32, #tpu.memory_space<hbm>> -> memref<16x80xi32, #tpu.memory_space<hbm>>
        %dma_start3A_51 = arith.constant 0 : i32
        %dma_start3A_52 = tpu.memref_slice %arg3[%arg1, %mul3A_38, %dma_start3A_51] : memref<16x512x80xi32, #tpu.memory_space<hbm>> -> memref<1x16x80xi32, #tpu.memory_space<hbm>>
        %dma_start3A_53 = tpu.memref_squeeze %dma_start3A_52 : memref<1x16x80xi32, #tpu.memory_space<hbm>> -> memref<16x80xi32, #tpu.memory_space<hbm>>
        tpu.enqueue_dma source(%dma_start3A_53 : memref<16x80xi32, #tpu.memory_space<hbm>>) target(%arg21 : memref<16x80xi32, #tpu.memory_space<vmem>>) target_semaphore(%run_scoped3A : memref<!tpu.dma_semaphore, #tpu.memory_space<semaphore_mem>>)
        %dma_wait3A = arith.constant 0 : i32
        %dma_wait3A_54 = tpu.memref_slice %arg3[%arg1, %mul3A_38, %dma_wait3A] : memref<16x512x80xi32, #tpu.memory_space<hbm>> -> memref<1x16x80xi32, #tpu.memory_space<hbm>>
        %dma_wait3A_55 = tpu.memref_squeeze %dma_wait3A_54 : memref<1x16x80xi32, #tpu.memory_space<hbm>> -> memref<16x80xi32, #tpu.memory_space<hbm>>
        %dma_wait3A_56 = arith.constant 0 : i32
        %dma_wait3A_57 = tpu.memref_slice %arg3[%arg1, %mul3A_38, %dma_wait3A_56] : memref<16x512x80xi32, #tpu.memory_space<hbm>> -> memref<1x16x80xi32, #tpu.memory_space<hbm>>
        %dma_wait3A_58 = tpu.memref_squeeze %dma_wait3A_57 : memref<1x16x80xi32, #tpu.memory_space<hbm>> -> memref<16x80xi32, #tpu.memory_space<hbm>>
        tpu.wait_dma2 semaphore(%run_scoped3A : memref<!tpu.dma_semaphore, #tpu.memory_space<semaphore_mem>>) src(%dma_wait3A_58 : memref<16x80xi32, #tpu.memory_space<hbm>>) dst(%arg21 : memref<16x80xi32, #tpu.memory_space<vmem>>)
        tpu.yield
      }) : () -> ()
      %mul3A_39 = arith.constant 16 : i32
      %mul3A_40 = arith.muli %scan3A_35, %mul3A_39 : i32
      "tpu.region"() ({
        %run_scoped3A = tpu.sem_alloc : memref<!tpu.dma_semaphore, #tpu.memory_space<semaphore_mem>>
        %dma_start3A = arith.constant 0 : i32
        %dma_start3A_49 = tpu.memref_slice %arg4[%arg1, %mul3A_40, %dma_start3A] : memref<16x512x80xi32, #tpu.memory_space<hbm>> -> memref<1x16x80xi32, #tpu.memory_space<hbm>>
        %dma_start3A_50 = tpu.memref_squeeze %dma_start3A_49 : memref<1x16x80xi32, #tpu.memory_space<hbm>> -> memref<16x80xi32, #tpu.memory_space<hbm>>
        %dma_start3A_51 = arith.constant 0 : i32
        %dma_start3A_52 = tpu.memref_slice %arg4[%arg1, %mul3A_40, %dma_start3A_51] : memref<16x512x80xi32, #tpu.memory_space<hbm>> -> memref<1x16x80xi32, #tpu.memory_space<hbm>>
        %dma_start3A_53 = tpu.memref_squeeze %dma_start3A_52 : memref<1x16x80xi32, #tpu.memory_space<hbm>> -> memref<16x80xi32, #tpu.memory_space<hbm>>
        tpu.enqueue_dma source(%dma_start3A_53 : memref<16x80xi32, #tpu.memory_space<hbm>>) target(%arg7 : memref<16x80xi32, #tpu.memory_space<vmem>>) target_semaphore(%run_scoped3A : memref<!tpu.dma_semaphore, #tpu.memory_space<semaphore_mem>>)
        %dma_wait3A = arith.constant 0 : i32
        %dma_wait3A_54 = tpu.memref_slice %arg4[%arg1, %mul3A_40, %dma_wait3A] : memref<16x512x80xi32, #tpu.memory_space<hbm>> -> memref<1x16x80xi32, #tpu.memory_space<hbm>>
        %dma_wait3A_55 = tpu.memref_squeeze %dma_wait3A_54 : memref<1x16x80xi32, #tpu.memory_space<hbm>> -> memref<16x80xi32, #tpu.memory_space<hbm>>
        %dma_wait3A_56 = arith.constant 0 : i32
        %dma_wait3A_57 = tpu.memref_slice %arg4[%arg1, %mul3A_40, %dma_wait3A_56] : memref<16x512x80xi32, #tpu.memory_space<hbm>> -> memref<1x16x80xi32, #tpu.memory_space<hbm>>
        %dma_wait3A_58 = tpu.memref_squeeze %dma_wait3A_57 : memref<1x16x80xi32, #tpu.memory_space<hbm>> -> memref<16x80xi32, #tpu.memory_space<hbm>>
        tpu.wait_dma2 semaphore(%run_scoped3A : memref<!tpu.dma_semaphore, #tpu.memory_space<semaphore_mem>>) src(%dma_wait3A_58 : memref<16x80xi32, #tpu.memory_space<hbm>>) dst(%arg7 : memref<16x80xi32, #tpu.memory_space<vmem>>)
        tpu.yield
      }) : () -> ()
      %scan3A_41 = arith.constant 0 : i32
      %scan3A_42 = arith.constant 0 : i32
      %scan3A_43 = arith.constant 4 : i32
      %scan3A_44 = arith.addi %scan3A_42, %scan3A_43 : i32
      %scan3A_45 = arith.constant 1 : i32
      %scan3A_46 = scf.for %scan3A_49 = %scan3A_42 to %scan3A_44 step %scan3A_45 iter_args(%scan3A_50 = %scan3A_41) -> (i32)  : i32 {
        %mul3A_51 = arith.constant 4 : i32
        %mul3A_52 = arith.muli %mul3A_51, %scan3A_49 : i32
        %add3A_53 = arith.constant 0 : i32
        %add3A_54 = arith.addi %mul3A_52, %add3A_53 : i32
        %dma_start3A = arith.constant 0 : i32
        %dma_start3A_55 = tpu.memref_slice %arg21[%add3A_54, %dma_start3A] : memref<16x80xi32, #tpu.memory_space<vmem>> -> memref<1x80xi32, #tpu.memory_space<vmem>>
        %dma_start3A_56 = tpu.memref_squeeze %dma_start3A_55 : memref<1x80xi32, #tpu.memory_space<vmem>> -> memref<80xi32, #tpu.memory_space<vmem>>
        %dma_start3A_57 = arith.constant 0 : i32
        %dma_start3A_58 = arith.constant 0 : i32
        %dma_start3A_59 = tpu.memref_slice %arg12[%dma_start3A_57, %dma_start3A_58] : memref<10240x64xf32, #tpu.memory_space<vmem_shared>> -> memref<10240x64xf32, #tpu.memory_space<vmem_shared>>
        tpu.enqueue_indirect_dma source(%dma_start3A_59 : memref<10240x64xf32, #tpu.memory_space<vmem_shared>>) target(%arg13 : memref<80x64xf32, #tpu.memory_space<vmem>>) offsets(%dma_start3A_56 : memref<80xi32, #tpu.memory_space<vmem>>) semaphore(%arg8 : memref<!tpu.dma_semaphore, #tpu.memory_space<semaphore_mem>>)
        %mul3A_60 = arith.constant 4 : i32
        %mul3A_61 = arith.muli %mul3A_60, %scan3A_49 : i32
        %add3A_62 = arith.constant 1 : i32
        %add3A_63 = arith.addi %mul3A_61, %add3A_62 : i32
        %dma_start3A_64 = arith.constant 0 : i32
        %dma_start3A_65 = tpu.memref_slice %arg21[%add3A_63, %dma_start3A_64] : memref<16x80xi32, #tpu.memory_space<vmem>> -> memref<1x80xi32, #tpu.memory_space<vmem>>
        %dma_start3A_66 = tpu.memref_squeeze %dma_start3A_65 : memref<1x80xi32, #tpu.memory_space<vmem>> -> memref<80xi32, #tpu.memory_space<vmem>>
        %dma_start3A_67 = arith.constant 0 : i32
        %dma_start3A_68 = arith.constant 0 : i32
        %dma_start3A_69 = tpu.memref_slice %arg12[%dma_start3A_67, %dma_start3A_68] : memref<10240x64xf32, #tpu.memory_space<vmem_shared>> -> memref<10240x64xf32, #tpu.memory_space<vmem_shared>>
        tpu.enqueue_indirect_dma source(%dma_start3A_69 : memref<10240x64xf32, #tpu.memory_space<vmem_shared>>) target(%arg14 : memref<80x64xf32, #tpu.memory_space<vmem>>) offsets(%dma_start3A_66 : memref<80xi32, #tpu.memory_space<vmem>>) semaphore(%arg9 : memref<!tpu.dma_semaphore, #tpu.memory_space<semaphore_mem>>)
        %mul3A_70 = arith.constant 4 : i32
        %mul3A_71 = arith.muli %mul3A_70, %scan3A_49 : i32
        %add3A_72 = arith.constant 2 : i32
        %add3A_73 = arith.addi %mul3A_71, %add3A_72 : i32
        %dma_start3A_74 = arith.constant 0 : i32
        %dma_start3A_75 = tpu.memref_slice %arg21[%add3A_73, %dma_start3A_74] : memref<16x80xi32, #tpu.memory_space<vmem>> -> memref<1x80xi32, #tpu.memory_space<vmem>>
        %dma_start3A_76 = tpu.memref_squeeze %dma_start3A_75 : memref<1x80xi32, #tpu.memory_space<vmem>> -> memref<80xi32, #tpu.memory_space<vmem>>
        %dma_start3A_77 = arith.constant 0 : i32
        %dma_start3A_78 = arith.constant 0 : i32
        %dma_start3A_79 = tpu.memref_slice %arg12[%dma_start3A_77, %dma_start3A_78] : memref<10240x64xf32, #tpu.memory_space<vmem_shared>> -> memref<10240x64xf32, #tpu.memory_space<vmem_shared>>
        tpu.enqueue_indirect_dma source(%dma_start3A_79 : memref<10240x64xf32, #tpu.memory_space<vmem_shared>>) target(%arg15 : memref<80x64xf32, #tpu.memory_space<vmem>>) offsets(%dma_start3A_76 : memref<80xi32, #tpu.memory_space<vmem>>) semaphore(%arg10 : memref<!tpu.dma_semaphore, #tpu.memory_space<semaphore_mem>>)
        %mul3A_80 = arith.constant 4 : i32
        %mul3A_81 = arith.muli %mul3A_80, %scan3A_49 : i32
        %add3A_82 = arith.constant 3 : i32
        %add3A_83 = arith.addi %mul3A_81, %add3A_82 : i32
        %dma_start3A_84 = arith.constant 0 : i32
        %dma_start3A_85 = tpu.memref_slice %arg21[%add3A_83, %dma_start3A_84] : memref<16x80xi32, #tpu.memory_space<vmem>> -> memref<1x80xi32, #tpu.memory_space<vmem>>
        %dma_start3A_86 = tpu.memref_squeeze %dma_start3A_85 : memref<1x80xi32, #tpu.memory_space<vmem>> -> memref<80xi32, #tpu.memory_space<vmem>>
        %dma_start3A_87 = arith.constant 0 : i32
        %dma_start3A_88 = arith.constant 0 : i32
        %dma_start3A_89 = tpu.memref_slice %arg12[%dma_start3A_87, %dma_start3A_88] : memref<10240x64xf32, #tpu.memory_space<vmem_shared>> -> memref<10240x64xf32, #tpu.memory_space<vmem_shared>>
        tpu.enqueue_indirect_dma source(%dma_start3A_89 : memref<10240x64xf32, #tpu.memory_space<vmem_shared>>) target(%arg16 : memref<80x64xf32, #tpu.memory_space<vmem>>) offsets(%dma_start3A_86 : memref<80xi32, #tpu.memory_space<vmem>>) semaphore(%arg11 : memref<!tpu.dma_semaphore, #tpu.memory_space<semaphore_mem>>)
        %dma_wait3A = arith.constant 0 : i32
        %dma_wait3A_90 = tpu.memref_slice %arg21[%add3A_54, %dma_wait3A] : memref<16x80xi32, #tpu.memory_space<vmem>> -> memref<1x80xi32, #tpu.memory_space<vmem>>
        %dma_wait3A_91 = tpu.memref_squeeze %dma_wait3A_90 : memref<1x80xi32, #tpu.memory_space<vmem>> -> memref<80xi32, #tpu.memory_space<vmem>>
        %dma_wait3A_92 = arith.constant 0 : i32
        %dma_wait3A_93 = arith.constant 0 : i32
        %dma_wait3A_94 = tpu.memref_slice %arg12[%dma_wait3A_92, %dma_wait3A_93] : memref<10240x64xf32, #tpu.memory_space<vmem_shared>> -> memref<10240x64xf32, #tpu.memory_space<vmem_shared>>
        tpu.wait_indirect_dma semaphore(%arg8 : memref<!tpu.dma_semaphore, #tpu.memory_space<semaphore_mem>>) src(%dma_wait3A_94 : memref<10240x64xf32, #tpu.memory_space<vmem_shared>>) dst(%arg13 : memref<80x64xf32, #tpu.memory_space<vmem>>)
        %mul3A_95 = arith.constant 4 : i32
        %mul3A_96 = arith.muli %mul3A_95, %scan3A_49 : i32
        %add3A_97 = arith.constant 0 : i32
        %add3A_98 = arith.addi %mul3A_96, %add3A_97 : i32
        %dma_start3A_99 = arith.constant 0 : i32
        %dma_start3A_100 = tpu.memref_slice %arg7[%add3A_98, %dma_start3A_99] : memref<16x80xi32, #tpu.memory_space<vmem>> -> memref<1x80xi32, #tpu.memory_space<vmem>>
        %dma_start3A_101 = tpu.memref_squeeze %dma_start3A_100 : memref<1x80xi32, #tpu.memory_space<vmem>> -> memref<80xi32, #tpu.memory_space<vmem>>
        %dma_start3A_102 = arith.constant 0 : i32
        %dma_start3A_103 = arith.constant 0 : i32
        %dma_start3A_104 = tpu.memref_slice %arg6[%dma_start3A_102, %dma_start3A_103] : memref<10240x64xf32, #tpu.memory_space<vmem_shared>> -> memref<10240x64xf32, #tpu.memory_space<vmem_shared>>
        tpu.enqueue_indirect_dma source(%arg13 : memref<80x64xf32, #tpu.memory_space<vmem>>) target(%dma_start3A_104 : memref<10240x64xf32, #tpu.memory_space<vmem_shared>>) offsets(%dma_start3A_101 : memref<80xi32, #tpu.memory_space<vmem>>) semaphore(%arg17 : memref<!tpu.dma_semaphore, #tpu.memory_space<semaphore_mem>>) {add = true}
        %dma_wait3A_105 = arith.constant 0 : i32
        %dma_wait3A_106 = tpu.memref_slice %arg21[%add3A_63, %dma_wait3A_105] : memref<16x80xi32, #tpu.memory_space<vmem>> -> memref<1x80xi32, #tpu.memory_space<vmem>>
        %dma_wait3A_107 = tpu.memref_squeeze %dma_wait3A_106 : memref<1x80xi32, #tpu.memory_space<vmem>> -> memref<80xi32, #tpu.memory_space<vmem>>
        %dma_wait3A_108 = arith.constant 0 : i32
        %dma_wait3A_109 = arith.constant 0 : i32
        %dma_wait3A_110 = tpu.memref_slice %arg12[%dma_wait3A_108, %dma_wait3A_109] : memref<10240x64xf32, #tpu.memory_space<vmem_shared>> -> memref<10240x64xf32, #tpu.memory_space<vmem_shared>>
        tpu.wait_indirect_dma semaphore(%arg9 : memref<!tpu.dma_semaphore, #tpu.memory_space<semaphore_mem>>) src(%dma_wait3A_110 : memref<10240x64xf32, #tpu.memory_space<vmem_shared>>) dst(%arg14 : memref<80x64xf32, #tpu.memory_space<vmem>>)
        %mul3A_111 = arith.constant 4 : i32
        %mul3A_112 = arith.muli %mul3A_111, %scan3A_49 : i32
        %add3A_113 = arith.constant 1 : i32
        %add3A_114 = arith.addi %mul3A_112, %add3A_113 : i32
        %dma_start3A_115 = arith.constant 0 : i32
        %dma_start3A_116 = tpu.memref_slice %arg7[%add3A_114, %dma_start3A_115] : memref<16x80xi32, #tpu.memory_space<vmem>> -> memref<1x80xi32, #tpu.memory_space<vmem>>
        %dma_start3A_117 = tpu.memref_squeeze %dma_start3A_116 : memref<1x80xi32, #tpu.memory_space<vmem>> -> memref<80xi32, #tpu.memory_space<vmem>>
        %dma_start3A_118 = arith.constant 0 : i32
        %dma_start3A_119 = arith.constant 0 : i32
        %dma_start3A_120 = tpu.memref_slice %arg6[%dma_start3A_118, %dma_start3A_119] : memref<10240x64xf32, #tpu.memory_space<vmem_shared>> -> memref<10240x64xf32, #tpu.memory_space<vmem_shared>>
        tpu.enqueue_indirect_dma source(%arg14 : memref<80x64xf32, #tpu.memory_space<vmem>>) target(%dma_start3A_120 : memref<10240x64xf32, #tpu.memory_space<vmem_shared>>) offsets(%dma_start3A_117 : memref<80xi32, #tpu.memory_space<vmem>>) semaphore(%arg18 : memref<!tpu.dma_semaphore, #tpu.memory_space<semaphore_mem>>) {add = true}
        %dma_wait3A_121 = arith.constant 0 : i32
        %dma_wait3A_122 = tpu.memref_slice %arg21[%add3A_73, %dma_wait3A_121] : memref<16x80xi32, #tpu.memory_space<vmem>> -> memref<1x80xi32, #tpu.memory_space<vmem>>
        %dma_wait3A_123 = tpu.memref_squeeze %dma_wait3A_122 : memref<1x80xi32, #tpu.memory_space<vmem>> -> memref<80xi32, #tpu.memory_space<vmem>>
        %dma_wait3A_124 = arith.constant 0 : i32
        %dma_wait3A_125 = arith.constant 0 : i32
        %dma_wait3A_126 = tpu.memref_slice %arg12[%dma_wait3A_124, %dma_wait3A_125] : memref<10240x64xf32, #tpu.memory_space<vmem_shared>> -> memref<10240x64xf32, #tpu.memory_space<vmem_shared>>
        tpu.wait_indirect_dma semaphore(%arg10 : memref<!tpu.dma_semaphore, #tpu.memory_space<semaphore_mem>>) src(%dma_wait3A_126 : memref<10240x64xf32, #tpu.memory_space<vmem_shared>>) dst(%arg15 : memref<80x64xf32, #tpu.memory_space<vmem>>)
        %mul3A_127 = arith.constant 4 : i32
        %mul3A_128 = arith.muli %mul3A_127, %scan3A_49 : i32
        %add3A_129 = arith.constant 2 : i32
        %add3A_130 = arith.addi %mul3A_128, %add3A_129 : i32
        %dma_start3A_131 = arith.constant 0 : i32
        %dma_start3A_132 = tpu.memref_slice %arg7[%add3A_130, %dma_start3A_131] : memref<16x80xi32, #tpu.memory_space<vmem>> -> memref<1x80xi32, #tpu.memory_space<vmem>>
        %dma_start3A_133 = tpu.memref_squeeze %dma_start3A_132 : memref<1x80xi32, #tpu.memory_space<vmem>> -> memref<80xi32, #tpu.memory_space<vmem>>
        %dma_start3A_134 = arith.constant 0 : i32
        %dma_start3A_135 = arith.constant 0 : i32
        %dma_start3A_136 = tpu.memref_slice %arg6[%dma_start3A_134, %dma_start3A_135] : memref<10240x64xf32, #tpu.memory_space<vmem_shared>> -> memref<10240x64xf32, #tpu.memory_space<vmem_shared>>
        tpu.enqueue_indirect_dma source(%arg15 : memref<80x64xf32, #tpu.memory_space<vmem>>) target(%dma_start3A_136 : memref<10240x64xf32, #tpu.memory_space<vmem_shared>>) offsets(%dma_start3A_133 : memref<80xi32, #tpu.memory_space<vmem>>) semaphore(%arg19 : memref<!tpu.dma_semaphore, #tpu.memory_space<semaphore_mem>>) {add = true}
        %dma_wait3A_137 = arith.constant 0 : i32
        %dma_wait3A_138 = tpu.memref_slice %arg21[%add3A_83, %dma_wait3A_137] : memref<16x80xi32, #tpu.memory_space<vmem>> -> memref<1x80xi32, #tpu.memory_space<vmem>>
        %dma_wait3A_139 = tpu.memref_squeeze %dma_wait3A_138 : memref<1x80xi32, #tpu.memory_space<vmem>> -> memref<80xi32, #tpu.memory_space<vmem>>
        %dma_wait3A_140 = arith.constant 0 : i32
        %dma_wait3A_141 = arith.constant 0 : i32
        %dma_wait3A_142 = tpu.memref_slice %arg12[%dma_wait3A_140, %dma_wait3A_141] : memref<10240x64xf32, #tpu.memory_space<vmem_shared>> -> memref<10240x64xf32, #tpu.memory_space<vmem_shared>>
        tpu.wait_indirect_dma semaphore(%arg11 : memref<!tpu.dma_semaphore, #tpu.memory_space<semaphore_mem>>) src(%dma_wait3A_142 : memref<10240x64xf32, #tpu.memory_space<vmem_shared>>) dst(%arg16 : memref<80x64xf32, #tpu.memory_space<vmem>>)
        %mul3A_143 = arith.constant 4 : i32
        %mul3A_144 = arith.muli %mul3A_143, %scan3A_49 : i32
        %add3A_145 = arith.constant 3 : i32
        %add3A_146 = arith.addi %mul3A_144, %add3A_145 : i32
        %dma_start3A_147 = arith.constant 0 : i32
        %dma_start3A_148 = tpu.memref_slice %arg7[%add3A_146, %dma_start3A_147] : memref<16x80xi32, #tpu.memory_space<vmem>> -> memref<1x80xi32, #tpu.memory_space<vmem>>
        %dma_start3A_149 = tpu.memref_squeeze %dma_start3A_148 : memref<1x80xi32, #tpu.memory_space<vmem>> -> memref<80xi32, #tpu.memory_space<vmem>>
        %dma_start3A_150 = arith.constant 0 : i32
        %dma_start3A_151 = arith.constant 0 : i32
        %dma_start3A_152 = tpu.memref_slice %arg6[%dma_start3A_150, %dma_start3A_151] : memref<10240x64xf32, #tpu.memory_space<vmem_shared>> -> memref<10240x64xf32, #tpu.memory_space<vmem_shared>>
        tpu.enqueue_indirect_dma source(%arg16 : memref<80x64xf32, #tpu.memory_space<vmem>>) target(%dma_start3A_152 : memref<10240x64xf32, #tpu.memory_space<vmem_shared>>) offsets(%dma_start3A_149 : memref<80xi32, #tpu.memory_space<vmem>>) semaphore(%arg20 : memref<!tpu.dma_semaphore, #tpu.memory_space<semaphore_mem>>) {add = true}
        %dma_wait3A_153 = arith.constant 0 : i32
        %dma_wait3A_154 = tpu.memref_slice %arg7[%add3A_98, %dma_wait3A_153] : memref<16x80xi32, #tpu.memory_space<vmem>> -> memref<1x80xi32, #tpu.memory_space<vmem>>
        %dma_wait3A_155 = tpu.memref_squeeze %dma_wait3A_154 : memref<1x80xi32, #tpu.memory_space<vmem>> -> memref<80xi32, #tpu.memory_space<vmem>>
        %dma_wait3A_156 = arith.constant 0 : i32
        %dma_wait3A_157 = arith.constant 0 : i32
        %dma_wait3A_158 = tpu.memref_slice %arg6[%dma_wait3A_156, %dma_wait3A_157] : memref<10240x64xf32, #tpu.memory_space<vmem_shared>> -> memref<10240x64xf32, #tpu.memory_space<vmem_shared>>
        tpu.wait_indirect_dma semaphore(%arg17 : memref<!tpu.dma_semaphore, #tpu.memory_space<semaphore_mem>>) src(%arg13 : memref<80x64xf32, #tpu.memory_space<vmem>>) dst(%dma_wait3A_158 : memref<10240x64xf32, #tpu.memory_space<vmem_shared>>)
        %dma_wait3A_159 = arith.constant 0 : i32
        %dma_wait3A_160 = tpu.memref_slice %arg7[%add3A_114, %dma_wait3A_159] : memref<16x80xi32, #tpu.memory_space<vmem>> -> memref<1x80xi32, #tpu.memory_space<vmem>>
        %dma_wait3A_161 = tpu.memref_squeeze %dma_wait3A_160 : memref<1x80xi32, #tpu.memory_space<vmem>> -> memref<80xi32, #tpu.memory_space<vmem>>
        %dma_wait3A_162 = arith.constant 0 : i32
        %dma_wait3A_163 = arith.constant 0 : i32
        %dma_wait3A_164 = tpu.memref_slice %arg6[%dma_wait3A_162, %dma_wait3A_163] : memref<10240x64xf32, #tpu.memory_space<vmem_shared>> -> memref<10240x64xf32, #tpu.memory_space<vmem_shared>>
        tpu.wait_indirect_dma semaphore(%arg18 : memref<!tpu.dma_semaphore, #tpu.memory_space<semaphore_mem>>) src(%arg14 : memref<80x64xf32, #tpu.memory_space<vmem>>) dst(%dma_wait3A_164 : memref<10240x64xf32, #tpu.memory_space<vmem_shared>>)
        %dma_wait3A_165 = arith.constant 0 : i32
        %dma_wait3A_166 = tpu.memref_slice %arg7[%add3A_130, %dma_wait3A_165] : memref<16x80xi32, #tpu.memory_space<vmem>> -> memref<1x80xi32, #tpu.memory_space<vmem>>
        %dma_wait3A_167 = tpu.memref_squeeze %dma_wait3A_166 : memref<1x80xi32, #tpu.memory_space<vmem>> -> memref<80xi32, #tpu.memory_space<vmem>>
        %dma_wait3A_168 = arith.constant 0 : i32
        %dma_wait3A_169 = arith.constant 0 : i32
        %dma_wait3A_170 = tpu.memref_slice %arg6[%dma_wait3A_168, %dma_wait3A_169] : memref<10240x64xf32, #tpu.memory_space<vmem_shared>> -> memref<10240x64xf32, #tpu.memory_space<vmem_shared>>
        tpu.wait_indirect_dma semaphore(%arg19 : memref<!tpu.dma_semaphore, #tpu.memory_space<semaphore_mem>>) src(%arg15 : memref<80x64xf32, #tpu.memory_space<vmem>>) dst(%dma_wait3A_170 : memref<10240x64xf32, #tpu.memory_space<vmem_shared>>)
        %dma_wait3A_171 = arith.constant 0 : i32
        %dma_wait3A_172 = tpu.memref_slice %arg7[%add3A_146, %dma_wait3A_171] : memref<16x80xi32, #tpu.memory_space<vmem>> -> memref<1x80xi32, #tpu.memory_space<vmem>>
        %dma_wait3A_173 = tpu.memref_squeeze %dma_wait3A_172 : memref<1x80xi32, #tpu.memory_space<vmem>> -> memref<80xi32, #tpu.memory_space<vmem>>
        %dma_wait3A_174 = arith.constant 0 : i32
        %dma_wait3A_175 = arith.constant 0 : i32
        %dma_wait3A_176 = tpu.memref_slice %arg6[%dma_wait3A_174, %dma_wait3A_175] : memref<10240x64xf32, #tpu.memory_space<vmem_shared>> -> memref<10240x64xf32, #tpu.memory_space<vmem_shared>>
        tpu.wait_indirect_dma semaphore(%arg20 : memref<!tpu.dma_semaphore, #tpu.memory_space<semaphore_mem>>) src(%arg16 : memref<80x64xf32, #tpu.memory_space<vmem>>) dst(%dma_wait3A_176 : memref<10240x64xf32, #tpu.memory_space<vmem_shared>>)
        %scan3A_177 = arith.constant 0 : i32
        scf.yield %scan3A_177 : i32
      }
      %scan3A_47 = arith.constant 4 : i32
      %scan3A_48 = arith.constant 0 : i32
      scf.yield %scan3A_48 : i32
    }
    %scan3A_33 = arith.constant 32 : i32
    %barrier3A_34 = arith.constant 0 : index
    tpu.barrier barrier_id(%barrier3A_34)
    "tpu.region"() ({
      %run_scoped3A = tpu.sem_alloc : memref<!tpu.dma_semaphore, #tpu.memory_space<semaphore_mem>>
      %dma_start3A = arith.constant 0 : i32
      %dma_start3A_35 = tpu.memref_slice %arg5[%arg0, %mul3A_0, %dma_start3A] : memref<2x10240x64xf32, #tpu.memory_space<hbm>> -> memref<1x640x64xf32, #tpu.memory_space<hbm>>
      %dma_start3A_36 = tpu.memref_squeeze %dma_start3A_35 : memref<1x640x64xf32, #tpu.memory_space<hbm>> -> memref<640x64xf32, #tpu.memory_space<hbm>>
      %dma_start3A_37 = arith.constant 0 : i32
      %dma_start3A_38 = tpu.memref_slice %arg6[%mul3A_0, %dma_start3A_37] : memref<10240x64xf32, #tpu.memory_space<vmem_shared>> -> memref<640x64xf32, #tpu.memory_space<vmem_shared>>
      tpu.enqueue_dma source(%dma_start3A_38 : memref<640x64xf32, #tpu.memory_space<vmem_shared>>) target(%dma_start3A_36 : memref<640x64xf32, #tpu.memory_space<hbm>>) target_semaphore(%run_scoped3A : memref<!tpu.dma_semaphore, #tpu.memory_space<semaphore_mem>>)
      %dma_wait3A = arith.constant 0 : i32
      %dma_wait3A_39 = tpu.memref_slice %arg5[%arg0, %mul3A_0, %dma_wait3A] : memref<2x10240x64xf32, #tpu.memory_space<hbm>> -> memref<1x640x64xf32, #tpu.memory_space<hbm>>
      %dma_wait3A_40 = tpu.memref_squeeze %dma_wait3A_39 : memref<1x640x64xf32, #tpu.memory_space<hbm>> -> memref<640x64xf32, #tpu.memory_space<hbm>>
      %dma_wait3A_41 = arith.constant 0 : i32
      %dma_wait3A_42 = tpu.memref_slice %arg6[%mul3A_0, %dma_wait3A_41] : memref<10240x64xf32, #tpu.memory_space<vmem_shared>> -> memref<640x64xf32, #tpu.memory_space<vmem_shared>>
      tpu.wait_dma2 semaphore(%run_scoped3A : memref<!tpu.dma_semaphore, #tpu.memory_space<semaphore_mem>>) src(%dma_wait3A_42 : memref<640x64xf32, #tpu.memory_space<vmem_shared>>) dst(%dma_wait3A_40 : memref<640x64xf32, #tpu.memory_space<hbm>>)
      tpu.yield
    }) : () -> ()
    return
  }
}

#map = affine_map<(d0, d1) -> (0, 0, 0)>
module attributes {stable_mosaic.version = 14 : i64} {
  func.func @body(%arg0: i32, %arg1: i32, %arg2: memref<16x512x80xi32, #tpu.memory_space<hbm>>, %arg3: memref<2x10240x128xf32, #tpu.memory_space<hbm>>, %arg4: memref<640x128xf32, #tpu.memory_space<vmem>>, %arg5: memref<16x80xi32, #tpu.memory_space<vmem>>, %arg6: memref<10240xf32, #tpu.memory_space<vmem>>, %arg7: memref<16x640xf32, #tpu.memory_space<vmem>>, %arg8: memref<16x10240xf32, #tpu.memory_space<vmem_shared>>) attributes {dimension_semantics = [#tpu.dimension_semantics<core_parallel>, #tpu.dimension_semantics<subcore_parallel>], iteration_bounds = array<i64: 2, 16>, scalar_prefetch = 0 : i64, scratch_operands = 5 : i64, tpu.core_type = #tpu.core_type<sc_vector_subcore>, window_params = [{transform_indices = #map}, {transform_indices = #map}]} {
    %mul3A = arith.constant 640 : i32
    %mul3A_0 = arith.muli %arg1, %mul3A : i32
    %broadcast_in_dim3A = arith.constant 0.000000e+00 : f32
    %broadcast_in_dim3A_1 = vector.broadcast %broadcast_in_dim3A : f32 to vector<16xf32>
    %scan3A = arith.constant 0 : i32
    %scan3A_2 = arith.constant 0 : i32
    %scan3A_3 = arith.constant 640 : i32
    %scan3A_4 = arith.addi %scan3A_2, %scan3A_3 : i32
    %scan3A_5 = arith.constant 1 : i32
    %scan3A_6 = scf.for %scan3A_26 = %scan3A_2 to %scan3A_4 step %scan3A_5 iter_args(%scan3A_27 = %scan3A) -> (i32)  : i32 {
      %mul3A_28 = arith.constant 16 : i32
      %mul3A_29 = arith.muli %scan3A_26, %mul3A_28 : i32
      %swap3A = arith.index_cast %mul3A_29 : i32 to index
      %swap3A_30 = tpu.vector_load %arg6[%swap3A] {strides = array<i32>} : memref<10240xf32, #tpu.memory_space<vmem>>, vector<16xf32>,
      tpu.vector_store %arg6[%swap3A], %broadcast_in_dim3A_1 {strides = array<i32>} : memref<10240xf32, #tpu.memory_space<vmem>>, vector<16xf32>,
      %scan3A_31 = arith.constant 0 : i32
      scf.yield %scan3A_31 : i32
    }
    %scan3A_7 = arith.constant 640 : i32
    %broadcast_in_dim3A_8 = arith.constant 1.000000e+00 : f32
    %broadcast_in_dim3A_9 = vector.broadcast %broadcast_in_dim3A_8 : f32 to vector<16xf32>
    %scan3A_10 = arith.constant 0 : i32
    %scan3A_11 = arith.constant 0 : i32
    %scan3A_12 = arith.constant 16 : i32
    %scan3A_13 = arith.addi %scan3A_11, %scan3A_12 : i32
    %scan3A_14 = arith.constant 1 : i32
    %scan3A_15 = scf.for %scan3A_26 = %scan3A_11 to %scan3A_13 step %scan3A_14 iter_args(%scan3A_27 = %scan3A_10) -> (i32)  : i32 {
      %mul3A_28 = arith.constant 16 : i32
      %mul3A_29 = arith.muli %arg0, %mul3A_28 : i32
      %add3A = arith.addi %mul3A_29, %scan3A_26 : i32
      %mul3A_30 = arith.constant 16 : i32
      %mul3A_31 = arith.muli %add3A, %mul3A_30 : i32
      "tpu.region"() ({
        %run_scoped3A = tpu.sem_alloc : memref<!tpu.dma_semaphore, #tpu.memory_space<semaphore_mem>>
        %dma_start3A = arith.constant 0 : i32
        %dma_start3A_40 = tpu.memref_slice %arg2[%arg1, %mul3A_31, %dma_start3A] : memref<16x512x80xi32, #tpu.memory_space<hbm>> -> memref<1x16x80xi32, #tpu.memory_space<hbm>>
        %dma_start3A_41 = tpu.memref_squeeze %dma_start3A_40 : memref<1x16x80xi32, #tpu.memory_space<hbm>> -> memref<16x80xi32, #tpu.memory_space<hbm>>
        %dma_start3A_42 = arith.constant 0 : i32
        %dma_start3A_43 = tpu.memref_slice %arg2[%arg1, %mul3A_31, %dma_start3A_42] : memref<16x512x80xi32, #tpu.memory_space<hbm>> -> memref<1x16x80xi32, #tpu.memory_space<hbm>>
        %dma_start3A_44 = tpu.memref_squeeze %dma_start3A_43 : memref<1x16x80xi32, #tpu.memory_space<hbm>> -> memref<16x80xi32, #tpu.memory_space<hbm>>
        tpu.enqueue_dma source(%dma_start3A_44 : memref<16x80xi32, #tpu.memory_space<hbm>>) target(%arg5 : memref<16x80xi32, #tpu.memory_space<vmem>>) target_semaphore(%run_scoped3A : memref<!tpu.dma_semaphore, #tpu.memory_space<semaphore_mem>>)
        %dma_wait3A = arith.constant 0 : i32
        %dma_wait3A_45 = tpu.memref_slice %arg2[%arg1, %mul3A_31, %dma_wait3A] : memref<16x512x80xi32, #tpu.memory_space<hbm>> -> memref<1x16x80xi32, #tpu.memory_space<hbm>>
        %dma_wait3A_46 = tpu.memref_squeeze %dma_wait3A_45 : memref<1x16x80xi32, #tpu.memory_space<hbm>> -> memref<16x80xi32, #tpu.memory_space<hbm>>
        %dma_wait3A_47 = arith.constant 0 : i32
        %dma_wait3A_48 = tpu.memref_slice %arg2[%arg1, %mul3A_31, %dma_wait3A_47] : memref<16x512x80xi32, #tpu.memory_space<hbm>> -> memref<1x16x80xi32, #tpu.memory_space<hbm>>
        %dma_wait3A_49 = tpu.memref_squeeze %dma_wait3A_48 : memref<1x16x80xi32, #tpu.memory_space<hbm>> -> memref<16x80xi32, #tpu.memory_space<hbm>>
        tpu.wait_dma2 semaphore(%run_scoped3A : memref<!tpu.dma_semaphore, #tpu.memory_space<semaphore_mem>>) src(%dma_wait3A_49 : memref<16x80xi32, #tpu.memory_space<hbm>>) dst(%arg5 : memref<16x80xi32, #tpu.memory_space<vmem>>)
        tpu.yield
      }) : () -> ()
      %scan3A_32 = arith.constant 0 : i32
      %scan3A_33 = arith.constant 0 : i32
      %scan3A_34 = arith.constant 16 : i32
      %scan3A_35 = arith.addi %scan3A_33, %scan3A_34 : i32
      %scan3A_36 = arith.constant 1 : i32
      %scan3A_37 = scf.for %scan3A_40 = %scan3A_33 to %scan3A_35 step %scan3A_36 iter_args(%scan3A_41 = %scan3A_32) -> (i32)  : i32 {
        %get3A = arith.index_cast %scan3A_40 : i32 to index
        %get3A_42 = arith.constant 0 : index
        %get3A_43 = tpu.vector_load %arg5[%get3A, %get3A_42] {strides = array<i32>} : memref<16x80xi32, #tpu.memory_space<vmem>>, vector<16xi32>,
        tpu.vector_store_idx %arg6[%get3A_43], %broadcast_in_dim3A_9 {add = true} : memref<10240xf32, #tpu.memory_space<vmem>>[vector<16xi32>], vector<16xf32>,
        %get3A_44 = arith.index_cast %scan3A_40 : i32 to index
        %get3A_45 = arith.constant 16 : index
        %get3A_46 = tpu.vector_load %arg5[%get3A_44, %get3A_45] {strides = array<i32>} : memref<16x80xi32, #tpu.memory_space<vmem>>, vector<16xi32>,
        tpu.vector_store_idx %arg6[%get3A_46], %broadcast_in_dim3A_9 {add = true} : memref<10240xf32, #tpu.memory_space<vmem>>[vector<16xi32>], vector<16xf32>,
        %get3A_47 = arith.index_cast %scan3A_40 : i32 to index
        %get3A_48 = arith.constant 32 : index
        %get3A_49 = tpu.vector_load %arg5[%get3A_47, %get3A_48] {strides = array<i32>} : memref<16x80xi32, #tpu.memory_space<vmem>>, vector<16xi32>,
        tpu.vector_store_idx %arg6[%get3A_49], %broadcast_in_dim3A_9 {add = true} : memref<10240xf32, #tpu.memory_space<vmem>>[vector<16xi32>], vector<16xf32>,
        %get3A_50 = arith.index_cast %scan3A_40 : i32 to index
        %get3A_51 = arith.constant 48 : index
        %get3A_52 = tpu.vector_load %arg5[%get3A_50, %get3A_51] {strides = array<i32>} : memref<16x80xi32, #tpu.memory_space<vmem>>, vector<16xi32>,
        tpu.vector_store_idx %arg6[%get3A_52], %broadcast_in_dim3A_9 {add = true} : memref<10240xf32, #tpu.memory_space<vmem>>[vector<16xi32>], vector<16xf32>,
        %get3A_53 = arith.index_cast %scan3A_40 : i32 to index
        %get3A_54 = arith.constant 64 : index
        %get3A_55 = tpu.vector_load %arg5[%get3A_53, %get3A_54] {strides = array<i32>} : memref<16x80xi32, #tpu.memory_space<vmem>>, vector<16xi32>,
        tpu.vector_store_idx %arg6[%get3A_55], %broadcast_in_dim3A_9 {add = true} : memref<10240xf32, #tpu.memory_space<vmem>>[vector<16xi32>], vector<16xf32>,
        %scan3A_56 = arith.constant 0 : i32
        scf.yield %scan3A_56 : i32
      }
      %scan3A_38 = arith.constant 16 : i32
      %scan3A_39 = arith.constant 0 : i32
      scf.yield %scan3A_39 : i32
    }
    %scan3A_16 = arith.constant 16 : i32
    "tpu.region"() ({
      %run_scoped3A = tpu.sem_alloc : memref<!tpu.dma_semaphore, #tpu.memory_space<semaphore_mem>>
      %dma_start3A = arith.constant 0 : i32
      %dma_start3A_26 = tpu.memref_slice %arg8[%arg1, %dma_start3A] : memref<16x10240xf32, #tpu.memory_space<vmem_shared>> -> memref<1x10240xf32, #tpu.memory_space<vmem_shared>>
      %dma_start3A_27 = tpu.memref_squeeze %dma_start3A_26 : memref<1x10240xf32, #tpu.memory_space<vmem_shared>> -> memref<10240xf32, #tpu.memory_space<vmem_shared>>
      %dma_start3A_28 = arith.constant 0 : i32
      %dma_start3A_29 = tpu.memref_slice %arg8[%arg1, %dma_start3A_28] : memref<16x10240xf32, #tpu.memory_space<vmem_shared>> -> memref<1x10240xf32, #tpu.memory_space<vmem_shared>>
      %dma_start3A_30 = tpu.memref_squeeze %dma_start3A_29 : memref<1x10240xf32, #tpu.memory_space<vmem_shared>> -> memref<10240xf32, #tpu.memory_space<vmem_shared>>
      tpu.enqueue_dma source(%arg6 : memref<10240xf32, #tpu.memory_space<vmem>>) target(%dma_start3A_30 : memref<10240xf32, #tpu.memory_space<vmem_shared>>) target_semaphore(%run_scoped3A : memref<!tpu.dma_semaphore, #tpu.memory_space<semaphore_mem>>)
      %dma_wait3A = arith.constant 0 : i32
      %dma_wait3A_31 = tpu.memref_slice %arg8[%arg1, %dma_wait3A] : memref<16x10240xf32, #tpu.memory_space<vmem_shared>> -> memref<1x10240xf32, #tpu.memory_space<vmem_shared>>
      %dma_wait3A_32 = tpu.memref_squeeze %dma_wait3A_31 : memref<1x10240xf32, #tpu.memory_space<vmem_shared>> -> memref<10240xf32, #tpu.memory_space<vmem_shared>>
      %dma_wait3A_33 = arith.constant 0 : i32
      %dma_wait3A_34 = tpu.memref_slice %arg8[%arg1, %dma_wait3A_33] : memref<16x10240xf32, #tpu.memory_space<vmem_shared>> -> memref<1x10240xf32, #tpu.memory_space<vmem_shared>>
      %dma_wait3A_35 = tpu.memref_squeeze %dma_wait3A_34 : memref<1x10240xf32, #tpu.memory_space<vmem_shared>> -> memref<10240xf32, #tpu.memory_space<vmem_shared>>
      tpu.wait_dma2 semaphore(%run_scoped3A : memref<!tpu.dma_semaphore, #tpu.memory_space<semaphore_mem>>) src(%arg6 : memref<10240xf32, #tpu.memory_space<vmem>>) dst(%dma_wait3A_35 : memref<10240xf32, #tpu.memory_space<vmem_shared>>)
      tpu.yield
    }) : () -> ()
    %barrier3A = arith.constant 0 : index
    tpu.barrier barrier_id(%barrier3A)
    "tpu.region"() ({
      %run_scoped3A = tpu.sem_alloc : memref<!tpu.dma_semaphore, #tpu.memory_space<semaphore_mem>>
      %dma_start3A = arith.constant 0 : i32
      %dma_start3A_26 = tpu.memref_slice %arg8[%dma_start3A, %mul3A_0] : memref<16x10240xf32, #tpu.memory_space<vmem_shared>> -> memref<16x640xf32, #tpu.memory_space<vmem_shared>>
      %dma_start3A_27 = arith.constant 0 : i32
      %dma_start3A_28 = tpu.memref_slice %arg8[%dma_start3A_27, %mul3A_0] : memref<16x10240xf32, #tpu.memory_space<vmem_shared>> -> memref<16x640xf32, #tpu.memory_space<vmem_shared>>
      tpu.enqueue_dma source(%dma_start3A_28 : memref<16x640xf32, #tpu.memory_space<vmem_shared>>) target(%arg7 : memref<16x640xf32, #tpu.memory_space<vmem>>) target_semaphore(%run_scoped3A : memref<!tpu.dma_semaphore, #tpu.memory_space<semaphore_mem>>)
      %dma_wait3A = arith.constant 0 : i32
      %dma_wait3A_29 = tpu.memref_slice %arg8[%dma_wait3A, %mul3A_0] : memref<16x10240xf32, #tpu.memory_space<vmem_shared>> -> memref<16x640xf32, #tpu.memory_space<vmem_shared>>
      %dma_wait3A_30 = arith.constant 0 : i32
      %dma_wait3A_31 = tpu.memref_slice %arg8[%dma_wait3A_30, %mul3A_0] : memref<16x10240xf32, #tpu.memory_space<vmem_shared>> -> memref<16x640xf32, #tpu.memory_space<vmem_shared>>
      tpu.wait_dma2 semaphore(%run_scoped3A : memref<!tpu.dma_semaphore, #tpu.memory_space<semaphore_mem>>) src(%dma_wait3A_31 : memref<16x640xf32, #tpu.memory_space<vmem_shared>>) dst(%arg7 : memref<16x640xf32, #tpu.memory_space<vmem>>)
      tpu.yield
    }) : () -> ()
    %broadcast_in_dim3A_17 = arith.constant 0 : i32
    %broadcast_in_dim3A_18 = vector.broadcast %broadcast_in_dim3A_17 : i32 to vector<16xi32>
    %iota3A = tpu.iota {dimensions = array<i32: 0>} : vector<16xi32>
    %scan3A_19 = arith.constant 0 : i32
    %scan3A_20 = arith.constant 0 : i32
    %scan3A_21 = arith.constant 40 : i32
    %scan3A_22 = arith.addi %scan3A_20, %scan3A_21 : i32
    %scan3A_23 = arith.constant 1 : i32
    %scan3A_24 = scf.for %scan3A_26 = %scan3A_20 to %scan3A_22 step %scan3A_23 iter_args(%scan3A_27 = %scan3A_19) -> (i32)  : i32 {
      %mul3A_28 = arith.constant 16 : i32
      %mul3A_29 = arith.muli %scan3A_26, %mul3A_28 : i32
      %get3A = arith.constant 0 : i32
      %get3A_30 = arith.index_cast %get3A : i32 to index
      %get3A_31 = arith.index_cast %mul3A_29 : i32 to index
      %get3A_32 = tpu.vector_load %arg7[%get3A_30, %get3A_31] {strides = array<i32>} : memref<16x640xf32, #tpu.memory_space<vmem>>, vector<16xf32>,
      %mul3A_33 = arith.constant 16 : i32
      %mul3A_34 = arith.muli %scan3A_26, %mul3A_33 : i32
      %get3A_35 = arith.constant 1 : i32
      %get3A_36 = arith.index_cast %get3A_35 : i32 to index
      %get3A_37 = arith.index_cast %mul3A_34 : i32 to index
      %get3A_38 = tpu.vector_load %arg7[%get3A_36, %get3A_37] {strides = array<i32>} : memref<16x640xf32, #tpu.memory_space<vmem>>, vector<16xf32>,
      %add3A = arith.addf %get3A_32, %get3A_38 : vector<16xf32>
      %mul3A_39 = arith.constant 16 : i32
      %mul3A_40 = arith.muli %scan3A_26, %mul3A_39 : i32
      %get3A_41 = arith.constant 2 : i32
      %get3A_42 = arith.index_cast %get3A_41 : i32 to index
      %get3A_43 = arith.index_cast %mul3A_40 : i32 to index
      %get3A_44 = tpu.vector_load %arg7[%get3A_42, %get3A_43] {strides = array<i32>} : memref<16x640xf32, #tpu.memory_space<vmem>>, vector<16xf32>,
      %add3A_45 = arith.addf %add3A, %get3A_44 : vector<16xf32>
      %mul3A_46 = arith.constant 16 : i32
      %mul3A_47 = arith.muli %scan3A_26, %mul3A_46 : i32
      %get3A_48 = arith.constant 3 : i32
      %get3A_49 = arith.index_cast %get3A_48 : i32 to index
      %get3A_50 = arith.index_cast %mul3A_47 : i32 to index
      %get3A_51 = tpu.vector_load %arg7[%get3A_49, %get3A_50] {strides = array<i32>} : memref<16x640xf32, #tpu.memory_space<vmem>>, vector<16xf32>,
      %add3A_52 = arith.addf %add3A_45, %get3A_51 : vector<16xf32>
      %mul3A_53 = arith.constant 16 : i32
      %mul3A_54 = arith.muli %scan3A_26, %mul3A_53 : i32
      %get3A_55 = arith.constant 4 : i32
      %get3A_56 = arith.index_cast %get3A_55 : i32 to index
      %get3A_57 = arith.index_cast %mul3A_54 : i32 to index
      %get3A_58 = tpu.vector_load %arg7[%get3A_56, %get3A_57] {strides = array<i32>} : memref<16x640xf32, #tpu.memory_space<vmem>>, vector<16xf32>,
      %add3A_59 = arith.addf %add3A_52, %get3A_58 : vector<16xf32>
      %mul3A_60 = arith.constant 16 : i32
      %mul3A_61 = arith.muli %scan3A_26, %mul3A_60 : i32
      %get3A_62 = arith.constant 5 : i32
      %get3A_63 = arith.index_cast %get3A_62 : i32 to index
      %get3A_64 = arith.index_cast %mul3A_61 : i32 to index
      %get3A_65 = tpu.vector_load %arg7[%get3A_63, %get3A_64] {strides = array<i32>} : memref<16x640xf32, #tpu.memory_space<vmem>>, vector<16xf32>,
      %add3A_66 = arith.addf %add3A_59, %get3A_65 : vector<16xf32>
      %mul3A_67 = arith.constant 16 : i32
      %mul3A_68 = arith.muli %scan3A_26, %mul3A_67 : i32
      %get3A_69 = arith.constant 6 : i32
      %get3A_70 = arith.index_cast %get3A_69 : i32 to index
      %get3A_71 = arith.index_cast %mul3A_68 : i32 to index
      %get3A_72 = tpu.vector_load %arg7[%get3A_70, %get3A_71] {strides = array<i32>} : memref<16x640xf32, #tpu.memory_space<vmem>>, vector<16xf32>,
      %add3A_73 = arith.addf %add3A_66, %get3A_72 : vector<16xf32>
      %mul3A_74 = arith.constant 16 : i32
      %mul3A_75 = arith.muli %scan3A_26, %mul3A_74 : i32
      %get3A_76 = arith.constant 7 : i32
      %get3A_77 = arith.index_cast %get3A_76 : i32 to index
      %get3A_78 = arith.index_cast %mul3A_75 : i32 to index
      %get3A_79 = tpu.vector_load %arg7[%get3A_77, %get3A_78] {strides = array<i32>} : memref<16x640xf32, #tpu.memory_space<vmem>>, vector<16xf32>,
      %add3A_80 = arith.addf %add3A_73, %get3A_79 : vector<16xf32>
      %mul3A_81 = arith.constant 16 : i32
      %mul3A_82 = arith.muli %scan3A_26, %mul3A_81 : i32
      %get3A_83 = arith.constant 8 : i32
      %get3A_84 = arith.index_cast %get3A_83 : i32 to index
      %get3A_85 = arith.index_cast %mul3A_82 : i32 to index
      %get3A_86 = tpu.vector_load %arg7[%get3A_84, %get3A_85] {strides = array<i32>} : memref<16x640xf32, #tpu.memory_space<vmem>>, vector<16xf32>,
      %add3A_87 = arith.addf %add3A_80, %get3A_86 : vector<16xf32>
      %mul3A_88 = arith.constant 16 : i32
      %mul3A_89 = arith.muli %scan3A_26, %mul3A_88 : i32
      %get3A_90 = arith.constant 9 : i32
      %get3A_91 = arith.index_cast %get3A_90 : i32 to index
      %get3A_92 = arith.index_cast %mul3A_89 : i32 to index
      %get3A_93 = tpu.vector_load %arg7[%get3A_91, %get3A_92] {strides = array<i32>} : memref<16x640xf32, #tpu.memory_space<vmem>>, vector<16xf32>,
      %add3A_94 = arith.addf %add3A_87, %get3A_93 : vector<16xf32>
      %mul3A_95 = arith.constant 16 : i32
      %mul3A_96 = arith.muli %scan3A_26, %mul3A_95 : i32
      %get3A_97 = arith.constant 10 : i32
      %get3A_98 = arith.index_cast %get3A_97 : i32 to index
      %get3A_99 = arith.index_cast %mul3A_96 : i32 to index
      %get3A_100 = tpu.vector_load %arg7[%get3A_98, %get3A_99] {strides = array<i32>} : memref<16x640xf32, #tpu.memory_space<vmem>>, vector<16xf32>,
      %add3A_101 = arith.addf %add3A_94, %get3A_100 : vector<16xf32>
      %mul3A_102 = arith.constant 16 : i32
      %mul3A_103 = arith.muli %scan3A_26, %mul3A_102 : i32
      %get3A_104 = arith.constant 11 : i32
      %get3A_105 = arith.index_cast %get3A_104 : i32 to index
      %get3A_106 = arith.index_cast %mul3A_103 : i32 to index
      %get3A_107 = tpu.vector_load %arg7[%get3A_105, %get3A_106] {strides = array<i32>} : memref<16x640xf32, #tpu.memory_space<vmem>>, vector<16xf32>,
      %add3A_108 = arith.addf %add3A_101, %get3A_107 : vector<16xf32>
      %mul3A_109 = arith.constant 16 : i32
      %mul3A_110 = arith.muli %scan3A_26, %mul3A_109 : i32
      %get3A_111 = arith.constant 12 : i32
      %get3A_112 = arith.index_cast %get3A_111 : i32 to index
      %get3A_113 = arith.index_cast %mul3A_110 : i32 to index
      %get3A_114 = tpu.vector_load %arg7[%get3A_112, %get3A_113] {strides = array<i32>} : memref<16x640xf32, #tpu.memory_space<vmem>>, vector<16xf32>,
      %add3A_115 = arith.addf %add3A_108, %get3A_114 : vector<16xf32>
      %mul3A_116 = arith.constant 16 : i32
      %mul3A_117 = arith.muli %scan3A_26, %mul3A_116 : i32
      %get3A_118 = arith.constant 13 : i32
      %get3A_119 = arith.index_cast %get3A_118 : i32 to index
      %get3A_120 = arith.index_cast %mul3A_117 : i32 to index
      %get3A_121 = tpu.vector_load %arg7[%get3A_119, %get3A_120] {strides = array<i32>} : memref<16x640xf32, #tpu.memory_space<vmem>>, vector<16xf32>,
      %add3A_122 = arith.addf %add3A_115, %get3A_121 : vector<16xf32>
      %mul3A_123 = arith.constant 16 : i32
      %mul3A_124 = arith.muli %scan3A_26, %mul3A_123 : i32
      %get3A_125 = arith.constant 14 : i32
      %get3A_126 = arith.index_cast %get3A_125 : i32 to index
      %get3A_127 = arith.index_cast %mul3A_124 : i32 to index
      %get3A_128 = tpu.vector_load %arg7[%get3A_126, %get3A_127] {strides = array<i32>} : memref<16x640xf32, #tpu.memory_space<vmem>>, vector<16xf32>,
      %add3A_129 = arith.addf %add3A_122, %get3A_128 : vector<16xf32>
      %mul3A_130 = arith.constant 16 : i32
      %mul3A_131 = arith.muli %scan3A_26, %mul3A_130 : i32
      %get3A_132 = arith.constant 15 : i32
      %get3A_133 = arith.index_cast %get3A_132 : i32 to index
      %get3A_134 = arith.index_cast %mul3A_131 : i32 to index
      %get3A_135 = tpu.vector_load %arg7[%get3A_133, %get3A_134] {strides = array<i32>} : memref<16x640xf32, #tpu.memory_space<vmem>>, vector<16xf32>,
      %add3A_136 = arith.addf %add3A_129, %get3A_135 : vector<16xf32>
      %mul3A_137 = arith.constant 16 : i32
      %mul3A_138 = arith.muli %scan3A_26, %mul3A_137 : i32
      %add3A_139 = vector.broadcast %mul3A_138 : i32 to vector<16xi32>
      %add3A_140 = arith.addi %iota3A, %add3A_139 : vector<16xi32>
      tpu.vector_store_idx %arg4[%add3A_140, %broadcast_in_dim3A_18], %add3A_136 : memref<640x128xf32, #tpu.memory_space<vmem>>[vector<16xi32>, vector<16xi32>], vector<16xf32>,
      %scan3A_141 = arith.constant 0 : i32
      scf.yield %scan3A_141 : i32
    }
    %scan3A_25 = arith.constant 40 : i32
    "tpu.region"() ({
      %run_scoped3A = tpu.sem_alloc : memref<!tpu.dma_semaphore, #tpu.memory_space<semaphore_mem>>
      %dma_start3A = arith.constant 0 : i32
      %dma_start3A_26 = tpu.memref_slice %arg3[%arg0, %mul3A_0, %dma_start3A] : memref<2x10240x128xf32, #tpu.memory_space<hbm>> -> memref<1x640x128xf32, #tpu.memory_space<hbm>>
      %dma_start3A_27 = tpu.memref_squeeze %dma_start3A_26 : memref<1x640x128xf32, #tpu.memory_space<hbm>> -> memref<640x128xf32, #tpu.memory_space<hbm>>
      %dma_start3A_28 = arith.constant 0 : i32
      %dma_start3A_29 = tpu.memref_slice %arg3[%arg0, %mul3A_0, %dma_start3A_28] : memref<2x10240x128xf32, #tpu.memory_space<hbm>> -> memref<1x640x128xf32, #tpu.memory_space<hbm>>
      %dma_start3A_30 = tpu.memref_squeeze %dma_start3A_29 : memref<1x640x128xf32, #tpu.memory_space<hbm>> -> memref<640x128xf32, #tpu.memory_space<hbm>>
      tpu.enqueue_dma source(%arg4 : memref<640x128xf32, #tpu.memory_space<vmem>>) target(%dma_start3A_30 : memref<640x128xf32, #tpu.memory_space<hbm>>) target_semaphore(%run_scoped3A : memref<!tpu.dma_semaphore, #tpu.memory_space<semaphore_mem>>)
      %dma_wait3A = arith.constant 0 : i32
      %dma_wait3A_31 = tpu.memref_slice %arg3[%arg0, %mul3A_0, %dma_wait3A] : memref<2x10240x128xf32, #tpu.memory_space<hbm>> -> memref<1x640x128xf32, #tpu.memory_space<hbm>>
      %dma_wait3A_32 = tpu.memref_squeeze %dma_wait3A_31 : memref<1x640x128xf32, #tpu.memory_space<hbm>> -> memref<640x128xf32, #tpu.memory_space<hbm>>
      %dma_wait3A_33 = arith.constant 0 : i32
      %dma_wait3A_34 = tpu.memref_slice %arg3[%arg0, %mul3A_0, %dma_wait3A_33] : memref<2x10240x128xf32, #tpu.memory_space<hbm>> -> memref<1x640x128xf32, #tpu.memory_space<hbm>>
      %dma_wait3A_35 = tpu.memref_squeeze %dma_wait3A_34 : memref<1x640x128xf32, #tpu.memory_space<hbm>> -> memref<640x128xf32, #tpu.memory_space<hbm>>
      tpu.wait_dma2 semaphore(%run_scoped3A : memref<!tpu.dma_semaphore, #tpu.memory_space<semaphore_mem>>) src(%arg4 : memref<640x128xf32, #tpu.memory_space<vmem>>) dst(%dma_wait3A_35 : memref<640x128xf32, #tpu.memory_space<hbm>>)
      tpu.yield
    }) : () -> ()
    return
  }
}

#map = affine_map<(d0, d1) -> (0, 0, 0)>
module attributes {stable_mosaic.version = 14 : i64} {
  func.func @body(%arg0: i32, %arg1: i32, %arg2: memref<2x10000x64xf32, #tpu.memory_space<hbm>>, %arg3: memref<16x512x80xi32, #tpu.memory_space<hbm>>, %arg4: memref<16x512x80xi32, #tpu.memory_space<hbm>>, %arg5: memref<2x10240x64xf32, #tpu.memory_space<hbm>>, %arg6: memref<10240x64xf32, #tpu.memory_space<vmem_shared>>, %arg7: memref<16x80xi32, #tpu.memory_space<vmem>>, %arg8: memref<!tpu.dma_semaphore, #tpu.memory_space<semaphore_mem>>, %arg9: memref<!tpu.dma_semaphore, #tpu.memory_space<semaphore_mem>>, %arg10: memref<!tpu.dma_semaphore, #tpu.memory_space<semaphore_mem>>, %arg11: memref<!tpu.dma_semaphore, #tpu.memory_space<semaphore_mem>>, %arg12: memref<10240x64xf32, #tpu.memory_space<vmem_shared>>, %arg13: memref<80x64xf32, #tpu.memory_space<vmem>>, %arg14: memref<80x64xf32, #tpu.memory_space<vmem>>, %arg15: memref<80x64xf32, #tpu.memory_space<vmem>>, %arg16: memref<80x64xf32, #tpu.memory_space<vmem>>, %arg17: memref<!tpu.dma_semaphore, #tpu.memory_space<semaphore_mem>>, %arg18: memref<!tpu.dma_semaphore, #tpu.memory_space<semaphore_mem>>, %arg19: memref<!tpu.dma_semaphore, #tpu.memory_space<semaphore_mem>>, %arg20: memref<!tpu.dma_semaphore, #tpu.memory_space<semaphore_mem>>, %arg21: memref<16x80xi32, #tpu.memory_space<vmem>>) attributes {dimension_semantics = [#tpu.dimension_semantics<core_parallel>, #tpu.dimension_semantics<subcore_parallel>], iteration_bounds = array<i64: 2, 16>, scalar_prefetch = 0 : i64, scratch_operands = 16 : i64, tpu.core_type = #tpu.core_type<sc_vector_subcore>, window_params = [{transform_indices = #map}, {transform_indices = #map}, {transform_indices = #map}, {transform_indices = #map}]} {
    %mul3A = arith.constant 640 : i32
    %mul3A_0 = arith.muli %arg1, %mul3A : i32
    %mul3A_1 = arith.constant 624 : i32
    %mul3A_2 = arith.muli %arg1, %mul3A_1 : i32
    %mul3A_3 = arith.constant 624 : i32
    %mul3A_4 = arith.muli %arg1, %mul3A_3 : i32
    "tpu.region"() ({
      %run_scoped3A = tpu.sem_alloc : memref<!tpu.dma_semaphore, #tpu.memory_space<semaphore_mem>>
      %dma_start3A = arith.constant 0 : i32
      %dma_start3A_35 = tpu.memref_slice %arg12[%mul3A_4, %dma_start3A] : memref<10240x64xf32, #tpu.memory_space<vmem_shared>> -> memref<640x64xf32, #tpu.memory_space<vmem_shared>>
      %dma_start3A_36 = arith.constant 0 : i32
      %dma_start3A_37 = tpu.memref_slice %arg2[%arg0, %mul3A_2, %dma_start3A_36] : memref<2x10000x64xf32, #tpu.memory_space<hbm>> -> memref<1x640x64xf32, #tpu.memory_space<hbm>>
      %dma_start3A_38 = tpu.memref_squeeze %dma_start3A_37 : memref<1x640x64xf32, #tpu.memory_space<hbm>> -> memref<640x64xf32, #tpu.memory_space<hbm>>
      tpu.enqueue_dma source(%dma_start3A_38 : memref<640x64xf32, #tpu.memory_space<hbm>>) target(%dma_start3A_35 : memref<640x64xf32, #tpu.memory_space<vmem_shared>>) target_semaphore(%run_scoped3A : memref<!tpu.dma_semaphore, #tpu.memory_space<semaphore_mem>>)
      %dma_wait3A = arith.constant 0 : i32
      %dma_wait3A_39 = tpu.memref_slice %arg12[%mul3A_4, %dma_wait3A] : memref<10240x64xf32, #tpu.memory_space<vmem_shared>> -> memref<640x64xf32, #tpu.memory_space<vmem_shared>>
      %dma_wait3A_40 = arith.constant 0 : i32
      %dma_wait3A_41 = tpu.memref_slice %arg2[%arg0, %mul3A_2, %dma_wait3A_40] : memref<2x10000x64xf32, #tpu.memory_space<hbm>> -> memref<1x640x64xf32, #tpu.memory_space<hbm>>
      %dma_wait3A_42 = tpu.memref_squeeze %dma_wait3A_41 : memref<1x640x64xf32, #tpu.memory_space<hbm>> -> memref<640x64xf32, #tpu.memory_space<hbm>>
      tpu.wait_dma2 semaphore(%run_scoped3A : memref<!tpu.dma_semaphore, #tpu.memory_space<semaphore_mem>>) src(%dma_wait3A_42 : memref<640x64xf32, #tpu.memory_space<hbm>>) dst(%dma_wait3A_39 : memref<640x64xf32, #tpu.memory_space<vmem_shared>>)
      tpu.yield
    }) : () -> ()
    %broadcast_in_dim3A = arith.constant 0.000000e+00 : f32
    %broadcast_in_dim3A_5 = vector.broadcast %broadcast_in_dim3A : f32 to vector<16xf32>
    %scan3A = arith.constant 0 : i32
    %scan3A_6 = arith.constant 0 : i32
    %scan3A_7 = arith.constant 80 : i32
    %scan3A_8 = arith.addi %scan3A_6, %scan3A_7 : i32
    %scan3A_9 = arith.constant 1 : i32
    %scan3A_10 = scf.for %scan3A_35 = %scan3A_6 to %scan3A_8 step %scan3A_9 iter_args(%scan3A_36 = %scan3A) -> (i32)  : i32 {
      %swap3A = arith.index_cast %scan3A_35 : i32 to index
      %swap3A_37 = arith.constant 0 : index
      %swap3A_38 = tpu.vector_load %arg13[%swap3A, %swap3A_37] {strides = array<i32>} : memref<80x64xf32, #tpu.memory_space<vmem>>, vector<1x16xf32>,
      %swap3A_39 = vector.shape_cast %swap3A_38 : vector<1x16xf32> to vector<16xf32>
      %swap3A_40 = vector.shape_cast %broadcast_in_dim3A_5 : vector<16xf32> to vector<1x16xf32>
      tpu.vector_store %arg13[%swap3A, %swap3A_37], %swap3A_40 {strides = array<i32>} : memref<80x64xf32, #tpu.memory_space<vmem>>, vector<1x16xf32>,
      %swap3A_41 = arith.index_cast %scan3A_35 : i32 to index
      %swap3A_42 = arith.constant 16 : index
      %swap3A_43 = tpu.vector_load %arg13[%swap3A_41, %swap3A_42] {strides = array<i32>} : memref<80x64xf32, #tpu.memory_space<vmem>>, vector<1x16xf32>,
      %swap3A_44 = vector.shape_cast %swap3A_43 : vector<1x16xf32> to vector<16xf32>
      %swap3A_45 = vector.shape_cast %broadcast_in_dim3A_5 : vector<16xf32> to vector<1x16xf32>
      tpu.vector_store %arg13[%swap3A_41, %swap3A_42], %swap3A_45 {strides = array<i32>} : memref<80x64xf32, #tpu.memory_space<vmem>>, vector<1x16xf32>,
      %swap3A_46 = arith.index_cast %scan3A_35 : i32 to index
      %swap3A_47 = arith.constant 32 : index
      %swap3A_48 = tpu.vector_load %arg13[%swap3A_46, %swap3A_47] {strides = array<i32>} : memref<80x64xf32, #tpu.memory_space<vmem>>, vector<1x16xf32>,
      %swap3A_49 = vector.shape_cast %swap3A_48 : vector<1x16xf32> to vector<16xf32>
      %swap3A_50 = vector.shape_cast %broadcast_in_dim3A_5 : vector<16xf32> to vector<1x16xf32>
      tpu.vector_store %arg13[%swap3A_46, %swap3A_47], %swap3A_50 {strides = array<i32>} : memref<80x64xf32, #tpu.memory_space<vmem>>, vector<1x16xf32>,
      %swap3A_51 = arith.index_cast %scan3A_35 : i32 to index
      %swap3A_52 = arith.constant 48 : index
      %swap3A_53 = tpu.vector_load %arg13[%swap3A_51, %swap3A_52] {strides = array<i32>} : memref<80x64xf32, #tpu.memory_space<vmem>>, vector<1x16xf32>,
      %swap3A_54 = vector.shape_cast %swap3A_53 : vector<1x16xf32> to vector<16xf32>
      %swap3A_55 = vector.shape_cast %broadcast_in_dim3A_5 : vector<16xf32> to vector<1x16xf32>
      tpu.vector_store %arg13[%swap3A_51, %swap3A_52], %swap3A_55 {strides = array<i32>} : memref<80x64xf32, #tpu.memory_space<vmem>>, vector<1x16xf32>,
      %scan3A_56 = arith.constant 0 : i32
      scf.yield %scan3A_56 : i32
    }
    %scan3A_11 = arith.constant 80 : i32
    %add3A = arith.constant 0 : i32
    %add3A_12 = arith.addi %mul3A_0, %add3A : i32
    "tpu.region"() ({
      %run_scoped3A = tpu.sem_alloc : memref<!tpu.dma_semaphore, #tpu.memory_space<semaphore_mem>>
      %dma_start3A = arith.constant 0 : i32
      %dma_start3A_35 = tpu.memref_slice %arg6[%add3A_12, %dma_start3A] : memref<10240x64xf32, #tpu.memory_space<vmem_shared>> -> memref<80x64xf32, #tpu.memory_space<vmem_shared>>
      %dma_start3A_36 = arith.constant 0 : i32
      %dma_start3A_37 = tpu.memref_slice %arg6[%add3A_12, %dma_start3A_36] : memref<10240x64xf32, #tpu.memory_space<vmem_shared>> -> memref<80x64xf32, #tpu.memory_space<vmem_shared>>
      tpu.enqueue_dma source(%arg13 : memref<80x64xf32, #tpu.memory_space<vmem>>) target(%dma_start3A_37 : memref<80x64xf32, #tpu.memory_space<vmem_shared>>) target_semaphore(%run_scoped3A : memref<!tpu.dma_semaphore, #tpu.memory_space<semaphore_mem>>)
      %dma_wait3A = arith.constant 0 : i32
      %dma_wait3A_38 = tpu.memref_slice %arg6[%add3A_12, %dma_wait3A] : memref<10240x64xf32, #tpu.memory_space<vmem_shared>> -> memref<80x64xf32, #tpu.memory_space<vmem_shared>>
      %dma_wait3A_39 = arith.constant 0 : i32
      %dma_wait3A_40 = tpu.memref_slice %arg6[%add3A_12, %dma_wait3A_39] : memref<10240x64xf32, #tpu.memory_space<vmem_shared>> -> memref<80x64xf32, #tpu.memory_space<vmem_shared>>
      tpu.wait_dma2 semaphore(%run_scoped3A : memref<!tpu.dma_semaphore, #tpu.memory_space<semaphore_mem>>) src(%arg13 : memref<80x64xf32, #tpu.memory_space<vmem>>) dst(%dma_wait3A_40 : memref<80x64xf32, #tpu.memory_space<vmem_shared>>)
      tpu.yield
    }) : () -> ()
    %add3A_13 = arith.constant 80 : i32
    %add3A_14 = arith.addi %mul3A_0, %add3A_13 : i32
    "tpu.region"() ({
      %run_scoped3A = tpu.sem_alloc : memref<!tpu.dma_semaphore, #tpu.memory_space<semaphore_mem>>
      %dma_start3A = arith.constant 0 : i32
      %dma_start3A_35 = tpu.memref_slice %arg6[%add3A_14, %dma_start3A] : memref<10240x64xf32, #tpu.memory_space<vmem_shared>> -> memref<80x64xf32, #tpu.memory_space<vmem_shared>>
      %dma_start3A_36 = arith.constant 0 : i32
      %dma_start3A_37 = tpu.memref_slice %arg6[%add3A_14, %dma_start3A_36] : memref<10240x64xf32, #tpu.memory_space<vmem_shared>> -> memref<80x64xf32, #tpu.memory_space<vmem_shared>>
      tpu.enqueue_dma source(%arg13 : memref<80x64xf32, #tpu.memory_space<vmem>>) target(%dma_start3A_37 : memref<80x64xf32, #tpu.memory_space<vmem_shared>>) target_semaphore(%run_scoped3A : memref<!tpu.dma_semaphore, #tpu.memory_space<semaphore_mem>>)
      %dma_wait3A = arith.constant 0 : i32
      %dma_wait3A_38 = tpu.memref_slice %arg6[%add3A_14, %dma_wait3A] : memref<10240x64xf32, #tpu.memory_space<vmem_shared>> -> memref<80x64xf32, #tpu.memory_space<vmem_shared>>
      %dma_wait3A_39 = arith.constant 0 : i32
      %dma_wait3A_40 = tpu.memref_slice %arg6[%add3A_14, %dma_wait3A_39] : memref<10240x64xf32, #tpu.memory_space<vmem_shared>> -> memref<80x64xf32, #tpu.memory_space<vmem_shared>>
      tpu.wait_dma2 semaphore(%run_scoped3A : memref<!tpu.dma_semaphore, #tpu.memory_space<semaphore_mem>>) src(%arg13 : memref<80x64xf32, #tpu.memory_space<vmem>>) dst(%dma_wait3A_40 : memref<80x64xf32, #tpu.memory_space<vmem_shared>>)
      tpu.yield
    }) : () -> ()
    %add3A_15 = arith.constant 160 : i32
    %add3A_16 = arith.addi %mul3A_0, %add3A_15 : i32
    "tpu.region"() ({
      %run_scoped3A = tpu.sem_alloc : memref<!tpu.dma_semaphore, #tpu.memory_space<semaphore_mem>>
      %dma_start3A = arith.constant 0 : i32
      %dma_start3A_35 = tpu.memref_slice %arg6[%add3A_16, %dma_start3A] : memref<10240x64xf32, #tpu.memory_space<vmem_shared>> -> memref<80x64xf32, #tpu.memory_space<vmem_shared>>
      %dma_start3A_36 = arith.constant 0 : i32
      %dma_start3A_37 = tpu.memref_slice %arg6[%add3A_16, %dma_start3A_36] : memref<10240x64xf32, #tpu.memory_space<vmem_shared>> -> memref<80x64xf32, #tpu.memory_space<vmem_shared>>
      tpu.enqueue_dma source(%arg13 : memref<80x64xf32, #tpu.memory_space<vmem>>) target(%dma_start3A_37 : memref<80x64xf32, #tpu.memory_space<vmem_shared>>) target_semaphore(%run_scoped3A : memref<!tpu.dma_semaphore, #tpu.memory_space<semaphore_mem>>)
      %dma_wait3A = arith.constant 0 : i32
      %dma_wait3A_38 = tpu.memref_slice %arg6[%add3A_16, %dma_wait3A] : memref<10240x64xf32, #tpu.memory_space<vmem_shared>> -> memref<80x64xf32, #tpu.memory_space<vmem_shared>>
      %dma_wait3A_39 = arith.constant 0 : i32
      %dma_wait3A_40 = tpu.memref_slice %arg6[%add3A_16, %dma_wait3A_39] : memref<10240x64xf32, #tpu.memory_space<vmem_shared>> -> memref<80x64xf32, #tpu.memory_space<vmem_shared>>
      tpu.wait_dma2 semaphore(%run_scoped3A : memref<!tpu.dma_semaphore, #tpu.memory_space<semaphore_mem>>) src(%arg13 : memref<80x64xf32, #tpu.memory_space<vmem>>) dst(%dma_wait3A_40 : memref<80x64xf32, #tpu.memory_space<vmem_shared>>)
      tpu.yield
    }) : () -> ()
    %add3A_17 = arith.constant 240 : i32
    %add3A_18 = arith.addi %mul3A_0, %add3A_17 : i32
    "tpu.region"() ({
      %run_scoped3A = tpu.sem_alloc : memref<!tpu.dma_semaphore, #tpu.memory_space<semaphore_mem>>
      %dma_start3A = arith.constant 0 : i32
      %dma_start3A_35 = tpu.memref_slice %arg6[%add3A_18, %dma_start3A] : memref<10240x64xf32, #tpu.memory_space<vmem_shared>> -> memref<80x64xf32, #tpu.memory_space<vmem_shared>>
      %dma_start3A_36 = arith.constant 0 : i32
      %dma_start3A_37 = tpu.memref_slice %arg6[%add3A_18, %dma_start3A_36] : memref<10240x64xf32, #tpu.memory_space<vmem_shared>> -> memref<80x64xf32, #tpu.memory_space<vmem_shared>>
      tpu.enqueue_dma source(%arg13 : memref<80x64xf32, #tpu.memory_space<vmem>>) target(%dma_start3A_37 : memref<80x64xf32, #tpu.memory_space<vmem_shared>>) target_semaphore(%run_scoped3A : memref<!tpu.dma_semaphore, #tpu.memory_space<semaphore_mem>>)
      %dma_wait3A = arith.constant 0 : i32
      %dma_wait3A_38 = tpu.memref_slice %arg6[%add3A_18, %dma_wait3A] : memref<10240x64xf32, #tpu.memory_space<vmem_shared>> -> memref<80x64xf32, #tpu.memory_space<vmem_shared>>
      %dma_wait3A_39 = arith.constant 0 : i32
      %dma_wait3A_40 = tpu.memref_slice %arg6[%add3A_18, %dma_wait3A_39] : memref<10240x64xf32, #tpu.memory_space<vmem_shared>> -> memref<80x64xf32, #tpu.memory_space<vmem_shared>>
      tpu.wait_dma2 semaphore(%run_scoped3A : memref<!tpu.dma_semaphore, #tpu.memory_space<semaphore_mem>>) src(%arg13 : memref<80x64xf32, #tpu.memory_space<vmem>>) dst(%dma_wait3A_40 : memref<80x64xf32, #tpu.memory_space<vmem_shared>>)
      tpu.yield
    }) : () -> ()
    %add3A_19 = arith.constant 320 : i32
    %add3A_20 = arith.addi %mul3A_0, %add3A_19 : i32
    "tpu.region"() ({
      %run_scoped3A = tpu.sem_alloc : memref<!tpu.dma_semaphore, #tpu.memory_space<semaphore_mem>>
      %dma_start3A = arith.constant 0 : i32
      %dma_start3A_35 = tpu.memref_slice %arg6[%add3A_20, %dma_start3A] : memref<10240x64xf32, #tpu.memory_space<vmem_shared>> -> memref<80x64xf32, #tpu.memory_space<vmem_shared>>
      %dma_start3A_36 = arith.constant 0 : i32
      %dma_start3A_37 = tpu.memref_slice %arg6[%add3A_20, %dma_start3A_36] : memref<10240x64xf32, #tpu.memory_space<vmem_shared>> -> memref<80x64xf32, #tpu.memory_space<vmem_shared>>
      tpu.enqueue_dma source(%arg13 : memref<80x64xf32, #tpu.memory_space<vmem>>) target(%dma_start3A_37 : memref<80x64xf32, #tpu.memory_space<vmem_shared>>) target_semaphore(%run_scoped3A : memref<!tpu.dma_semaphore, #tpu.memory_space<semaphore_mem>>)
      %dma_wait3A = arith.constant 0 : i32
      %dma_wait3A_38 = tpu.memref_slice %arg6[%add3A_20, %dma_wait3A] : memref<10240x64xf32, #tpu.memory_space<vmem_shared>> -> memref<80x64xf32, #tpu.memory_space<vmem_shared>>
      %dma_wait3A_39 = arith.constant 0 : i32
      %dma_wait3A_40 = tpu.memref_slice %arg6[%add3A_20, %dma_wait3A_39] : memref<10240x64xf32, #tpu.memory_space<vmem_shared>> -> memref<80x64xf32, #tpu.memory_space<vmem_shared>>
      tpu.wait_dma2 semaphore(%run_scoped3A : memref<!tpu.dma_semaphore, #tpu.memory_space<semaphore_mem>>) src(%arg13 : memref<80x64xf32, #tpu.memory_space<vmem>>) dst(%dma_wait3A_40 : memref<80x64xf32, #tpu.memory_space<vmem_shared>>)
      tpu.yield
    }) : () -> ()
    %add3A_21 = arith.constant 400 : i32
    %add3A_22 = arith.addi %mul3A_0, %add3A_21 : i32
    "tpu.region"() ({
      %run_scoped3A = tpu.sem_alloc : memref<!tpu.dma_semaphore, #tpu.memory_space<semaphore_mem>>
      %dma_start3A = arith.constant 0 : i32
      %dma_start3A_35 = tpu.memref_slice %arg6[%add3A_22, %dma_start3A] : memref<10240x64xf32, #tpu.memory_space<vmem_shared>> -> memref<80x64xf32, #tpu.memory_space<vmem_shared>>
      %dma_start3A_36 = arith.constant 0 : i32
      %dma_start3A_37 = tpu.memref_slice %arg6[%add3A_22, %dma_start3A_36] : memref<10240x64xf32, #tpu.memory_space<vmem_shared>> -> memref<80x64xf32, #tpu.memory_space<vmem_shared>>
      tpu.enqueue_dma source(%arg13 : memref<80x64xf32, #tpu.memory_space<vmem>>) target(%dma_start3A_37 : memref<80x64xf32, #tpu.memory_space<vmem_shared>>) target_semaphore(%run_scoped3A : memref<!tpu.dma_semaphore, #tpu.memory_space<semaphore_mem>>)
      %dma_wait3A = arith.constant 0 : i32
      %dma_wait3A_38 = tpu.memref_slice %arg6[%add3A_22, %dma_wait3A] : memref<10240x64xf32, #tpu.memory_space<vmem_shared>> -> memref<80x64xf32, #tpu.memory_space<vmem_shared>>
      %dma_wait3A_39 = arith.constant 0 : i32
      %dma_wait3A_40 = tpu.memref_slice %arg6[%add3A_22, %dma_wait3A_39] : memref<10240x64xf32, #tpu.memory_space<vmem_shared>> -> memref<80x64xf32, #tpu.memory_space<vmem_shared>>
      tpu.wait_dma2 semaphore(%run_scoped3A : memref<!tpu.dma_semaphore, #tpu.memory_space<semaphore_mem>>) src(%arg13 : memref<80x64xf32, #tpu.memory_space<vmem>>) dst(%dma_wait3A_40 : memref<80x64xf32, #tpu.memory_space<vmem_shared>>)
      tpu.yield
    }) : () -> ()
    %add3A_23 = arith.constant 480 : i32
    %add3A_24 = arith.addi %mul3A_0, %add3A_23 : i32
    "tpu.region"() ({
      %run_scoped3A = tpu.sem_alloc : memref<!tpu.dma_semaphore, #tpu.memory_space<semaphore_mem>>
      %dma_start3A = arith.constant 0 : i32
      %dma_start3A_35 = tpu.memref_slice %arg6[%add3A_24, %dma_start3A] : memref<10240x64xf32, #tpu.memory_space<vmem_shared>> -> memref<80x64xf32, #tpu.memory_space<vmem_shared>>
      %dma_start3A_36 = arith.constant 0 : i32
      %dma_start3A_37 = tpu.memref_slice %arg6[%add3A_24, %dma_start3A_36] : memref<10240x64xf32, #tpu.memory_space<vmem_shared>> -> memref<80x64xf32, #tpu.memory_space<vmem_shared>>
      tpu.enqueue_dma source(%arg13 : memref<80x64xf32, #tpu.memory_space<vmem>>) target(%dma_start3A_37 : memref<80x64xf32, #tpu.memory_space<vmem_shared>>) target_semaphore(%run_scoped3A : memref<!tpu.dma_semaphore, #tpu.memory_space<semaphore_mem>>)
      %dma_wait3A = arith.constant 0 : i32
      %dma_wait3A_38 = tpu.memref_slice %arg6[%add3A_24, %dma_wait3A] : memref<10240x64xf32, #tpu.memory_space<vmem_shared>> -> memref<80x64xf32, #tpu.memory_space<vmem_shared>>
      %dma_wait3A_39 = arith.constant 0 : i32
      %dma_wait3A_40 = tpu.memref_slice %arg6[%add3A_24, %dma_wait3A_39] : memref<10240x64xf32, #tpu.memory_space<vmem_shared>> -> memref<80x64xf32, #tpu.memory_space<vmem_shared>>
      tpu.wait_dma2 semaphore(%run_scoped3A : memref<!tpu.dma_semaphore, #tpu.memory_space<semaphore_mem>>) src(%arg13 : memref<80x64xf32, #tpu.memory_space<vmem>>) dst(%dma_wait3A_40 : memref<80x64xf32, #tpu.memory_space<vmem_shared>>)
      tpu.yield
    }) : () -> ()
    %add3A_25 = arith.constant 560 : i32
    %add3A_26 = arith.addi %mul3A_0, %add3A_25 : i32
    "tpu.region"() ({
      %run_scoped3A = tpu.sem_alloc : memref<!tpu.dma_semaphore, #tpu.memory_space<semaphore_mem>>
      %dma_start3A = arith.constant 0 : i32
      %dma_start3A_35 = tpu.memref_slice %arg6[%add3A_26, %dma_start3A] : memref<10240x64xf32, #tpu.memory_space<vmem_shared>> -> memref<80x64xf32, #tpu.memory_space<vmem_shared>>
      %dma_start3A_36 = arith.constant 0 : i32
      %dma_start3A_37 = tpu.memref_slice %arg6[%add3A_26, %dma_start3A_36] : memref<10240x64xf32, #tpu.memory_space<vmem_shared>> -> memref<80x64xf32, #tpu.memory_space<vmem_shared>>
      tpu.enqueue_dma source(%arg13 : memref<80x64xf32, #tpu.memory_space<vmem>>) target(%dma_start3A_37 : memref<80x64xf32, #tpu.memory_space<vmem_shared>>) target_semaphore(%run_scoped3A : memref<!tpu.dma_semaphore, #tpu.memory_space<semaphore_mem>>)
      %dma_wait3A = arith.constant 0 : i32
      %dma_wait3A_38 = tpu.memref_slice %arg6[%add3A_26, %dma_wait3A] : memref<10240x64xf32, #tpu.memory_space<vmem_shared>> -> memref<80x64xf32, #tpu.memory_space<vmem_shared>>
      %dma_wait3A_39 = arith.constant 0 : i32
      %dma_wait3A_40 = tpu.memref_slice %arg6[%add3A_26, %dma_wait3A_39] : memref<10240x64xf32, #tpu.memory_space<vmem_shared>> -> memref<80x64xf32, #tpu.memory_space<vmem_shared>>
      tpu.wait_dma2 semaphore(%run_scoped3A : memref<!tpu.dma_semaphore, #tpu.memory_space<semaphore_mem>>) src(%arg13 : memref<80x64xf32, #tpu.memory_space<vmem>>) dst(%dma_wait3A_40 : memref<80x64xf32, #tpu.memory_space<vmem_shared>>)
      tpu.yield
    }) : () -> ()
    %barrier3A = arith.constant 0 : index
    tpu.barrier barrier_id(%barrier3A)
    %scan3A_27 = arith.constant 0 : i32
    %scan3A_28 = arith.constant 0 : i32
    %scan3A_29 = arith.constant 32 : i32
    %scan3A_30 = arith.addi %scan3A_28, %scan3A_29 : i32
    %scan3A_31 = arith.constant 1 : i32
    %scan3A_32 = scf.for %scan3A_35 = %scan3A_28 to %scan3A_30 step %scan3A_31 iter_args(%scan3A_36 = %scan3A_27) -> (i32)  : i32 {
      %mul3A_37 = arith.constant 16 : i32
      %mul3A_38 = arith.muli %scan3A_35, %mul3A_37 : i32
      "tpu.region"() ({
        %run_scoped3A = tpu.sem_alloc : memref<!tpu.dma_semaphore, #tpu.memory_space<semaphore_mem>>
        %dma_start3A = arith.constant 0 : i32
        %dma_start3A_49 = tpu.memref_slice %arg3[%arg1, %mul3A_38, %dma_start3A] : memref<16x512x80xi32, #tpu.memory_space<hbm>> -> memref<1x16x80xi32, #tpu.memory_space<hbm>>
        %dma_start3A_50 = tpu.memref_squeeze %dma_start3A_49 : memref<1x16x80xi32, #tpu.memory_space<hbm>> -> memref<16x80xi32, #tpu.memory_space<hbm>>
        %dma_start3A_51 = arith.constant 0 : i32
        %dma_start3A_52 = tpu.memref_slice %arg3[%arg1, %mul3A_38, %dma_start3A_51] : memref<16x512x80xi32, #tpu.memory_space<hbm>> -> memref<1x16x80xi32, #tpu.memory_space<hbm>>
        %dma_start3A_53 = tpu.memref_squeeze %dma_start3A_52 : memref<1x16x80xi32, #tpu.memory_space<hbm>> -> memref<16x80xi32, #tpu.memory_space<hbm>>
        tpu.enqueue_dma source(%dma_start3A_53 : memref<16x80xi32, #tpu.memory_space<hbm>>) target(%arg21 : memref<16x80xi32, #tpu.memory_space<vmem>>) target_semaphore(%run_scoped3A : memref<!tpu.dma_semaphore, #tpu.memory_space<semaphore_mem>>)
        %dma_wait3A = arith.constant 0 : i32
        %dma_wait3A_54 = tpu.memref_slice %arg3[%arg1, %mul3A_38, %dma_wait3A] : memref<16x512x80xi32, #tpu.memory_space<hbm>> -> memref<1x16x80xi32, #tpu.memory_space<hbm>>
        %dma_wait3A_55 = tpu.memref_squeeze %dma_wait3A_54 : memref<1x16x80xi32, #tpu.memory_space<hbm>> -> memref<16x80xi32, #tpu.memory_space<hbm>>
        %dma_wait3A_56 = arith.constant 0 : i32
        %dma_wait3A_57 = tpu.memref_slice %arg3[%arg1, %mul3A_38, %dma_wait3A_56] : memref<16x512x80xi32, #tpu.memory_space<hbm>> -> memref<1x16x80xi32, #tpu.memory_space<hbm>>
        %dma_wait3A_58 = tpu.memref_squeeze %dma_wait3A_57 : memref<1x16x80xi32, #tpu.memory_space<hbm>> -> memref<16x80xi32, #tpu.memory_space<hbm>>
        tpu.wait_dma2 semaphore(%run_scoped3A : memref<!tpu.dma_semaphore, #tpu.memory_space<semaphore_mem>>) src(%dma_wait3A_58 : memref<16x80xi32, #tpu.memory_space<hbm>>) dst(%arg21 : memref<16x80xi32, #tpu.memory_space<vmem>>)
        tpu.yield
      }) : () -> ()
      %mul3A_39 = arith.constant 16 : i32
      %mul3A_40 = arith.muli %scan3A_35, %mul3A_39 : i32
      "tpu.region"() ({
        %run_scoped3A = tpu.sem_alloc : memref<!tpu.dma_semaphore, #tpu.memory_space<semaphore_mem>>
        %dma_start3A = arith.constant 0 : i32
        %dma_start3A_49 = tpu.memref_slice %arg4[%arg1, %mul3A_40, %dma_start3A] : memref<16x512x80xi32, #tpu.memory_space<hbm>> -> memref<1x16x80xi32, #tpu.memory_space<hbm>>
        %dma_start3A_50 = tpu.memref_squeeze %dma_start3A_49 : memref<1x16x80xi32, #tpu.memory_space<hbm>> -> memref<16x80xi32, #tpu.memory_space<hbm>>
        %dma_start3A_51 = arith.constant 0 : i32
        %dma_start3A_52 = tpu.memref_slice %arg4[%arg1, %mul3A_40, %dma_start3A_51] : memref<16x512x80xi32, #tpu.memory_space<hbm>> -> memref<1x16x80xi32, #tpu.memory_space<hbm>>
        %dma_start3A_53 = tpu.memref_squeeze %dma_start3A_52 : memref<1x16x80xi32, #tpu.memory_space<hbm>> -> memref<16x80xi32, #tpu.memory_space<hbm>>
        tpu.enqueue_dma source(%dma_start3A_53 : memref<16x80xi32, #tpu.memory_space<hbm>>) target(%arg7 : memref<16x80xi32, #tpu.memory_space<vmem>>) target_semaphore(%run_scoped3A : memref<!tpu.dma_semaphore, #tpu.memory_space<semaphore_mem>>)
        %dma_wait3A = arith.constant 0 : i32
        %dma_wait3A_54 = tpu.memref_slice %arg4[%arg1, %mul3A_40, %dma_wait3A] : memref<16x512x80xi32, #tpu.memory_space<hbm>> -> memref<1x16x80xi32, #tpu.memory_space<hbm>>
        %dma_wait3A_55 = tpu.memref_squeeze %dma_wait3A_54 : memref<1x16x80xi32, #tpu.memory_space<hbm>> -> memref<16x80xi32, #tpu.memory_space<hbm>>
        %dma_wait3A_56 = arith.constant 0 : i32
        %dma_wait3A_57 = tpu.memref_slice %arg4[%arg1, %mul3A_40, %dma_wait3A_56] : memref<16x512x80xi32, #tpu.memory_space<hbm>> -> memref<1x16x80xi32, #tpu.memory_space<hbm>>
        %dma_wait3A_58 = tpu.memref_squeeze %dma_wait3A_57 : memref<1x16x80xi32, #tpu.memory_space<hbm>> -> memref<16x80xi32, #tpu.memory_space<hbm>>
        tpu.wait_dma2 semaphore(%run_scoped3A : memref<!tpu.dma_semaphore, #tpu.memory_space<semaphore_mem>>) src(%dma_wait3A_58 : memref<16x80xi32, #tpu.memory_space<hbm>>) dst(%arg7 : memref<16x80xi32, #tpu.memory_space<vmem>>)
        tpu.yield
      }) : () -> ()
      %scan3A_41 = arith.constant 0 : i32
      %scan3A_42 = arith.constant 0 : i32
      %scan3A_43 = arith.constant 4 : i32
      %scan3A_44 = arith.addi %scan3A_42, %scan3A_43 : i32
      %scan3A_45 = arith.constant 1 : i32
      %scan3A_46 = scf.for %scan3A_49 = %scan3A_42 to %scan3A_44 step %scan3A_45 iter_args(%scan3A_50 = %scan3A_41) -> (i32)  : i32 {
        %mul3A_51 = arith.constant 4 : i32
        %mul3A_52 = arith.muli %mul3A_51, %scan3A_49 : i32
        %add3A_53 = arith.constant 0 : i32
        %add3A_54 = arith.addi %mul3A_52, %add3A_53 : i32
        %dma_start3A = arith.constant 0 : i32
        %dma_start3A_55 = tpu.memref_slice %arg21[%add3A_54, %dma_start3A] : memref<16x80xi32, #tpu.memory_space<vmem>> -> memref<1x80xi32, #tpu.memory_space<vmem>>
        %dma_start3A_56 = tpu.memref_squeeze %dma_start3A_55 : memref<1x80xi32, #tpu.memory_space<vmem>> -> memref<80xi32, #tpu.memory_space<vmem>>
        %dma_start3A_57 = arith.constant 0 : i32
        %dma_start3A_58 = arith.constant 0 : i32
        %dma_start3A_59 = tpu.memref_slice %arg12[%dma_start3A_57, %dma_start3A_58] : memref<10240x64xf32, #tpu.memory_space<vmem_shared>> -> memref<10240x64xf32, #tpu.memory_space<vmem_shared>>
        tpu.enqueue_indirect_dma source(%dma_start3A_59 : memref<10240x64xf32, #tpu.memory_space<vmem_shared>>) target(%arg13 : memref<80x64xf32, #tpu.memory_space<vmem>>) offsets(%dma_start3A_56 : memref<80xi32, #tpu.memory_space<vmem>>) semaphore(%arg8 : memref<!tpu.dma_semaphore, #tpu.memory_space<semaphore_mem>>)
        %mul3A_60 = arith.constant 4 : i32
        %mul3A_61 = arith.muli %mul3A_60, %scan3A_49 : i32
        %add3A_62 = arith.constant 1 : i32
        %add3A_63 = arith.addi %mul3A_61, %add3A_62 : i32
        %dma_start3A_64 = arith.constant 0 : i32
        %dma_start3A_65 = tpu.memref_slice %arg21[%add3A_63, %dma_start3A_64] : memref<16x80xi32, #tpu.memory_space<vmem>> -> memref<1x80xi32, #tpu.memory_space<vmem>>
        %dma_start3A_66 = tpu.memref_squeeze %dma_start3A_65 : memref<1x80xi32, #tpu.memory_space<vmem>> -> memref<80xi32, #tpu.memory_space<vmem>>
        %dma_start3A_67 = arith.constant 0 : i32
        %dma_start3A_68 = arith.constant 0 : i32
        %dma_start3A_69 = tpu.memref_slice %arg12[%dma_start3A_67, %dma_start3A_68] : memref<10240x64xf32, #tpu.memory_space<vmem_shared>> -> memref<10240x64xf32, #tpu.memory_space<vmem_shared>>
        tpu.enqueue_indirect_dma source(%dma_start3A_69 : memref<10240x64xf32, #tpu.memory_space<vmem_shared>>) target(%arg14 : memref<80x64xf32, #tpu.memory_space<vmem>>) offsets(%dma_start3A_66 : memref<80xi32, #tpu.memory_space<vmem>>) semaphore(%arg9 : memref<!tpu.dma_semaphore, #tpu.memory_space<semaphore_mem>>)
        %mul3A_70 = arith.constant 4 : i32
        %mul3A_71 = arith.muli %mul3A_70, %scan3A_49 : i32
        %add3A_72 = arith.constant 2 : i32
        %add3A_73 = arith.addi %mul3A_71, %add3A_72 : i32
        %dma_start3A_74 = arith.constant 0 : i32
        %dma_start3A_75 = tpu.memref_slice %arg21[%add3A_73, %dma_start3A_74] : memref<16x80xi32, #tpu.memory_space<vmem>> -> memref<1x80xi32, #tpu.memory_space<vmem>>
        %dma_start3A_76 = tpu.memref_squeeze %dma_start3A_75 : memref<1x80xi32, #tpu.memory_space<vmem>> -> memref<80xi32, #tpu.memory_space<vmem>>
        %dma_start3A_77 = arith.constant 0 : i32
        %dma_start3A_78 = arith.constant 0 : i32
        %dma_start3A_79 = tpu.memref_slice %arg12[%dma_start3A_77, %dma_start3A_78] : memref<10240x64xf32, #tpu.memory_space<vmem_shared>> -> memref<10240x64xf32, #tpu.memory_space<vmem_shared>>
        tpu.enqueue_indirect_dma source(%dma_start3A_79 : memref<10240x64xf32, #tpu.memory_space<vmem_shared>>) target(%arg15 : memref<80x64xf32, #tpu.memory_space<vmem>>) offsets(%dma_start3A_76 : memref<80xi32, #tpu.memory_space<vmem>>) semaphore(%arg10 : memref<!tpu.dma_semaphore, #tpu.memory_space<semaphore_mem>>)
        %mul3A_80 = arith.constant 4 : i32
        %mul3A_81 = arith.muli %mul3A_80, %scan3A_49 : i32
        %add3A_82 = arith.constant 3 : i32
        %add3A_83 = arith.addi %mul3A_81, %add3A_82 : i32
        %dma_start3A_84 = arith.constant 0 : i32
        %dma_start3A_85 = tpu.memref_slice %arg21[%add3A_83, %dma_start3A_84] : memref<16x80xi32, #tpu.memory_space<vmem>> -> memref<1x80xi32, #tpu.memory_space<vmem>>
        %dma_start3A_86 = tpu.memref_squeeze %dma_start3A_85 : memref<1x80xi32, #tpu.memory_space<vmem>> -> memref<80xi32, #tpu.memory_space<vmem>>
        %dma_start3A_87 = arith.constant 0 : i32
        %dma_start3A_88 = arith.constant 0 : i32
        %dma_start3A_89 = tpu.memref_slice %arg12[%dma_start3A_87, %dma_start3A_88] : memref<10240x64xf32, #tpu.memory_space<vmem_shared>> -> memref<10240x64xf32, #tpu.memory_space<vmem_shared>>
        tpu.enqueue_indirect_dma source(%dma_start3A_89 : memref<10240x64xf32, #tpu.memory_space<vmem_shared>>) target(%arg16 : memref<80x64xf32, #tpu.memory_space<vmem>>) offsets(%dma_start3A_86 : memref<80xi32, #tpu.memory_space<vmem>>) semaphore(%arg11 : memref<!tpu.dma_semaphore, #tpu.memory_space<semaphore_mem>>)
        %dma_wait3A = arith.constant 0 : i32
        %dma_wait3A_90 = tpu.memref_slice %arg21[%add3A_54, %dma_wait3A] : memref<16x80xi32, #tpu.memory_space<vmem>> -> memref<1x80xi32, #tpu.memory_space<vmem>>
        %dma_wait3A_91 = tpu.memref_squeeze %dma_wait3A_90 : memref<1x80xi32, #tpu.memory_space<vmem>> -> memref<80xi32, #tpu.memory_space<vmem>>
        %dma_wait3A_92 = arith.constant 0 : i32
        %dma_wait3A_93 = arith.constant 0 : i32
        %dma_wait3A_94 = tpu.memref_slice %arg12[%dma_wait3A_92, %dma_wait3A_93] : memref<10240x64xf32, #tpu.memory_space<vmem_shared>> -> memref<10240x64xf32, #tpu.memory_space<vmem_shared>>
        tpu.wait_indirect_dma semaphore(%arg8 : memref<!tpu.dma_semaphore, #tpu.memory_space<semaphore_mem>>) src(%dma_wait3A_94 : memref<10240x64xf32, #tpu.memory_space<vmem_shared>>) dst(%arg13 : memref<80x64xf32, #tpu.memory_space<vmem>>)
        %mul3A_95 = arith.constant 4 : i32
        %mul3A_96 = arith.muli %mul3A_95, %scan3A_49 : i32
        %add3A_97 = arith.constant 0 : i32
        %add3A_98 = arith.addi %mul3A_96, %add3A_97 : i32
        %dma_start3A_99 = arith.constant 0 : i32
        %dma_start3A_100 = tpu.memref_slice %arg7[%add3A_98, %dma_start3A_99] : memref<16x80xi32, #tpu.memory_space<vmem>> -> memref<1x80xi32, #tpu.memory_space<vmem>>
        %dma_start3A_101 = tpu.memref_squeeze %dma_start3A_100 : memref<1x80xi32, #tpu.memory_space<vmem>> -> memref<80xi32, #tpu.memory_space<vmem>>
        %dma_start3A_102 = arith.constant 0 : i32
        %dma_start3A_103 = arith.constant 0 : i32
        %dma_start3A_104 = tpu.memref_slice %arg6[%dma_start3A_102, %dma_start3A_103] : memref<10240x64xf32, #tpu.memory_space<vmem_shared>> -> memref<10240x64xf32, #tpu.memory_space<vmem_shared>>
        tpu.enqueue_indirect_dma source(%arg13 : memref<80x64xf32, #tpu.memory_space<vmem>>) target(%dma_start3A_104 : memref<10240x64xf32, #tpu.memory_space<vmem_shared>>) offsets(%dma_start3A_101 : memref<80xi32, #tpu.memory_space<vmem>>) semaphore(%arg17 : memref<!tpu.dma_semaphore, #tpu.memory_space<semaphore_mem>>) {add = true}
        %dma_wait3A_105 = arith.constant 0 : i32
        %dma_wait3A_106 = tpu.memref_slice %arg21[%add3A_63, %dma_wait3A_105] : memref<16x80xi32, #tpu.memory_space<vmem>> -> memref<1x80xi32, #tpu.memory_space<vmem>>
        %dma_wait3A_107 = tpu.memref_squeeze %dma_wait3A_106 : memref<1x80xi32, #tpu.memory_space<vmem>> -> memref<80xi32, #tpu.memory_space<vmem>>
        %dma_wait3A_108 = arith.constant 0 : i32
        %dma_wait3A_109 = arith.constant 0 : i32
        %dma_wait3A_110 = tpu.memref_slice %arg12[%dma_wait3A_108, %dma_wait3A_109] : memref<10240x64xf32, #tpu.memory_space<vmem_shared>> -> memref<10240x64xf32, #tpu.memory_space<vmem_shared>>
        tpu.wait_indirect_dma semaphore(%arg9 : memref<!tpu.dma_semaphore, #tpu.memory_space<semaphore_mem>>) src(%dma_wait3A_110 : memref<10240x64xf32, #tpu.memory_space<vmem_shared>>) dst(%arg14 : memref<80x64xf32, #tpu.memory_space<vmem>>)
        %mul3A_111 = arith.constant 4 : i32
        %mul3A_112 = arith.muli %mul3A_111, %scan3A_49 : i32
        %add3A_113 = arith.constant 1 : i32
        %add3A_114 = arith.addi %mul3A_112, %add3A_113 : i32
        %dma_start3A_115 = arith.constant 0 : i32
        %dma_start3A_116 = tpu.memref_slice %arg7[%add3A_114, %dma_start3A_115] : memref<16x80xi32, #tpu.memory_space<vmem>> -> memref<1x80xi32, #tpu.memory_space<vmem>>
        %dma_start3A_117 = tpu.memref_squeeze %dma_start3A_116 : memref<1x80xi32, #tpu.memory_space<vmem>> -> memref<80xi32, #tpu.memory_space<vmem>>
        %dma_start3A_118 = arith.constant 0 : i32
        %dma_start3A_119 = arith.constant 0 : i32
        %dma_start3A_120 = tpu.memref_slice %arg6[%dma_start3A_118, %dma_start3A_119] : memref<10240x64xf32, #tpu.memory_space<vmem_shared>> -> memref<10240x64xf32, #tpu.memory_space<vmem_shared>>
        tpu.enqueue_indirect_dma source(%arg14 : memref<80x64xf32, #tpu.memory_space<vmem>>) target(%dma_start3A_120 : memref<10240x64xf32, #tpu.memory_space<vmem_shared>>) offsets(%dma_start3A_117 : memref<80xi32, #tpu.memory_space<vmem>>) semaphore(%arg18 : memref<!tpu.dma_semaphore, #tpu.memory_space<semaphore_mem>>) {add = true}
        %dma_wait3A_121 = arith.constant 0 : i32
        %dma_wait3A_122 = tpu.memref_slice %arg21[%add3A_73, %dma_wait3A_121] : memref<16x80xi32, #tpu.memory_space<vmem>> -> memref<1x80xi32, #tpu.memory_space<vmem>>
        %dma_wait3A_123 = tpu.memref_squeeze %dma_wait3A_122 : memref<1x80xi32, #tpu.memory_space<vmem>> -> memref<80xi32, #tpu.memory_space<vmem>>
        %dma_wait3A_124 = arith.constant 0 : i32
        %dma_wait3A_125 = arith.constant 0 : i32
        %dma_wait3A_126 = tpu.memref_slice %arg12[%dma_wait3A_124, %dma_wait3A_125] : memref<10240x64xf32, #tpu.memory_space<vmem_shared>> -> memref<10240x64xf32, #tpu.memory_space<vmem_shared>>
        tpu.wait_indirect_dma semaphore(%arg10 : memref<!tpu.dma_semaphore, #tpu.memory_space<semaphore_mem>>) src(%dma_wait3A_126 : memref<10240x64xf32, #tpu.memory_space<vmem_shared>>) dst(%arg15 : memref<80x64xf32, #tpu.memory_space<vmem>>)
        %mul3A_127 = arith.constant 4 : i32
        %mul3A_128 = arith.muli %mul3A_127, %scan3A_49 : i32
        %add3A_129 = arith.constant 2 : i32
        %add3A_130 = arith.addi %mul3A_128, %add3A_129 : i32
        %dma_start3A_131 = arith.constant 0 : i32
        %dma_start3A_132 = tpu.memref_slice %arg7[%add3A_130, %dma_start3A_131] : memref<16x80xi32, #tpu.memory_space<vmem>> -> memref<1x80xi32, #tpu.memory_space<vmem>>
        %dma_start3A_133 = tpu.memref_squeeze %dma_start3A_132 : memref<1x80xi32, #tpu.memory_space<vmem>> -> memref<80xi32, #tpu.memory_space<vmem>>
        %dma_start3A_134 = arith.constant 0 : i32
        %dma_start3A_135 = arith.constant 0 : i32
        %dma_start3A_136 = tpu.memref_slice %arg6[%dma_start3A_134, %dma_start3A_135] : memref<10240x64xf32, #tpu.memory_space<vmem_shared>> -> memref<10240x64xf32, #tpu.memory_space<vmem_shared>>
        tpu.enqueue_indirect_dma source(%arg15 : memref<80x64xf32, #tpu.memory_space<vmem>>) target(%dma_start3A_136 : memref<10240x64xf32, #tpu.memory_space<vmem_shared>>) offsets(%dma_start3A_133 : memref<80xi32, #tpu.memory_space<vmem>>) semaphore(%arg19 : memref<!tpu.dma_semaphore, #tpu.memory_space<semaphore_mem>>) {add = true}
        %dma_wait3A_137 = arith.constant 0 : i32
        %dma_wait3A_138 = tpu.memref_slice %arg21[%add3A_83, %dma_wait3A_137] : memref<16x80xi32, #tpu.memory_space<vmem>> -> memref<1x80xi32, #tpu.memory_space<vmem>>
        %dma_wait3A_139 = tpu.memref_squeeze %dma_wait3A_138 : memref<1x80xi32, #tpu.memory_space<vmem>> -> memref<80xi32, #tpu.memory_space<vmem>>
        %dma_wait3A_140 = arith.constant 0 : i32
        %dma_wait3A_141 = arith.constant 0 : i32
        %dma_wait3A_142 = tpu.memref_slice %arg12[%dma_wait3A_140, %dma_wait3A_141] : memref<10240x64xf32, #tpu.memory_space<vmem_shared>> -> memref<10240x64xf32, #tpu.memory_space<vmem_shared>>
        tpu.wait_indirect_dma semaphore(%arg11 : memref<!tpu.dma_semaphore, #tpu.memory_space<semaphore_mem>>) src(%dma_wait3A_142 : memref<10240x64xf32, #tpu.memory_space<vmem_shared>>) dst(%arg16 : memref<80x64xf32, #tpu.memory_space<vmem>>)
        %mul3A_143 = arith.constant 4 : i32
        %mul3A_144 = arith.muli %mul3A_143, %scan3A_49 : i32
        %add3A_145 = arith.constant 3 : i32
        %add3A_146 = arith.addi %mul3A_144, %add3A_145 : i32
        %dma_start3A_147 = arith.constant 0 : i32
        %dma_start3A_148 = tpu.memref_slice %arg7[%add3A_146, %dma_start3A_147] : memref<16x80xi32, #tpu.memory_space<vmem>> -> memref<1x80xi32, #tpu.memory_space<vmem>>
        %dma_start3A_149 = tpu.memref_squeeze %dma_start3A_148 : memref<1x80xi32, #tpu.memory_space<vmem>> -> memref<80xi32, #tpu.memory_space<vmem>>
        %dma_start3A_150 = arith.constant 0 : i32
        %dma_start3A_151 = arith.constant 0 : i32
        %dma_start3A_152 = tpu.memref_slice %arg6[%dma_start3A_150, %dma_start3A_151] : memref<10240x64xf32, #tpu.memory_space<vmem_shared>> -> memref<10240x64xf32, #tpu.memory_space<vmem_shared>>
        tpu.enqueue_indirect_dma source(%arg16 : memref<80x64xf32, #tpu.memory_space<vmem>>) target(%dma_start3A_152 : memref<10240x64xf32, #tpu.memory_space<vmem_shared>>) offsets(%dma_start3A_149 : memref<80xi32, #tpu.memory_space<vmem>>) semaphore(%arg20 : memref<!tpu.dma_semaphore, #tpu.memory_space<semaphore_mem>>) {add = true}
        %dma_wait3A_153 = arith.constant 0 : i32
        %dma_wait3A_154 = tpu.memref_slice %arg7[%add3A_98, %dma_wait3A_153] : memref<16x80xi32, #tpu.memory_space<vmem>> -> memref<1x80xi32, #tpu.memory_space<vmem>>
        %dma_wait3A_155 = tpu.memref_squeeze %dma_wait3A_154 : memref<1x80xi32, #tpu.memory_space<vmem>> -> memref<80xi32, #tpu.memory_space<vmem>>
        %dma_wait3A_156 = arith.constant 0 : i32
        %dma_wait3A_157 = arith.constant 0 : i32
        %dma_wait3A_158 = tpu.memref_slice %arg6[%dma_wait3A_156, %dma_wait3A_157] : memref<10240x64xf32, #tpu.memory_space<vmem_shared>> -> memref<10240x64xf32, #tpu.memory_space<vmem_shared>>
        tpu.wait_indirect_dma semaphore(%arg17 : memref<!tpu.dma_semaphore, #tpu.memory_space<semaphore_mem>>) src(%arg13 : memref<80x64xf32, #tpu.memory_space<vmem>>) dst(%dma_wait3A_158 : memref<10240x64xf32, #tpu.memory_space<vmem_shared>>)
        %dma_wait3A_159 = arith.constant 0 : i32
        %dma_wait3A_160 = tpu.memref_slice %arg7[%add3A_114, %dma_wait3A_159] : memref<16x80xi32, #tpu.memory_space<vmem>> -> memref<1x80xi32, #tpu.memory_space<vmem>>
        %dma_wait3A_161 = tpu.memref_squeeze %dma_wait3A_160 : memref<1x80xi32, #tpu.memory_space<vmem>> -> memref<80xi32, #tpu.memory_space<vmem>>
        %dma_wait3A_162 = arith.constant 0 : i32
        %dma_wait3A_163 = arith.constant 0 : i32
        %dma_wait3A_164 = tpu.memref_slice %arg6[%dma_wait3A_162, %dma_wait3A_163] : memref<10240x64xf32, #tpu.memory_space<vmem_shared>> -> memref<10240x64xf32, #tpu.memory_space<vmem_shared>>
        tpu.wait_indirect_dma semaphore(%arg18 : memref<!tpu.dma_semaphore, #tpu.memory_space<semaphore_mem>>) src(%arg14 : memref<80x64xf32, #tpu.memory_space<vmem>>) dst(%dma_wait3A_164 : memref<10240x64xf32, #tpu.memory_space<vmem_shared>>)
        %dma_wait3A_165 = arith.constant 0 : i32
        %dma_wait3A_166 = tpu.memref_slice %arg7[%add3A_130, %dma_wait3A_165] : memref<16x80xi32, #tpu.memory_space<vmem>> -> memref<1x80xi32, #tpu.memory_space<vmem>>
        %dma_wait3A_167 = tpu.memref_squeeze %dma_wait3A_166 : memref<1x80xi32, #tpu.memory_space<vmem>> -> memref<80xi32, #tpu.memory_space<vmem>>
        %dma_wait3A_168 = arith.constant 0 : i32
        %dma_wait3A_169 = arith.constant 0 : i32
        %dma_wait3A_170 = tpu.memref_slice %arg6[%dma_wait3A_168, %dma_wait3A_169] : memref<10240x64xf32, #tpu.memory_space<vmem_shared>> -> memref<10240x64xf32, #tpu.memory_space<vmem_shared>>
        tpu.wait_indirect_dma semaphore(%arg19 : memref<!tpu.dma_semaphore, #tpu.memory_space<semaphore_mem>>) src(%arg15 : memref<80x64xf32, #tpu.memory_space<vmem>>) dst(%dma_wait3A_170 : memref<10240x64xf32, #tpu.memory_space<vmem_shared>>)
        %dma_wait3A_171 = arith.constant 0 : i32
        %dma_wait3A_172 = tpu.memref_slice %arg7[%add3A_146, %dma_wait3A_171] : memref<16x80xi32, #tpu.memory_space<vmem>> -> memref<1x80xi32, #tpu.memory_space<vmem>>
        %dma_wait3A_173 = tpu.memref_squeeze %dma_wait3A_172 : memref<1x80xi32, #tpu.memory_space<vmem>> -> memref<80xi32, #tpu.memory_space<vmem>>
        %dma_wait3A_174 = arith.constant 0 : i32
        %dma_wait3A_175 = arith.constant 0 : i32
        %dma_wait3A_176 = tpu.memref_slice %arg6[%dma_wait3A_174, %dma_wait3A_175] : memref<10240x64xf32, #tpu.memory_space<vmem_shared>> -> memref<10240x64xf32, #tpu.memory_space<vmem_shared>>
        tpu.wait_indirect_dma semaphore(%arg20 : memref<!tpu.dma_semaphore, #tpu.memory_space<semaphore_mem>>) src(%arg16 : memref<80x64xf32, #tpu.memory_space<vmem>>) dst(%dma_wait3A_176 : memref<10240x64xf32, #tpu.memory_space<vmem_shared>>)
        %scan3A_177 = arith.constant 0 : i32
        scf.yield %scan3A_177 : i32
      }
      %scan3A_47 = arith.constant 4 : i32
      %scan3A_48 = arith.constant 0 : i32
      scf.yield %scan3A_48 : i32
    }
    %scan3A_33 = arith.constant 32 : i32
    %barrier3A_34 = arith.constant 0 : index
    tpu.barrier barrier_id(%barrier3A_34)
    "tpu.region"() ({
      %run_scoped3A = tpu.sem_alloc : memref<!tpu.dma_semaphore, #tpu.memory_space<semaphore_mem>>
      %dma_start3A = arith.constant 0 : i32
      %dma_start3A_35 = tpu.memref_slice %arg5[%arg0, %mul3A_0, %dma_start3A] : memref<2x10240x64xf32, #tpu.memory_space<hbm>> -> memref<1x640x64xf32, #tpu.memory_space<hbm>>
      %dma_start3A_36 = tpu.memref_squeeze %dma_start3A_35 : memref<1x640x64xf32, #tpu.memory_space<hbm>> -> memref<640x64xf32, #tpu.memory_space<hbm>>
      %dma_start3A_37 = arith.constant 0 : i32
      %dma_start3A_38 = tpu.memref_slice %arg6[%mul3A_0, %dma_start3A_37] : memref<10240x64xf32, #tpu.memory_space<vmem_shared>> -> memref<640x64xf32, #tpu.memory_space<vmem_shared>>
      tpu.enqueue_dma source(%dma_start3A_38 : memref<640x64xf32, #tpu.memory_space<vmem_shared>>) target(%dma_start3A_36 : memref<640x64xf32, #tpu.memory_space<hbm>>) target_semaphore(%run_scoped3A : memref<!tpu.dma_semaphore, #tpu.memory_space<semaphore_mem>>)
      %dma_wait3A = arith.constant 0 : i32
      %dma_wait3A_39 = tpu.memref_slice %arg5[%arg0, %mul3A_0, %dma_wait3A] : memref<2x10240x64xf32, #tpu.memory_space<hbm>> -> memref<1x640x64xf32, #tpu.memory_space<hbm>>
      %dma_wait3A_40 = tpu.memref_squeeze %dma_wait3A_39 : memref<1x640x64xf32, #tpu.memory_space<hbm>> -> memref<640x64xf32, #tpu.memory_space<hbm>>
      %dma_wait3A_41 = arith.constant 0 : i32
      %dma_wait3A_42 = tpu.memref_slice %arg6[%mul3A_0, %dma_wait3A_41] : memref<10240x64xf32, #tpu.memory_space<vmem_shared>> -> memref<640x64xf32, #tpu.memory_space<vmem_shared>>
      tpu.wait_dma2 semaphore(%run_scoped3A : memref<!tpu.dma_semaphore, #tpu.memory_space<semaphore_mem>>) src(%dma_wait3A_42 : memref<640x64xf32, #tpu.memory_space<vmem_shared>>) dst(%dma_wait3A_40 : memref<640x64xf32, #tpu.memory_space<hbm>>)
      tpu.yield
    }) : () -> ()
    return
  }
}

module attributes {stable_mosaic.version = 14 : i64} {
  func.func @_layer1_tc(%arg0: i32, %arg1: memref<2000x128xf32, #tpu.memory_space<vmem>>, %arg2: memref<2x2000x64xf32, #tpu.memory_space<vmem>>, %arg3: memref<2x2000x128xf32, #tpu.memory_space<vmem>>, %arg4: memref<128x128xf32, #tpu.memory_space<vmem>>, %arg5: memref<128x128xf32, #tpu.memory_space<vmem>>, %arg6: memref<1x128xf32, #tpu.memory_space<vmem>>, %arg7: memref<2x2000x64xf32, #tpu.memory_space<vmem>>) attributes {dimension_semantics = [#tpu.dimension_semantics<arbitrary>], iteration_bounds = array<i64: 5>, scalar_prefetch = 0 : i64, scratch_operands = 0 : i64, tpu.core_type = #tpu.core_type<tc>, window_params = [{transform_indices = @transform_0, window_bounds = array<i64: 2000, 128>}, {transform_indices = @transform_1, window_bounds = array<i64: 2, 2000, 64>}, {transform_indices = @transform_2, window_bounds = array<i64: 2, 2000, 128>}, {pipeline_mode = #tpu.pipeline_mode<synchronous>, transform_indices = @transform_3, window_bounds = array<i64: 128, 128>}, {pipeline_mode = #tpu.pipeline_mode<synchronous>, transform_indices = @transform_4, window_bounds = array<i64: 128, 128>}, {pipeline_mode = #tpu.pipeline_mode<synchronous>, transform_indices = @transform_5, window_bounds = array<i64: 1, 128>}, {transform_indices = @transform_6, window_bounds = array<i64: 2, 2000, 64>}]} {
    %get3A = arith.constant 0 : index
    %get3A_0 = arith.constant 0 : index
    %get3A_1 = vector.load %arg1[%get3A, %get3A_0] : memref<2000x128xf32, #tpu.memory_space<vmem>>, vector<2000x128xf32>
    %get3A_2 = arith.constant 0 : index
    %get3A_3 = arith.constant 0 : index
    %get3A_4 = arith.constant 0 : index
    %get3A_5 = vector.load %arg2[%get3A_2, %get3A_3, %get3A_4] : memref<2x2000x64xf32, #tpu.memory_space<vmem>>, vector<1x2000x64xf32>
    %get3A_6 = vector.shape_cast %get3A_5 : vector<1x2000x64xf32> to vector<2000x64xf32>
    %get3A_7 = arith.constant 1 : index
    %get3A_8 = arith.constant 0 : index
    %get3A_9 = arith.constant 0 : index
    %get3A_10 = vector.load %arg2[%get3A_7, %get3A_8, %get3A_9] : memref<2x2000x64xf32, #tpu.memory_space<vmem>>, vector<1x2000x64xf32>
    %get3A_11 = vector.shape_cast %get3A_10 : vector<1x2000x64xf32> to vector<2000x64xf32>
    %concatenate3A = tpu.concatenate %get3A_6, %get3A_11 in 1 : vector<2000x64xf32>, vector<2000x64xf32> -> vector<2000x128xf32>
    %get3A_12 = arith.constant 0 : index
    %get3A_13 = arith.constant 0 : index
    %get3A_14 = arith.constant 0 : index
    %get3A_15 = vector.load %arg3[%get3A_12, %get3A_13, %get3A_14] : memref<2x2000x128xf32, #tpu.memory_space<vmem>>, vector<1x2000x1xf32>
    %get3A_16 = vector.shape_cast %get3A_15 : vector<1x2000x1xf32> to vector<2000x1xf32>
    %get3A_17 = arith.constant 1 : index
    %get3A_18 = arith.constant 0 : index
    %get3A_19 = arith.constant 0 : index
    %get3A_20 = vector.load %arg3[%get3A_17, %get3A_18, %get3A_19] : memref<2x2000x128xf32, #tpu.memory_space<vmem>>, vector<1x2000x1xf32>
    %get3A_21 = vector.shape_cast %get3A_20 : vector<1x2000x1xf32> to vector<2000x1xf32>
    %add3A = arith.addf %get3A_16, %get3A_21 : vector<2000x1xf32>
    %max3A = arith.constant 1.000000e+00 : f32
    %max3A_22 = vector.broadcast %max3A : f32 to vector<2000x1xf32>
    %max3A_23 = arith.maximumf %add3A, %max3A_22 : vector<2000x1xf32>
    %get3A_24 = arith.constant 0 : index
    %get3A_25 = arith.constant 0 : index
    %get3A_26 = vector.load %arg4[%get3A_24, %get3A_25] : memref<128x128xf32, #tpu.memory_space<vmem>>, vector<128x128xf32>
    %dot_general3A = arith.constant dense<0.000000e+00> : vector<2000x128xf32>
    %dot_general3A_27 = tpu.matmul %get3A_1, %get3A_26, %dot_general3A {dimension_numbers = #tpu.dot_dimension_numbers<[1], [1], [0], [0], [0, 0, 1, 0], [], []>, transpose_lhs_hint = false} : vector<2000x128xf32>, vector<128x128xf32>, vector<2000x128xf32> -> vector<2000x128xf32>
    %div3A = vector.broadcast %max3A_23 : vector<2000x1xf32> to vector<2000x128xf32>
    %div3A_28 = arith.divf %concatenate3A, %div3A : vector<2000x128xf32>
    %get3A_29 = arith.constant 0 : index
    %get3A_30 = arith.constant 0 : index
    %get3A_31 = vector.load %arg5[%get3A_29, %get3A_30] : memref<128x128xf32, #tpu.memory_space<vmem>>, vector<128x128xf32>
    %dot_general3A_32 = arith.constant dense<0.000000e+00> : vector<2000x128xf32>
    %dot_general3A_33 = tpu.matmul %div3A_28, %get3A_31, %dot_general3A_32 {dimension_numbers = #tpu.dot_dimension_numbers<[1], [1], [0], [0], [0, 0, 1, 0], [], []>, transpose_lhs_hint = false} : vector<2000x128xf32>, vector<128x128xf32>, vector<2000x128xf32> -> vector<2000x128xf32>
    %add3A_34 = arith.addf %dot_general3A_27, %dot_general3A_33 : vector<2000x128xf32>
    %get3A_35 = arith.constant 0 : index
    %get3A_36 = arith.constant 0 : index
    %get3A_37 = vector.load %arg6[%get3A_35, %get3A_36] : memref<1x128xf32, #tpu.memory_space<vmem>>, vector<1x128xf32>
    %add3A_38 = vector.broadcast %get3A_37 : vector<1x128xf32> to vector<2000x128xf32>
    %add3A_39 = arith.addf %add3A_34, %add3A_38 : vector<2000x128xf32>
    %max3A_40 = arith.constant 0.000000e+00 : f32
    %max3A_41 = vector.broadcast %max3A_40 : f32 to vector<2000x128xf32>
    %max3A_42 = arith.maximumf %add3A_39, %max3A_41 : vector<2000x128xf32>
    %slice3A = vector.extract_strided_slice %max3A_42 {offsets = [0, 0], sizes = [2000, 64], strides = [1, 1]} : vector<2000x128xf32> to vector<2000x64xf32>
    %swap3A = arith.constant 0 : index
    %swap3A_43 = arith.constant 0 : index
    %swap3A_44 = arith.constant 0 : index
    %swap3A_45 = vector.load %arg7[%swap3A, %swap3A_43, %swap3A_44] : memref<2x2000x64xf32, #tpu.memory_space<vmem>>, vector<1x2000x64xf32>
    %swap3A_46 = vector.shape_cast %swap3A_45 : vector<1x2000x64xf32> to vector<2000x64xf32>
    %swap3A_47 = vector.shape_cast %slice3A : vector<2000x64xf32> to vector<1x2000x64xf32>
    tpu.vector_store %arg7[%swap3A, %swap3A_43, %swap3A_44], %swap3A_47 {strides = array<i32>} : memref<2x2000x64xf32, #tpu.memory_space<vmem>>, vector<1x2000x64xf32>,
    %slice3A_48 = vector.extract_strided_slice %max3A_42 {offsets = [0, 64], sizes = [2000, 64], strides = [1, 1]} : vector<2000x128xf32> to vector<2000x64xf32>
    %swap3A_49 = arith.constant 1 : index
    %swap3A_50 = arith.constant 0 : index
    %swap3A_51 = arith.constant 0 : index
    %swap3A_52 = vector.load %arg7[%swap3A_49, %swap3A_50, %swap3A_51] : memref<2x2000x64xf32, #tpu.memory_space<vmem>>, vector<1x2000x64xf32>
    %swap3A_53 = vector.shape_cast %swap3A_52 : vector<1x2000x64xf32> to vector<2000x64xf32>
    %swap3A_54 = vector.shape_cast %slice3A_48 : vector<2000x64xf32> to vector<1x2000x64xf32>
    tpu.vector_store %arg7[%swap3A_49, %swap3A_50, %swap3A_51], %swap3A_54 {strides = array<i32>} : memref<2x2000x64xf32, #tpu.memory_space<vmem>>, vector<1x2000x64xf32>,
    return
  }
  func.func @transform_0(%arg0: i32) -> (i32, i32) {
    %c0_i32 = arith.constant 0 : i32
    %c0_i32_0 = arith.constant 0 : i32
    return %arg0, %c0_i32 : i32, i32
  }
  func.func @transform_1(%arg0: i32) -> (i32, i32, i32) {
    %c0_i32 = arith.constant 0 : i32
    %c0_i32_0 = arith.constant 0 : i32
    %c0_i32_1 = arith.constant 0 : i32
    return %c0_i32, %arg0, %c0_i32_0 : i32, i32, i32
  }
  func.func @transform_2(%arg0: i32) -> (i32, i32, i32) {
    %c0_i32 = arith.constant 0 : i32
    %c0_i32_0 = arith.constant 0 : i32
    %c0_i32_1 = arith.constant 0 : i32
    return %c0_i32, %arg0, %c0_i32_0 : i32, i32, i32
  }
  func.func @transform_3(%arg0: i32) -> (i32, i32) {
    %c0_i32 = arith.constant 0 : i32
    %c0_i32_0 = arith.constant 0 : i32
    %c0_i32_1 = arith.constant 0 : i32
    return %c0_i32, %c0_i32_0 : i32, i32
  }
  func.func @transform_4(%arg0: i32) -> (i32, i32) {
    %c0_i32 = arith.constant 0 : i32
    %c0_i32_0 = arith.constant 0 : i32
    %c0_i32_1 = arith.constant 0 : i32
    return %c0_i32, %c0_i32_0 : i32, i32
  }
  func.func @transform_5(%arg0: i32) -> (i32, i32) {
    %c0_i32 = arith.constant 0 : i32
    %c0_i32_0 = arith.constant 0 : i32
    %c0_i32_1 = arith.constant 0 : i32
    return %c0_i32, %c0_i32_0 : i32, i32
  }
  func.func @transform_6(%arg0: i32) -> (i32, i32, i32) {
    %c0_i32 = arith.constant 0 : i32
    %c0_i32_0 = arith.constant 0 : i32
    %c0_i32_1 = arith.constant 0 : i32
    return %c0_i32, %arg0, %c0_i32_0 : i32, i32, i32
  }
}

module attributes {stable_mosaic.version = 14 : i64} {
  func.func @_layer2_head_tc(%arg0: i32, %arg1: memref<2x2000x64xf32, #tpu.memory_space<vmem>>, %arg2: memref<2x2000x64xf32, #tpu.memory_space<vmem>>, %arg3: memref<2x2000x128xf32, #tpu.memory_space<vmem>>, %arg4: memref<128x128xf32, #tpu.memory_space<vmem>>, %arg5: memref<128x128xf32, #tpu.memory_space<vmem>>, %arg6: memref<1x128xf32, #tpu.memory_space<vmem>>, %arg7: memref<128x128xf32, #tpu.memory_space<vmem>>, %arg8: memref<1x128xf32, #tpu.memory_space<vmem>>, %arg9: memref<128x128xf32, #tpu.memory_space<vmem>>, %arg10: memref<1x128xf32, #tpu.memory_space<vmem>>, %arg11: memref<2000x128xf32, #tpu.memory_space<vmem>>) attributes {dimension_semantics = [#tpu.dimension_semantics<arbitrary>], iteration_bounds = array<i64: 5>, scalar_prefetch = 0 : i64, scratch_operands = 0 : i64, tpu.core_type = #tpu.core_type<tc>, window_params = [{transform_indices = @transform_0, window_bounds = array<i64: 2, 2000, 64>}, {transform_indices = @transform_1, window_bounds = array<i64: 2, 2000, 64>}, {transform_indices = @transform_2, window_bounds = array<i64: 2, 2000, 128>}, {pipeline_mode = #tpu.pipeline_mode<synchronous>, transform_indices = @transform_3, window_bounds = array<i64: 128, 128>}, {pipeline_mode = #tpu.pipeline_mode<synchronous>, transform_indices = @transform_4, window_bounds = array<i64: 128, 128>}, {pipeline_mode = #tpu.pipeline_mode<synchronous>, transform_indices = @transform_5, window_bounds = array<i64: 1, 128>}, {pipeline_mode = #tpu.pipeline_mode<synchronous>, transform_indices = @transform_6, window_bounds = array<i64: 128, 128>}, {pipeline_mode = #tpu.pipeline_mode<synchronous>, transform_indices = @transform_7, window_bounds = array<i64: 1, 128>}, {pipeline_mode = #tpu.pipeline_mode<synchronous>, transform_indices = @transform_8, window_bounds = array<i64: 128, 128>}, {pipeline_mode = #tpu.pipeline_mode<synchronous>, transform_indices = @transform_9, window_bounds = array<i64: 1, 128>}, {transform_indices = @transform_10, window_bounds = array<i64: 2000, 128>}]} {
    %get3A = arith.constant 0 : index
    %get3A_0 = arith.constant 0 : index
    %get3A_1 = arith.constant 0 : index
    %get3A_2 = vector.load %arg1[%get3A, %get3A_0, %get3A_1] : memref<2x2000x64xf32, #tpu.memory_space<vmem>>, vector<1x2000x64xf32>
    %get3A_3 = vector.shape_cast %get3A_2 : vector<1x2000x64xf32> to vector<2000x64xf32>
    %get3A_4 = arith.constant 1 : index
    %get3A_5 = arith.constant 0 : index
    %get3A_6 = arith.constant 0 : index
    %get3A_7 = vector.load %arg1[%get3A_4, %get3A_5, %get3A_6] : memref<2x2000x64xf32, #tpu.memory_space<vmem>>, vector<1x2000x64xf32>
    %get3A_8 = vector.shape_cast %get3A_7 : vector<1x2000x64xf32> to vector<2000x64xf32>
    %concatenate3A = tpu.concatenate %get3A_3, %get3A_8 in 1 : vector<2000x64xf32>, vector<2000x64xf32> -> vector<2000x128xf32>
    %get3A_9 = arith.constant 0 : index
    %get3A_10 = arith.constant 0 : index
    %get3A_11 = arith.constant 0 : index
    %get3A_12 = vector.load %arg2[%get3A_9, %get3A_10, %get3A_11] : memref<2x2000x64xf32, #tpu.memory_space<vmem>>, vector<1x2000x64xf32>
    %get3A_13 = vector.shape_cast %get3A_12 : vector<1x2000x64xf32> to vector<2000x64xf32>
    %get3A_14 = arith.constant 1 : index
    %get3A_15 = arith.constant 0 : index
    %get3A_16 = arith.constant 0 : index
    %get3A_17 = vector.load %arg2[%get3A_14, %get3A_15, %get3A_16] : memref<2x2000x64xf32, #tpu.memory_space<vmem>>, vector<1x2000x64xf32>
    %get3A_18 = vector.shape_cast %get3A_17 : vector<1x2000x64xf32> to vector<2000x64xf32>
    %concatenate3A_19 = tpu.concatenate %get3A_13, %get3A_18 in 1 : vector<2000x64xf32>, vector<2000x64xf32> -> vector<2000x128xf32>
    %get3A_20 = arith.constant 0 : index
    %get3A_21 = arith.constant 0 : index
    %get3A_22 = arith.constant 0 : index
    %get3A_23 = vector.load %arg3[%get3A_20, %get3A_21, %get3A_22] : memref<2x2000x128xf32, #tpu.memory_space<vmem>>, vector<1x2000x1xf32>
    %get3A_24 = vector.shape_cast %get3A_23 : vector<1x2000x1xf32> to vector<2000x1xf32>
    %get3A_25 = arith.constant 1 : index
    %get3A_26 = arith.constant 0 : index
    %get3A_27 = arith.constant 0 : index
    %get3A_28 = vector.load %arg3[%get3A_25, %get3A_26, %get3A_27] : memref<2x2000x128xf32, #tpu.memory_space<vmem>>, vector<1x2000x1xf32>
    %get3A_29 = vector.shape_cast %get3A_28 : vector<1x2000x1xf32> to vector<2000x1xf32>
    %add3A = arith.addf %get3A_24, %get3A_29 : vector<2000x1xf32>
    %max3A = arith.constant 1.000000e+00 : f32
    %max3A_30 = vector.broadcast %max3A : f32 to vector<2000x1xf32>
    %max3A_31 = arith.maximumf %add3A, %max3A_30 : vector<2000x1xf32>
    %get3A_32 = arith.constant 0 : index
    %get3A_33 = arith.constant 0 : index
    %get3A_34 = vector.load %arg4[%get3A_32, %get3A_33] : memref<128x128xf32, #tpu.memory_space<vmem>>, vector<128x128xf32>
    %dot_general3A = arith.constant dense<0.000000e+00> : vector<2000x128xf32>
    %dot_general3A_35 = tpu.matmul %concatenate3A, %get3A_34, %dot_general3A {dimension_numbers = #tpu.dot_dimension_numbers<[1], [1], [0], [0], [0, 0, 1, 0], [], []>, transpose_lhs_hint = false} : vector<2000x128xf32>, vector<128x128xf32>, vector<2000x128xf32> -> vector<2000x128xf32>
    %div3A = vector.broadcast %max3A_31 : vector<2000x1xf32> to vector<2000x128xf32>
    %div3A_36 = arith.divf %concatenate3A_19, %div3A : vector<2000x128xf32>
    %get3A_37 = arith.constant 0 : index
    %get3A_38 = arith.constant 0 : index
    %get3A_39 = vector.load %arg5[%get3A_37, %get3A_38] : memref<128x128xf32, #tpu.memory_space<vmem>>, vector<128x128xf32>
    %dot_general3A_40 = arith.constant dense<0.000000e+00> : vector<2000x128xf32>
    %dot_general3A_41 = tpu.matmul %div3A_36, %get3A_39, %dot_general3A_40 {dimension_numbers = #tpu.dot_dimension_numbers<[1], [1], [0], [0], [0, 0, 1, 0], [], []>, transpose_lhs_hint = false} : vector<2000x128xf32>, vector<128x128xf32>, vector<2000x128xf32> -> vector<2000x128xf32>
    %add3A_42 = arith.addf %dot_general3A_35, %dot_general3A_41 : vector<2000x128xf32>
    %get3A_43 = arith.constant 0 : index
    %get3A_44 = arith.constant 0 : index
    %get3A_45 = vector.load %arg6[%get3A_43, %get3A_44] : memref<1x128xf32, #tpu.memory_space<vmem>>, vector<1x128xf32>
    %add3A_46 = vector.broadcast %get3A_45 : vector<1x128xf32> to vector<2000x128xf32>
    %add3A_47 = arith.addf %add3A_42, %add3A_46 : vector<2000x128xf32>
    %max3A_48 = arith.constant 0.000000e+00 : f32
    %max3A_49 = vector.broadcast %max3A_48 : f32 to vector<2000x128xf32>
    %max3A_50 = arith.maximumf %add3A_47, %max3A_49 : vector<2000x128xf32>
    %get3A_51 = arith.constant 0 : index
    %get3A_52 = arith.constant 0 : index
    %get3A_53 = vector.load %arg7[%get3A_51, %get3A_52] : memref<128x128xf32, #tpu.memory_space<vmem>>, vector<128x128xf32>
    %dot_general3A_54 = arith.constant dense<0.000000e+00> : vector<2000x128xf32>
    %dot_general3A_55 = tpu.matmul %max3A_50, %get3A_53, %dot_general3A_54 {dimension_numbers = #tpu.dot_dimension_numbers<[1], [1], [0], [0], [0, 0, 1, 0], [], []>, transpose_lhs_hint = false} : vector<2000x128xf32>, vector<128x128xf32>, vector<2000x128xf32> -> vector<2000x128xf32>
    %get3A_56 = arith.constant 0 : index
    %get3A_57 = arith.constant 0 : index
    %get3A_58 = vector.load %arg8[%get3A_56, %get3A_57] : memref<1x128xf32, #tpu.memory_space<vmem>>, vector<1x128xf32>
    %add3A_59 = vector.broadcast %get3A_58 : vector<1x128xf32> to vector<2000x128xf32>
    %add3A_60 = arith.addf %dot_general3A_55, %add3A_59 : vector<2000x128xf32>
    %max3A_61 = arith.constant 0.000000e+00 : f32
    %max3A_62 = vector.broadcast %max3A_61 : f32 to vector<2000x128xf32>
    %max3A_63 = arith.maximumf %add3A_60, %max3A_62 : vector<2000x128xf32>
    %get3A_64 = arith.constant 0 : index
    %get3A_65 = arith.constant 0 : index
    %get3A_66 = vector.load %arg9[%get3A_64, %get3A_65] : memref<128x128xf32, #tpu.memory_space<vmem>>, vector<128x128xf32>
    %dot_general3A_67 = arith.constant dense<0.000000e+00> : vector<2000x128xf32>
    %dot_general3A_68 = tpu.matmul %max3A_63, %get3A_66, %dot_general3A_67 {dimension_numbers = #tpu.dot_dimension_numbers<[1], [1], [0], [0], [0, 0, 1, 0], [], []>, transpose_lhs_hint = false} : vector<2000x128xf32>, vector<128x128xf32>, vector<2000x128xf32> -> vector<2000x128xf32>
    %get3A_69 = arith.constant 0 : index
    %get3A_70 = arith.constant 0 : index
    %get3A_71 = vector.load %arg10[%get3A_69, %get3A_70] : memref<1x128xf32, #tpu.memory_space<vmem>>, vector<1x128xf32>
    %add3A_72 = vector.broadcast %get3A_71 : vector<1x128xf32> to vector<2000x128xf32>
    %add3A_73 = arith.addf %dot_general3A_68, %add3A_72 : vector<2000x128xf32>
    %swap3A = arith.constant 0 : index
    %swap3A_74 = arith.constant 0 : index
    %swap3A_75 = vector.load %arg11[%swap3A, %swap3A_74] : memref<2000x128xf32, #tpu.memory_space<vmem>>, vector<2000x128xf32>
    tpu.vector_store %arg11[%swap3A, %swap3A_74], %add3A_73 {strides = array<i32>} : memref<2000x128xf32, #tpu.memory_space<vmem>>, vector<2000x128xf32>,
    return
  }
  func.func @transform_0(%arg0: i32) -> (i32, i32, i32) {
    %c0_i32 = arith.constant 0 : i32
    %c0_i32_0 = arith.constant 0 : i32
    %c0_i32_1 = arith.constant 0 : i32
    return %c0_i32, %arg0, %c0_i32_0 : i32, i32, i32
  }
  func.func @transform_1(%arg0: i32) -> (i32, i32, i32) {
    %c0_i32 = arith.constant 0 : i32
    %c0_i32_0 = arith.constant 0 : i32
    %c0_i32_1 = arith.constant 0 : i32
    return %c0_i32, %arg0, %c0_i32_0 : i32, i32, i32
  }
  func.func @transform_2(%arg0: i32) -> (i32, i32, i32) {
    %c0_i32 = arith.constant 0 : i32
    %c0_i32_0 = arith.constant 0 : i32
    %c0_i32_1 = arith.constant 0 : i32
    return %c0_i32, %arg0, %c0_i32_0 : i32, i32, i32
  }
  func.func @transform_3(%arg0: i32) -> (i32, i32) {
    %c0_i32 = arith.constant 0 : i32
    %c0_i32_0 = arith.constant 0 : i32
    %c0_i32_1 = arith.constant 0 : i32
    return %c0_i32, %c0_i32_0 : i32, i32
  }
  func.func @transform_4(%arg0: i32) -> (i32, i32) {
    %c0_i32 = arith.constant 0 : i32
    %c0_i32_0 = arith.constant 0 : i32
    %c0_i32_1 = arith.constant 0 : i32
    return %c0_i32, %c0_i32_0 : i32, i32
  }
  func.func @transform_5(%arg0: i32) -> (i32, i32) {
    %c0_i32 = arith.constant 0 : i32
    %c0_i32_0 = arith.constant 0 : i32
    %c0_i32_1 = arith.constant 0 : i32
    return %c0_i32, %c0_i32_0 : i32, i32
  }
  func.func @transform_6(%arg0: i32) -> (i32, i32) {
    %c0_i32 = arith.constant 0 : i32
    %c0_i32_0 = arith.constant 0 : i32
    %c0_i32_1 = arith.constant 0 : i32
    return %c0_i32, %c0_i32_0 : i32, i32
  }
  func.func @transform_7(%arg0: i32) -> (i32, i32) {
    %c0_i32 = arith.constant 0 : i32
    %c0_i32_0 = arith.constant 0 : i32
    %c0_i32_1 = arith.constant 0 : i32
    return %c0_i32, %c0_i32_0 : i32, i32
  }
  func.func @transform_8(%arg0: i32) -> (i32, i32) {
    %c0_i32 = arith.constant 0 : i32
    %c0_i32_0 = arith.constant 0 : i32
    %c0_i32_1 = arith.constant 0 : i32
    return %c0_i32, %c0_i32_0 : i32, i32
  }
  func.func @transform_9(%arg0: i32) -> (i32, i32) {
    %c0_i32 = arith.constant 0 : i32
    %c0_i32_0 = arith.constant 0 : i32
    %c0_i32_1 = arith.constant 0 : i32
    return %c0_i32, %c0_i32_0 : i32, i32
  }
  func.func @transform_10(%arg0: i32) -> (i32, i32) {
    %c0_i32 = arith.constant 0 : i32
    %c0_i32_0 = arith.constant 0 : i32
    return %arg0, %c0_i32 : i32, i32
  }
}

</mosaic_0001>

<sc_bundles>
// kernel: kernel.10.cloned.1.call-start
scs
__scs_entry_jumppad:
0x0: {  	(pc) =	sbr.rel $0x88, $3  }
0x1: {  	(tag) =	ssettag $0x0;
	lr =	simm.s32 $0x1  }
0x2: {  	[smem:$0x3F95] =	sst lr;
	_ =	strace $0xD0000000  }
0x3: {  	_ = 	snop  }
0x4: {  	_ = 	snop  }
0x5: {  	_ = 	snop  }
0x6: {  	_ = 	snop  }
0x7: {  	_ = 	snop  }
__scs_overlays_trampoline_lowered:
0x8: {  	[smem:$0x3FA4] =	sst s0  }
0x9: {  	[smem:$0x3FA5] =	sst s1  }
0xa: {  	[smem:$0x3FA6] =	sst s2  }
0xb: {  	[smem:$0x3FA7] =	sst s3  }
0xc: {  	[smem:$0x3FA8] =	sst s4  }
0xd: {  	[smem:$0x3FA9] =	sst s5  }
0xe: {  	[smem:$0x3FAA] =	sst s6  }
0xf: {  	[smem:$0x3FAB] =	sst s7  }
0x10: {  	[smem:$0x3FAC] =	sst s8  }
0x11: {  	[smem:$0x3FAD] =	sst s9;
	s0 =	simm.s32 @!p0 $0x0  }
0x12: {  	s1 =	sld [smem:$0x3F93];
	s0 =	simm.s32 @p0 $0x1  }
0x13: {  	[smem:$0x3FAE] =	sst s0;
	s0 =	simm.s32 @!p1 $0x0  }
0x14: {  	s2 =	sld [smem:$0x3F92];
	s0 =	simm.s32 @p1 $0x1  }
0x15: {  	[smem:$0x3FAF] =	sst s0;
	s0 =	simm.s32 @!p2 $0x0  }
0x16: {  	s3 =	sld [smem:$0x3FDB];
	s0 =	simm.s32 @p2 $0x1  }
0x17: {  	s4 =	simm.s32 $0x1BF5;
	[smem:$0x3FB1] =	sst s0  }
0x18: {  	s0 =	sld [smem:$0x3F94];
	_ =	swait.ge [sflag:s4], $0x0  }
0x19: {  	s7 =	sld [smem:$0x3F95]  }
0x1a: {  	s8 =	sadd.s32 $0xFFFFE003, lr  }
0x1b: {  	s9 =	sadd.s32 $0xFFFFFEF7, lr;
	s5 =	simm.s32 $0xFFFFFFFF;
	p2 =	slt.u32 s8, $0xFFFFF086  }
0x1c: {  	p1 =	slt.u32 s9, $0xF7A;
	s5 =	simm.s32 @!p2 $0x0  }
0x1d: {  	s5 =	simm.s32 @p1 $0x1;
	p0 =	seq.s32 s7, s2  }
0x1e: {  	s7 =	smul.u32 @!p0 $0xF7A, s2;
	p2 =	seq.s32 @!p0 s5, $0x0  }
0x1f: {  	s9 =	smul.u32 $0xF7A, s1;
	s8 =	simm.s32 @!p0 $0x1BF5;
	p2 =	por !p2, p0  }
0x20: {  	[sflag:s8] =	ssyncset.s32 @!p0 $0xFFFFF086;
	s6 =	sadd.s32 @!p0 s3, s7;
	s7 =	simm.s32 @!p0 $0x108  }
0x21: {  	s3 =	sadd.s32 s3, s9;
	s6 =	sadd.s32 @!p0 $0x88, s6;
	s7 =	simm.s32 @p2 $0x1082  }
0x22: {  	[simem:s7], [sflag:s8] =	dma.local @!p0 [hbm:s6], $0xF7A  }
0x23: {  	s9 =	sor.u32 $0xD0000000, s2;
	s6 =	simm.s32 $0x108;
	_ =	swait.ge @!p0 [sflag:s8], $0x0  }
0x24: {  	s3 =	sadd.s32 $0x88, s3;
	s6 =	simm.s32 @!p1 $0x1082;
	[sflag:s4] =	ssyncset.s32 $0xFFFFF086  }
0x25: {  	[simem:s6], [sflag:s4] =	dma.local [hbm:s3], $0xF7A  }
0x26: {  	[smem:$0x3F95] =	sst s1;
	(tag) =	ssettag s2;
	_ =	strace s9  }
0x27: {  	s1 =	sld [smem:$0x3FA5]  }
0x28: {  	s2 =	sld [smem:$0x3FA6]  }
0x29: {  	s4 =	sld [smem:$0x3FA8]  }
0x2a: {  	p0 =	seq.s32 s5, $0x0;
	s5 =	sld [smem:$0x3FA9]  }
0x2b: {  	s6 =	sld [smem:$0x3FAA]  }
0x2c: {  	s7 =	sld [smem:$0x3FAB]  }
0x2d: {  	s3 =	simm.s32 $0x108;
	s8 =	sld [smem:$0x3FAC]  }
0x2e: {  	s3 =	simm.s32 @!p0 $0x1082;
	s9 =	sld [smem:$0x3FAD]  }
0x2f: {  	lr =	sadd.s32 s0, s3;
	s0 =	sld [smem:$0x3FA4]  }
0x30: {  	s3 =	sld [smem:$0x3FA7]  }
0x31: {  	[smem:$0x3FB0] =	sst s10  }
0x32: {  	s10 =	sld [smem:$0x3FAE];
	_ =	sdelay $0x3  }
0x33: {  	p0 =	seq.s32 s10, $0x1;
	s10 =	sld [smem:$0x3FB0];
	_ =	sdelay $0x3  }
0x34: {  	[smem:$0x3FB0] =	sst s10  }
0x35: {  	s10 =	sld [smem:$0x3FAF];
	_ =	sdelay $0x3  }
0x36: {  	p1 =	seq.s32 s10, $0x1;
	s10 =	sld [smem:$0x3FB0];
	_ =	sdelay $0x3  }
0x37: {  	[smem:$0x3FB0] =	sst s10  }
0x38: {  	s10 =	sld [smem:$0x3FB1]  }
0x39: {  	_ = 	snop;
	(pc) =	sbr.ind lr, $3  }
0x3a: {  	_ = 	snop  }
0x3b: {  	_ = 	snop  }
0x3c: {  	p2 =	seq.s32 s10, $0x1;
	s10 =	sld [smem:$0x3FB0]  }
0x3d: {  	_ =	shalt  }
0x3e: {  	_ =	shalt  }
0x3f: {  	_ =	shalt  }
0x40: {  	_ =	shalt  }
0x41: {  	_ =	shalt  }
0x42: {  	_ =	shalt  }
0x43: {  	_ =	shalt  }
0x44: {  	_ =	shalt  }
0x45: {  	_ =	shalt  }
0x46: {  	_ =	shalt  }
0x47: {  	_ =	shalt  }
0x48: {  	_ =	shalt  }
0x49: {  	_ =	shalt  }
0x4a: {  	_ =	shalt  }
0x4b: {  	_ =	shalt  }
0x4c: {  	_ =	shalt  }
0x4d: {  	_ =	shalt  }
0x4e: {  	_ =	shalt  }
0x4f: {  	_ =	shalt  }
0x50: {  	_ =	shalt  }
0x51: {  	_ =	shalt  }
0x52: {  	_ =	shalt  }
0x53: {  	_ =	shalt  }
0x54: {  	_ =	shalt  }
0x55: {  	_ =	shalt  }
0x56: {  	_ =	shalt  }
0x57: {  	_ =	shalt  }
0x58: {  	_ =	shalt  }
0x59: {  	_ =	shalt  }
0x5a: {  	_ =	shalt  }
0x5b: {  	_ =	shalt  }
0x5c: {  	_ =	shalt  }
0x5d: {  	_ =	shalt  }
0x5e: {  	_ =	shalt  }
0x5f: {  	_ =	shalt  }
0x60: {  	_ =	shalt  }
0x61: {  	_ =	shalt  }
0x62: {  	_ =	shalt  }
0x63: {  	_ =	shalt  }
0x64: {  	_ =	shalt  }
0x65: {  	_ =	shalt  }
0x66: {  	_ =	shalt  }
0x67: {  	_ =	shalt  }
0x68: {  	_ =	shalt  }
0x69: {  	_ =	shalt  }
0x6a: {  	_ =	shalt  }
0x6b: {  	_ =	shalt  }
0x6c: {  	_ =	shalt  }
0x6d: {  	_ =	shalt  }
0x6e: {  	_ =	shalt  }
0x6f: {  	_ =	shalt  }
0x70: {  	_ =	shalt  }
0x71: {  	_ =	shalt  }
0x72: {  	_ =	shalt  }
0x73: {  	_ =	shalt  }
0x74: {  	_ =	shalt  }
0x75: {  	_ =	shalt  }
0x76: {  	_ =	shalt  }
0x77: {  	_ =	shalt  }
0x78: {  	_ =	shalt  }
0x79: {  	_ =	shalt  }
0x7a: {  	_ =	shalt  }
0x7b: {  	_ =	shalt  }
0x7c: {  	_ =	shalt  }
0x7d: {  	_ =	shalt  }
0x7e: {  	_ =	shalt  }
0x7f: {  	_ =	shalt  }
0x80: {  	_ =	shalt  }
0x81: {  	_ =	shalt  }
0x82: {  	_ =	shalt  }
0x83: {  	_ =	shalt  }
0x84: {  	_ =	shalt  }
0x85: {  	_ =	shalt  }
0x86: {  	_ =	shalt  }
0x87: {  	_ =	shalt  }
.Lfunc_end0:
.L_simem_size_0:
called_computation.1_lowered:
.L_overlay_start_0:
0x88: {  	s2 =	sld [smem:$0x3FD9]  }
0x89: {  	s3 =	sld [smem:$0x3FFE];
	_ =	sdelay $0x1  }
0x8a: {  	s1 =	srdreg.scid  }
0x8b: {  	s0 =	sand.u32 $0x1, s1  }
0x8c: {  	s17 =	sshll.u32 s0, $0xA;
	s2 =	sadd.s32 s3, s2  }
0x8d: {  	s2 =	sadd.s32 s2, s17  }
0x8e: {  	[smem:$0x3FBC] =	sst s2  }
0x8f: {  	_ = 	snop  }
0x90: {  	s2 =	sld [smem:$0x3FD0];
	(tm) =	ssettm $0x1  }
0x91: {  	s18 =	sld [smem:$0x3FFB];
	_ =	sdelay $0x3  }
0x92: {  	_ =	strace s18  }
0x93: {  	s3 =	sld [smem:$0x3FFC];
	_ =	sdelay $0x3  }
0x94: {  	_ =	strace s3  }
0x95: {  	s3 =	sld [smem:$0x3FFD];
	_ =	sdelay $0x3  }
0x96: {  	_ =	strace s3  }
0x97: {  	_ =	strace $0x8FFFFFFF  }
0x98: {  	s19 =	sld [smem:$0x3FDB];
	_ =	sdelay $0x1  }
0x99: {  	s4 =	simm.s32 $_scs_section_size  }
0x9a: {  	s5 =	simm.s32 $_size__tile_overlayer_lowered;
	s6 =	simm.s32 $_tile_overlayer_lowered  }
0x9b: {  	s22 =	simm.s32 $0x1BFF;
	s21 =	sshll.u32 s6, $0x1;
	s3 =	sadd.s32 s4, s19  }
0x9c: {  	s7 =	simm.s32 $0x0;
	s20 =	sshll.u32 s5, $0x1;
	s5 =	sadd.s32 s21, s3  }
0x9d: {  	[timem:s7], [sflag:s22] =	dma.local [hbm:s5], s20  }
0x9e: {  	_ =	swait.ge [sflag:s22], s20  }
0x9f: {  	s4 =	ssub.s32 $0x0, s20;
	[sflag:s22] =	ssyncset.done $0x0  }
0xa0: {  	[sflag:s22] =	ssyncadd.s32 s4;
	_ =	sdelay $0x1  }
0xa1: {  	s23 =	simm.s32 $0x1B8B  }
0xa2: {  	_ =	swait.ge [sflag:s23], $0x1  }
0xa3: {  	[sflag:s23] =	ssyncset.done $0x0  }
0xa4: {  	s25 =	simm.s32 $0x1B8E;
	s24 =	sld [smem:$0x3FFE];
	[sflag:s23] =	ssyncadd.s32 $0xFFFFFFFF  }
0xa5: {  	s26 =	simm.s32 $execute0_lowered;
	[smem:$0x3FD2] =	sst s25  }
0xa6: {  	s5 =	sshll.u32 s26, $0x1;
	_ =	strace $0x80000046;
	[dreg:$0x1] =	wrdreg $0xFFFFFFFF  }
0xa7: {  	s28 =	simm.s32 $_size_execute0_lowered;
	s3 =	sadd.s32 s3, s5;
	[dreg:$0x0] =	wrdreg $0x0  }
0xa8: {  	s5 =	sshll.u32 s28, $0x1;
	[dreg:$0x2] =	wrdreg s3  }
0xa9: {  	[dreg:$0x3] =	wrdreg s5  }
0xaa: {  	[dreg:$0x4] =	wrdreg $0xC0  }
0xab: {  	_ =	task [dreg:s7], $0x5FFFF  }
0xac: {  	[dreg:$0x1] =	wrdreg $0xFFFFFFFF  }
0xad: {  	[dreg:$0x0] =	wrdreg $0x60  }
0xae: {  	[dreg:$0x2] =	wrdreg s24  }
0xaf: {  	[dreg:$0x3] =	wrdreg s2  }
0xb0: {  	[dreg:$0x4] =	wrdreg $0x0  }
0xb1: {  	[dreg:$0x5] =	wrdreg $0xA8000  }
0xb2: {  	[dreg:$0x6] =	wrdreg $0xA  }
0xb3: {  	_ =	task.clear_ibuf [dreg:s7], $0x7FFFF;
	_ =	strace $0x90000046  }
0xb4: {  	s29 =	simm.s32 $0xA;
	_ =	strace $0x80000048  }
0xb5: {  	_ =	swait.ge [sflag:s29], $0x1  }
0xb6: {  	[sflag:s29] =	ssyncadd.s32 $0xFFFFFFFF  }
0xb7: {  	_ =	strace $0x90000048  }
0xb8: {  	_ =	sfence  }
0xb9: {  	s30 =	sld [smem:$0x0];
	_ =	sdelay $0x2  }
0xba: {  	s31 =	sshll.u32 s1, $0xD;
	s1 =	sshrl.u32 s1, $0x2  }
0xbb: {  	s3 =	sand.u32 $0x4000, s31;
	s1 =	sadd.s32 s1, s30  }
0xbc: {  	s0 =	sor.u32 s3, s0;
	s1 =	sshll.u32 s1, $0x11  }
0xbd: {  	s0 =	sor.u32 s1, s0  }
0xbe: {  	s0 =	sadd.s32 $0x8F2B, s0  }
0xbf: {  	[sflag:s0] =	ssyncadd.remote.s32 $0x1  }
0xc0: {  	_ =	sfence.sel $0xFFFF  }
0xc1: {  	[dreg:$0x0] =	wrdreg $0xFFFFFFFF;
	(pc) =	sbr.abs _section_cstart, $3  }
0xc2: {  	[dreg:$0x1] =	wrdreg $0xFFFFFFFF  }
0xc3: {  	_ =	task.clear_ibuf [dreg:s7], $0x2FFFF;
	_ =	strace $0x9FFFFFFF  }
0xc4: {  	(tm) =	ssettm $0x7FFFFFFF  }
0xc5: {  	_ =	shalt  }
tec
execute0_lowered:
.L_overlay_start_1:
0x0: {  	(tag) =	ssettag $0x1  }
0x1: {  	s0 =	rddreg [dreg:$0x0]  }
0x2: {  	s1 =	rddreg [dreg:$0x1]  }
0x3: {  	s3 =	srdreg.scid;
	s2 =	rddreg [dreg:$0x2]  }
0x4: {  	s12 =	stileid.u32;
	s4 =	simm.s32 $0x0;
	s13 =	simm.s32 $0x1E980  }
0x5: {  	s15 =	simm.s32 $0xA080;
	s17 =	simm.s32 $0xA100;
	s19 =	simm.s32 $0xA180  }
0x6: {  	s20 =	simm.s32 $0x1EA00;
	s5 =	sand.u32 $0x1, s3;
	s3 =	rddreg [dreg:$0x3]  }
0x7: {  	s22 =	simm.s32 $0x1EA80;
	s28 =	simm.s32 $0x2;
	[smem:$0x7FF] =	sst s4  }
0x8: {  	s7 =	smul.u32 $0x13800, s12;
	_ =	strace $0x80000047;
	[dreg:$0x9] =	wrdreg s13  }
0x9: {  	s29 =	simm.s32 $0x3;
	s8 =	smul.u32 $0x14000, s12;
	[dreg:$0xa] =	wrdreg s15  }
0xa: {  	s30 =	simm.s32 $0x4;
	s11 =	smul.u32 $0x4E000, s12;
	[dreg:$0xb] =	wrdreg s17  }
0xb: {  	s31 =	simm.s32 $0x5;
	s14 =	smul.u32 $0x50000, s12;
	[dreg:$0xc] =	wrdreg s19  }
0xc: {  	s9 =	sshll.u32 s12, $0xD;
	s6 =	smul.u32 $0x138800, s5;
	[dreg:$0xd] =	wrdreg s20  }
0xd: {  	s23 =	smul.u32 $0x140000, s5;
	s1 =	sadd.s32 s9, s1;
	[dreg:$0xe] =	wrdreg s22  }
0xe: {  	s10 =	sadd.s32 s9, s0;
	s9 =	simm.s32 $0x1E880;
	[dreg:$0x6] =	wrdreg s1  }
0xf: {  	s5 =	ssub.s32 $0x2, s5;
	s15 =	simm.s32 $0xA380;
	[dreg:$0x7] =	wrdreg s9  }
0x10: {  	s17 =	simm.s32 $0x1EC00;
	s19 =	simm.s32 $0x1EC80;
	[dreg:$0x14] =	wrdreg s15  }
0x11: {  	s22 =	simm.s32 $0x1ED80;
	s24 =	sshrl.u32 s5, $0x1;
	[dreg:$0x15] =	wrdreg s17  }
0x12: {  	s25 =	sadd.s32 $0x2A00, s10;
	s26 =	sshrl.u32 s11, $0x2;
	[dreg:$0x16] =	wrdreg s19  }
0x13: {  	s10 =	simm.s32 $0x1E900;
	s11 =	sshll.u32 s12, $0x6;
	[dreg:$0x18] =	wrdreg s22  }
0x14: {  	s18 =	sshrl.u32 s14, $0x2;
	s12 =	simm.s32 $0xA280;
	[dreg:$0x5] =	wrdreg s25  }
0x15: {  	s14 =	simm.s32 $0xA300;
	s6 =	sadd.s32 s7, s6;
	[dreg:$0x8] =	wrdreg s10  }
0x16: {  	s7 =	sadd.s32 s8, s23;
	s5 =	ssub.s32 s5, s24;
	[dreg:$0x12] =	wrdreg s12  }
0x17: {  	s16 =	sor.u32 $0x1C09, s11;
	s24 =	simm.s32 $0x1EB00;
	[dreg:$0x13] =	wrdreg s14  }
0x18: {  	s10 =	simm.s32 $0xA200;
	s6 =	sshrl.u32 s6, $0x3;
	[dreg:$0xf] =	wrdreg s24  }
0x19: {  	s7 =	sshrl.u32 s7, $0x3;
	[dreg:$0x11] =	wrdreg s10;
	s24 =	simm.s32 $0xA480  }
0x1a: {  	[dreg:$0x1e] =	wrdreg s16;
	s6 =	sadd.s32 s6, s0;
	s0 =	sadd.s32 s7, s0  }
0x1b: {  	s7 =	sadd.s32 s26, s3;
	s26 =	simm.s32 $0x1EB80;
	[dreg:$0x1a] =	wrdreg s24  }
0x1c: {  	s19 =	simm.s32 $0x14800;
	s6 =	sadd.s32 $0x22A00, s6;
	[dreg:$0x10] =	wrdreg s26  }
0x1d: {  	s22 =	simm.s32 $0x50;
	s0 =	sadd.s32 $0x70C00, s0;
	[dreg:$0x1d] =	wrdreg s6  }
0x1e: {  	s1 =	simm.s32 $0x6;
	s20 =	sshrl.u32 s7, $0x3;
	[smem:$0x7FB] =	sst s0  }
0x1f: {  	s15 =	simm.s32 $0xA780;
	s26 =	simm.s32 $0xA580;
	[smem:$0x7FD] =	sst s20  }
0x20: {  	s8 =	simm.s32 $0x1EE00;
	s6 =	sadd.s32 s18, s2;
	[dreg:$0x1c] =	wrdreg s26  }
0x21: {  	s12 =	simm.s32 $0xA600;
	s18 =	smax.u32 s5, $0x1;
	[dreg:$0x1f] =	wrdreg s6  }
0x22: {  	s14 =	simm.s32 $0xA700;
	s21 =	sadd.s32 $0x2800, s6;
	[smem:$0x7FC] =	sst s18  }
0x23: {  	s10 =	simm.s32 $0x1EF00;
	s23 =	sadd.s32 $0x5000, s6;
	[smem:$0x7F4] =	sst s21  }
0x24: {  	s24 =	simm.s32 $0x19800;
	s25 =	sadd.s32 $0x7800, s6;
	[smem:$0x7F5] =	sst s23  }
0x25: {  	s7 =	simm.s32 $0x0;
	s9 =	sadd.s32 $0xA000, s6;
	[smem:$0x7F6] =	sst s25  }
0x26: {  	s20 =	simm.s32 $0x1E800;
	s11 =	sadd.s32 $0xC800, s6;
	[smem:$0x7F7] =	sst s9  }
0x27: {  	s26 =	simm.s32 $0x1;
	s13 =	sadd.s32 $0xF000, s6;
	[smem:$0x7F8] =	sst s11  }
0x28: {  	s0 =	simm.s32 $0x7;
	s6 =	sadd.s32 $0x11800, s6;
	[smem:$0x7F9] =	sst s13  }
0x29: {  	s5 =	simm.s32 $0x8;
	s18 =	simm.s32 $0x9;
	[smem:$0x7FA] =	sst s6  }
0x2a: {  	s21 =	simm.s32 $0x1ED00;
	s23 =	simm.s32 $0xA400;
	s25 =	simm.s32 $0xA500  }
0x2b: {  	s9 =	simm.s32 $0x1EE80;
	s11 =	simm.s32 $0x1EF80;
	[dreg:$0x17] =	wrdreg s21  }
0x2c: {  	s13 =	simm.s32 $0xA680;
	[dreg:$0x19] =	wrdreg s23;
	s21 =	simm.s32 $0xA000  }
0x2d: {  	v0 =	vimm.f32 $0.0e+00;
	[dreg:$0x1b] =	wrdreg s25;
	s23 =	simm.s32 $0x17000;
	s25 =	simm.s32 $0x1C000  }
.LBB2_1:
0x2e: {  	s17 =	sld [smem:$0x7FD]  }
0x2f: {  	[smem:$0x7F3] =	sst s7  }
0x30: {  	s6 =	rddreg [dreg:$0x1d]  }
0x31: {  	[spmem:s17], [sflag:s16] =	dma.local [hbm:s6], $0x2800  }
0x32: {  	_ =	swait.ge [sflag:s18], $0x2800  }
0x33: {  	[sflag:s18] =	ssyncset.done $0x0  }
0x34: {  	s17 =	simm.s32 $0x200;
	s6 =	simm.s32 $0x0;
	[sflag:s18] =	ssyncadd.s32 $0xFFFFD800  }
.LBB2_2:
0x35: {  	p0 =	sne.s32 s17, $0x9E00;
	[tilespmem:s6+$0x14830] =	vst v0;
	s7 =	smov.u32 s17;
	s17 =	sadd.s32 $0x200, s17  }
.Ltmp0:
0x36: {  	[tilespmem:s6+$0x14820] =	vst v0;
	(pc) =	sbr.rel @p0 .LBB2_2-.Ltmp0, $3  }
0x37: {  	[tilespmem:s6+$0x14800] =	vst v0  }
0x38: {  	[tilespmem:s6+$0x14810] =	vst v0;
	_ =	sdelay $0x1  }
0x39: {  	s6 =	sshra.s32 s7, $0x2  }
0x3a: {  	[tilespmem:s6+$0x14830] =	vst v0  }
0x3b: {  	[tilespmem:s6+$0x14820] =	vst v0  }
0x3c: {  	[tilespmem:s6+$0x14800] =	vst v0  }
0x3d: {  	[tilespmem:s6+$0x14810] =	vst v0;
	s7 =	rddreg [dreg:$0x1f]  }
0x3e: {  	[spmem:s7] =	stream.linear.scatter [tilespmem:s19], [sflag:$0x9], $0x2800, $0x38;
	[tilespmem:$0x1F000] =	vst v63  }
0x3f: {  	_ =	swait.ge [sflag:s18], $0x2800  }
0x40: {  	s16 =	sld [smem:$0x7F4]  }
0x41: {  	[sflag:s18] =	ssyncset.done $0x0  }
0x42: {  	[sflag:s18] =	ssyncadd.s32 $0xFFFFD800  }
0x43: {  	[spmem:s16] =	stream.linear.scatter [tilespmem:s19], [sflag:$0x9], $0x2800, $0x38;
	[tilespmem:$0x1F000] =	vst v63  }
0x44: {  	_ =	swait.ge [sflag:s18], $0x2800  }
0x45: {  	s17 =	sld [smem:$0x7F5]  }
0x46: {  	[sflag:s18] =	ssyncset.done $0x0  }
0x47: {  	[sflag:s18] =	ssyncadd.s32 $0xFFFFD800  }
0x48: {  	[spmem:s17] =	stream.linear.scatter [tilespmem:s19], [sflag:$0x9], $0x2800, $0x38;
	[tilespmem:$0x1F000] =	vst v63  }
0x49: {  	_ =	swait.ge [sflag:s18], $0x2800  }
0x4a: {  	s7 =	sld [smem:$0x7F6]  }
0x4b: {  	[sflag:s18] =	ssyncset.done $0x0  }
0x4c: {  	[sflag:s18] =	ssyncadd.s32 $0xFFFFD800  }
0x4d: {  	[spmem:s7] =	stream.linear.scatter [tilespmem:s19], [sflag:$0x9], $0x2800, $0x38;
	[tilespmem:$0x1F000] =	vst v63  }
0x4e: {  	_ =	swait.ge [sflag:s18], $0x2800  }
0x4f: {  	s16 =	sld [smem:$0x7F7]  }
0x50: {  	[sflag:s18] =	ssyncset.done $0x0  }
0x51: {  	[sflag:s18] =	ssyncadd.s32 $0xFFFFD800  }
0x52: {  	[spmem:s16] =	stream.linear.scatter [tilespmem:s19], [sflag:$0x9], $0x2800, $0x38;
	[tilespmem:$0x1F000] =	vst v63  }
0x53: {  	_ =	swait.ge [sflag:s18], $0x2800  }
0x54: {  	s17 =	sld [smem:$0x7F8]  }
0x55: {  	[sflag:s18] =	ssyncset.done $0x0  }
0x56: {  	[sflag:s18] =	ssyncadd.s32 $0xFFFFD800  }
0x57: {  	[spmem:s17] =	stream.linear.scatter [tilespmem:s19], [sflag:$0x9], $0x2800, $0x38;
	[tilespmem:$0x1F000] =	vst v63  }
0x58: {  	_ =	swait.ge [sflag:s18], $0x2800  }
0x59: {  	s7 =	sld [smem:$0x7F9]  }
0x5a: {  	[sflag:s18] =	ssyncset.done $0x0  }
0x5b: {  	[sflag:s18] =	ssyncadd.s32 $0xFFFFD800  }
0x5c: {  	[spmem:s7] =	stream.linear.scatter [tilespmem:s19], [sflag:$0x9], $0x2800, $0x38;
	[tilespmem:$0x1F000] =	vst v63  }
0x5d: {  	_ =	swait.ge [sflag:s18], $0x2800  }
0x5e: {  	s16 =	sld [smem:$0x7FA]  }
0x5f: {  	[sflag:s18] =	ssyncset.done $0x0  }
0x60: {  	[sflag:s18] =	ssyncadd.s32 $0xFFFFD800  }
0x61: {  	[spmem:s16] =	stream.linear.scatter [tilespmem:s19], [sflag:$0x9], $0x2800, $0x38;
	[tilespmem:$0x1F000] =	vst v63  }
0x62: {  	_ =	swait.ge [sflag:s18], $0x2800  }
0x63: {  	[sflag:s18] =	ssyncset.done $0x0  }
0x64: {  	[sflag:s18] =	ssyncadd.s32 $0xFFFFD800  }
0x65: {  	[bflag:$0x0] =	sbarrier.arrive $0xFFFF  }
0x66: {  	s17 =	rddreg [dreg:$0x6]  }
0x67: {  	s6 =	sadd.s32 $0x0, s17  }
0x68: {  	[tilespmem:s20], [sflag:$0x9] =	stream.linear.gather [hbm4b:s6+s4], $0x800, $0x38;
	[tilespmem:$0x1F000] =	vst v63  }
0x69: {  	_ =	swait.ge [sflag:s18], $0x800  }
0x6a: {  	s7 =	rddreg [dreg:$0x5];
	[sflag:s18] =	ssyncset.done $0x0  }
0x6b: {  	[sflag:s18] =	ssyncadd.s32 $0xFFFFF800;
	s6 =	sadd.s32 $0x0, s7  }
0x6c: {  	[tilespmem:s21], [sflag:$0x9] =	stream.linear.gather [hbm4b:s6+s4], $0x800, $0x38;
	[tilespmem:$0x1F000] =	vst v63  }
0x6d: {  	_ =	swait.ge [sflag:s18], $0x800  }
0x6e: {  	[sflag:s18] =	ssyncset.done $0x0  }
0x6f: {  	[sflag:s18] =	ssyncadd.s32 $0xFFFFF800  }
0x70: {  	[tilespmem:s19], [sflag:$0x1] =	stream.indirect.gather [spmem:s3], $0x40, s20, s22, $0xb8;
	[tilespmem:$0x1F000] =	vst v63  }
0x71: {  	s16 =	rddreg [dreg:$0x7]  }
0x72: {  	[tilespmem:s23], [sflag:$0x2] =	stream.indirect.gather [spmem:s3], $0x40, s16, s22, $0xb8;
	[tilespmem:$0x1F000] =	vst v63  }
0x73: {  	s7 =	rddreg [dreg:$0x8]  }
0x74: {  	[tilespmem:s24], [sflag:$0x3] =	stream.indirect.gather [spmem:s3], $0x40, s7, s22, $0xb8;
	[tilespmem:$0x1F000] =	vst v63  }
0x75: {  	s17 =	rddreg [dreg:$0x9]  }
0x76: {  	[tilespmem:s25], [sflag:$0x4] =	stream.indirect.gather [spmem:s3], $0x40, s17, s22, $0xb8;
	[tilespmem:$0x1F000] =	vst v63  }
0x77: {  	_ =	swait.ge [sflag:s26], $0x1400  }
0x78: {  	[sflag:s26] =	ssyncset.done $0x0  }
0x79: {  	[sflag:s26] =	ssyncadd.s32 $0xFFFFEC00  }
0x7a: {  	[spmem:s2] =	stream.indirect.scatter.add.f32 [tilespmem:s19], [sflag:$0x5], $0x40, s21, s22, $0xb8;
	[tilespmem:$0x1F000] =	vst v63  }
0x7b: {  	_ =	swait.ge [sflag:s28], $0x1400  }
0x7c: {  	[sflag:s28] =	ssyncset.done $0x0  }
0x7d: {  	s7 =	rddreg [dreg:$0xa];
	[sflag:s28] =	ssyncadd.s32 $0xFFFFEC00  }
0x7e: {  	[spmem:s2] =	stream.indirect.scatter.add.f32 [tilespmem:s23], [sflag:$0x6], $0x40, s7, s22, $0xb8;
	[tilespmem:$0x1F000] =	vst v63  }
0x7f: {  	_ =	swait.ge [sflag:s29], $0x1400  }
0x80: {  	[sflag:s29] =	ssyncset.done $0x0  }
0x81: {  	s16 =	rddreg [dreg:$0xb];
	[sflag:s29] =	ssyncadd.s32 $0xFFFFEC00  }
0x82: {  	[spmem:s2] =	stream.indirect.scatter.add.f32 [tilespmem:s24], [sflag:$0x7], $0x40, s16, s22, $0xb8;
	[tilespmem:$0x1F000] =	vst v63  }
0x83: {  	_ =	swait.ge [sflag:s30], $0x1400  }
0x84: {  	[sflag:s30] =	ssyncset.done $0x0  }
0x85: {  	s17 =	rddreg [dreg:$0xc];
	[sflag:s30] =	ssyncadd.s32 $0xFFFFEC00  }
0x86: {  	[spmem:s2] =	stream.indirect.scatter.add.f32 [tilespmem:s25], [sflag:$0x8], $0x40, s17, s22, $0xb8;
	[tilespmem:$0x1F000] =	vst v63  }
0x87: {  	_ =	swait.ge [sflag:s31], $0x1400  }
0x88: {  	[sflag:s31] =	ssyncset.done $0x0  }
0x89: {  	[sflag:s31] =	ssyncadd.s32 $0xFFFFEC00  }
0x8a: {  	_ =	swait.ge [sflag:s1], $0x1400  }
0x8b: {  	[sflag:s1] =	ssyncset.done $0x0  }
0x8c: {  	[sflag:s1] =	ssyncadd.s32 $0xFFFFEC00  }
0x8d: {  	_ =	swait.ge [sflag:s0], $0x1400  }
0x8e: {  	[sflag:s0] =	ssyncset.done $0x0  }
0x8f: {  	[sflag:s0] =	ssyncadd.s32 $0xFFFFEC00  }
0x90: {  	_ =	swait.ge [sflag:s5], $0x1400  }
0x91: {  	[sflag:s5] =	ssyncset.done $0x0  }
0x92: {  	s7 =	rddreg [dreg:$0xd];
	[sflag:s5] =	ssyncadd.s32 $0xFFFFEC00  }
0x93: {  	[tilespmem:s19], [sflag:$0x1] =	stream.indirect.gather [spmem:s3], $0x40, s7, s22, $0xb8;
	[tilespmem:$0x1F000] =	vst v63  }
0x94: {  	s16 =	rddreg [dreg:$0xe]  }
0x95: {  	[tilespmem:s23], [sflag:$0x2] =	stream.indirect.gather [spmem:s3], $0x40, s16, s22, $0xb8;
	[tilespmem:$0x1F000] =	vst v63  }
0x96: {  	s17 =	rddreg [dreg:$0xf]  }
0x97: {  	[tilespmem:s24], [sflag:$0x3] =	stream.indirect.gather [spmem:s3], $0x40, s17, s22, $0xb8;
	[tilespmem:$0x1F000] =	vst v63  }
0x98: {  	s16 =	rddreg [dreg:$0x10]  }
0x99: {  	[tilespmem:s25], [sflag:$0x4] =	stream.indirect.gather [spmem:s3], $0x40, s16, s22, $0xb8;
	[tilespmem:$0x1F000] =	vst v63  }
0x9a: {  	_ =	swait.ge [sflag:s26], $0x1400  }
0x9b: {  	[sflag:s26] =	ssyncset.done $0x0  }
0x9c: {  	s17 =	rddreg [dreg:$0x11];
	[sflag:s26] =	ssyncadd.s32 $0xFFFFEC00  }
0x9d: {  	[spmem:s2] =	stream.indirect.scatter.add.f32 [tilespmem:s19], [sflag:$0x5], $0x40, s17, s22, $0xb8;
	[tilespmem:$0x1F000] =	vst v63  }
0x9e: {  	_ =	swait.ge [sflag:s28], $0x1400  }
0x9f: {  	[sflag:s28] =	ssyncset.done $0x0  }
0xa0: {  	s7 =	rddreg [dreg:$0x12];
	[sflag:s28] =	ssyncadd.s32 $0xFFFFEC00  }
0xa1: {  	[spmem:s2] =	stream.indirect.scatter.add.f32 [tilespmem:s23], [sflag:$0x6], $0x40, s7, s22, $0xb8;
	[tilespmem:$0x1F000] =	vst v63  }
0xa2: {  	_ =	swait.ge [sflag:s29], $0x1400  }
0xa3: {  	[sflag:s29] =	ssyncset.done $0x0  }
0xa4: {  	s16 =	rddreg [dreg:$0x13];
	[sflag:s29] =	ssyncadd.s32 $0xFFFFEC00  }
0xa5: {  	[spmem:s2] =	stream.indirect.scatter.add.f32 [tilespmem:s24], [sflag:$0x7], $0x40, s16, s22, $0xb8;
	[tilespmem:$0x1F000] =	vst v63  }
0xa6: {  	_ =	swait.ge [sflag:s30], $0x1400  }
0xa7: {  	[sflag:s30] =	ssyncset.done $0x0  }
0xa8: {  	s17 =	rddreg [dreg:$0x14];
	[sflag:s30] =	ssyncadd.s32 $0xFFFFEC00  }
0xa9: {  	[spmem:s2] =	stream.indirect.scatter.add.f32 [tilespmem:s25], [sflag:$0x8], $0x40, s17, s22, $0xb8;
	[tilespmem:$0x1F000] =	vst v63  }
0xaa: {  	_ =	swait.ge [sflag:s31], $0x1400  }
0xab: {  	[sflag:s31] =	ssyncset.done $0x0  }
0xac: {  	[sflag:s31] =	ssyncadd.s32 $0xFFFFEC00  }
0xad: {  	_ =	swait.ge [sflag:s1], $0x1400  }
0xae: {  	[sflag:s1] =	ssyncset.done $0x0  }
0xaf: {  	[sflag:s1] =	ssyncadd.s32 $0xFFFFEC00  }
0xb0: {  	_ =	swait.ge [sflag:s0], $0x1400  }
0xb1: {  	[sflag:s0] =	ssyncset.done $0x0  }
0xb2: {  	[sflag:s0] =	ssyncadd.s32 $0xFFFFEC00  }
0xb3: {  	_ =	swait.ge [sflag:s5], $0x1400  }
0xb4: {  	[sflag:s5] =	ssyncset.done $0x0  }
0xb5: {  	s7 =	rddreg [dreg:$0x15];
	[sflag:s5] =	ssyncadd.s32 $0xFFFFEC00  }
0xb6: {  	[tilespmem:s19], [sflag:$0x1] =	stream.indirect.gather [spmem:s3], $0x40, s7, s22, $0xb8;
	[tilespmem:$0x1F000] =	vst v63  }
0xb7: {  	s16 =	rddreg [dreg:$0x16]  }
0xb8: {  	[tilespmem:s23], [sflag:$0x2] =	stream.indirect.gather [spmem:s3], $0x40, s16, s22, $0xb8;
	[tilespmem:$0x1F000] =	vst v63  }
0xb9: {  	s17 =	rddreg [dreg:$0x17]  }
0xba: {  	[tilespmem:s24], [sflag:$0x3] =	stream.indirect.gather [spmem:s3], $0x40, s17, s22, $0xb8;
	[tilespmem:$0x1F000] =	vst v63  }
0xbb: {  	s16 =	rddreg [dreg:$0x18]  }
0xbc: {  	[tilespmem:s25], [sflag:$0x4] =	stream.indirect.gather [spmem:s3], $0x40, s16, s22, $0xb8;
	[tilespmem:$0x1F000] =	vst v63  }
0xbd: {  	_ =	swait.ge [sflag:s26], $0x1400  }
0xbe: {  	[sflag:s26] =	ssyncset.done $0x0  }
0xbf: {  	s17 =	rddreg [dreg:$0x19];
	[sflag:s26] =	ssyncadd.s32 $0xFFFFEC00  }
0xc0: {  	[spmem:s2] =	stream.indirect.scatter.add.f32 [tilespmem:s19], [sflag:$0x5], $0x40, s17, s22, $0xb8;
	[tilespmem:$0x1F000] =	vst v63  }
0xc1: {  	_ =	swait.ge [sflag:s28], $0x1400  }
0xc2: {  	[sflag:s28] =	ssyncset.done $0x0  }
0xc3: {  	s7 =	rddreg [dreg:$0x1a];
	[sflag:s28] =	ssyncadd.s32 $0xFFFFEC00  }
0xc4: {  	[spmem:s2] =	stream.indirect.scatter.add.f32 [tilespmem:s23], [sflag:$0x6], $0x40, s7, s22, $0xb8;
	[tilespmem:$0x1F000] =	vst v63  }
0xc5: {  	_ =	swait.ge [sflag:s29], $0x1400  }
0xc6: {  	[sflag:s29] =	ssyncset.done $0x0  }
0xc7: {  	s16 =	rddreg [dreg:$0x1b];
	[sflag:s29] =	ssyncadd.s32 $0xFFFFEC00  }
0xc8: {  	[spmem:s2] =	stream.indirect.scatter.add.f32 [tilespmem:s24], [sflag:$0x7], $0x40, s16, s22, $0xb8;
	[tilespmem:$0x1F000] =	vst v63  }
0xc9: {  	_ =	swait.ge [sflag:s30], $0x1400  }
0xca: {  	[sflag:s30] =	ssyncset.done $0x0  }
0xcb: {  	s17 =	rddreg [dreg:$0x1c];
	[sflag:s30] =	ssyncadd.s32 $0xFFFFEC00  }
0xcc: {  	[spmem:s2] =	stream.indirect.scatter.add.f32 [tilespmem:s25], [sflag:$0x8], $0x40, s17, s22, $0xb8;
	[tilespmem:$0x1F000] =	vst v63  }
0xcd: {  	_ =	swait.ge [sflag:s31], $0x1400  }
0xce: {  	[sflag:s31] =	ssyncset.done $0x0  }
0xcf: {  	[sflag:s31] =	ssyncadd.s32 $0xFFFFEC00  }
0xd0: {  	_ =	swait.ge [sflag:s1], $0x1400  }
0xd1: {  	[sflag:s1] =	ssyncset.done $0x0  }
0xd2: {  	[sflag:s1] =	ssyncadd.s32 $0xFFFFEC00  }
0xd3: {  	_ =	swait.ge [sflag:s0], $0x1400  }
0xd4: {  	[sflag:s0] =	ssyncset.done $0x0  }
0xd5: {  	[sflag:s0] =	ssyncadd.s32 $0xFFFFEC00  }
0xd6: {  	_ =	swait.ge [sflag:s5], $0x1400  }
0xd7: {  	[sflag:s5] =	ssyncset.done $0x0  }
0xd8: {  	[sflag:s5] =	ssyncadd.s32 $0xFFFFEC00  }
0xd9: {  	[tilespmem:s19], [sflag:$0x1] =	stream.indirect.gather [spmem:s3], $0x40, s8, s22, $0xb8;
	[tilespmem:$0x1F000] =	vst v63  }
0xda: {  	_ = 	snop  }
0xdb: {  	[tilespmem:s23], [sflag:$0x2] =	stream.indirect.gather [spmem:s3], $0x40, s9, s22, $0xb8;
	[tilespmem:$0x1F000] =	vst v63  }
0xdc: {  	_ = 	snop  }
0xdd: {  	[tilespmem:s24], [sflag:$0x3] =	stream.indirect.gather [spmem:s3], $0x40, s10, s22, $0xb8;
	[tilespmem:$0x1F000] =	vst v63  }
0xde: {  	_ = 	snop  }
0xdf: {  	[tilespmem:s25], [sflag:$0x4] =	stream.indirect.gather [spmem:s3], $0x40, s11, s22, $0xb8;
	[tilespmem:$0x1F000] =	vst v63  }
0xe0: {  	_ =	swait.ge [sflag:s26], $0x1400  }
0xe1: {  	[sflag:s26] =	ssyncset.done $0x0  }
0xe2: {  	[sflag:s26] =	ssyncadd.s32 $0xFFFFEC00  }
0xe3: {  	[spmem:s2] =	stream.indirect.scatter.add.f32 [tilespmem:s19], [sflag:$0x5], $0x40, s12, s22, $0xb8;
	[tilespmem:$0x1F000] =	vst v63  }
0xe4: {  	_ =	swait.ge [sflag:s28], $0x1400  }
0xe5: {  	[sflag:s28] =	ssyncset.done $0x0  }
0xe6: {  	[sflag:s28] =	ssyncadd.s32 $0xFFFFEC00  }
0xe7: {  	[spmem:s2] =	stream.indirect.scatter.add.f32 [tilespmem:s23], [sflag:$0x6], $0x40, s13, s22, $0xb8;
	[tilespmem:$0x1F000] =	vst v63  }
0xe8: {  	_ =	swait.ge [sflag:s29], $0x1400  }
0xe9: {  	[sflag:s29] =	ssyncset.done $0x0  }
0xea: {  	[sflag:s29] =	ssyncadd.s32 $0xFFFFEC00  }
0xeb: {  	[spmem:s2] =	stream.indirect.scatter.add.f32 [tilespmem:s24], [sflag:$0x7], $0x40, s14, s22, $0xb8;
	[tilespmem:$0x1F000] =	vst v63  }
0xec: {  	_ =	swait.ge [sflag:s30], $0x1400  }
0xed: {  	[sflag:s30] =	ssyncset.done $0x0  }
0xee: {  	[sflag:s30] =	ssyncadd.s32 $0xFFFFEC00  }
0xef: {  	[spmem:s2] =	stream.indirect.scatter.add.f32 [tilespmem:s25], [sflag:$0x8], $0x40, s15, s22, $0xb8;
	[tilespmem:$0x1F000] =	vst v63  }
0xf0: {  	_ =	swait.ge [sflag:s31], $0x1400  }
0xf1: {  	[sflag:s31] =	ssyncset.done $0x0  }
0xf2: {  	[sflag:s31] =	ssyncadd.s32 $0xFFFFEC00  }
0xf3: {  	_ =	swait.ge [sflag:s1], $0x1400  }
0xf4: {  	[sflag:s1] =	ssyncset.done $0x0  }
0xf5: {  	[sflag:s1] =	ssyncadd.s32 $0xFFFFEC00  }
0xf6: {  	_ =	swait.ge [sflag:s0], $0x1400  }
0xf7: {  	[sflag:s0] =	ssyncset.done $0x0  }
0xf8: {  	[sflag:s0] =	ssyncadd.s32 $0xFFFFEC00  }
0xf9: {  	s6 =	simm.s32 $0x200;
	_ =	swait.ge [sflag:s5], $0x1400  }
0xfa: {  	s17 =	simm.s32 $0x100;
	s7 =	rddreg [dreg:$0x6];
	[sflag:s5] =	ssyncset.done $0x0  }
.LBB2_4:
0xfb: {  	[sflag:s5] =	ssyncadd.s32 $0xFFFFEC00;
	s7 =	sadd.s32 s17, s7  }
0xfc: {  	[tilespmem:s20], [sflag:$0x9] =	stream.linear.gather [hbm4b:s7+s4], $0x800, $0x38;
	[tilespmem:$0x1F000] =	vst v63  }
0xfd: {  	_ =	swait.ge [sflag:s18], $0x800  }
0xfe: {  	s7 =	rddreg [dreg:$0x5];
	[sflag:s18] =	ssyncset.done $0x0  }
0xff: {  	[sflag:s18] =	ssyncadd.s32 $0xFFFFF800;
	s7 =	sadd.s32 s17, s7  }
0x100: {  	[tilespmem:s21], [sflag:$0x9] =	stream.linear.gather [hbm4b:s7+s4], $0x800, $0x38;
	[tilespmem:$0x1F000] =	vst v63  }
0x101: {  	_ =	swait.ge [sflag:s18], $0x800  }
0x102: {  	[sflag:s18] =	ssyncset.done $0x0  }
0x103: {  	[sflag:s18] =	ssyncadd.s32 $0xFFFFF800  }
0x104: {  	[tilespmem:s19], [sflag:$0x1] =	stream.indirect.gather [spmem:s3], $0x40, s20, s22, $0xb8;
	[tilespmem:$0x1F000] =	vst v63  }
0x105: {  	s16 =	smov.u32 s6;
	s7 =	rddreg [dreg:$0x7]  }
0x106: {  	[tilespmem:s23], [sflag:$0x2] =	stream.indirect.gather [spmem:s3], $0x40, s7, s22, $0xb8;
	[tilespmem:$0x1F000] =	vst v63  }
0x107: {  	s17 =	smov.u32 s16;
	s16 =	rddreg [dreg:$0x8]  }
0x108: {  	[tilespmem:s24], [sflag:$0x3] =	stream.indirect.gather [spmem:s3], $0x40, s16, s22, $0xb8;
	[tilespmem:$0x1F000] =	vst v63  }
0x109: {  	s7 =	rddreg [dreg:$0x9]  }
0x10a: {  	[tilespmem:s25], [sflag:$0x4] =	stream.indirect.gather [spmem:s3], $0x40, s7, s22, $0xb8;
	[tilespmem:$0x1F000] =	vst v63  }
0x10b: {  	_ =	swait.ge [sflag:s26], $0x1400  }
0x10c: {  	[sflag:s26] =	ssyncset.done $0x0  }
0x10d: {  	[sflag:s26] =	ssyncadd.s32 $0xFFFFEC00  }
0x10e: {  	[spmem:s2] =	stream.indirect.scatter.add.f32 [tilespmem:s19], [sflag:$0x5], $0x40, s21, s22, $0xb8;
	[tilespmem:$0x1F000] =	vst v63  }
0x10f: {  	_ =	swait.ge [sflag:s28], $0x1400  }
0x110: {  	[sflag:s28] =	ssyncset.done $0x0  }
0x111: {  	s16 =	rddreg [dreg:$0xa];
	[sflag:s28] =	ssyncadd.s32 $0xFFFFEC00  }
0x112: {  	[spmem:s2] =	stream.indirect.scatter.add.f32 [tilespmem:s23], [sflag:$0x6], $0x40, s16, s22, $0xb8;
	[tilespmem:$0x1F000] =	vst v63  }
0x113: {  	_ =	swait.ge [sflag:s29], $0x1400  }
0x114: {  	[sflag:s29] =	ssyncset.done $0x0  }
0x115: {  	s16 =	rddreg [dreg:$0xb];
	[sflag:s29] =	ssyncadd.s32 $0xFFFFEC00  }
0x116: {  	[spmem:s2] =	stream.indirect.scatter.add.f32 [tilespmem:s24], [sflag:$0x7], $0x40, s16, s22, $0xb8;
	[tilespmem:$0x1F000] =	vst v63  }
0x117: {  	_ =	swait.ge [sflag:s30], $0x1400  }
0x118: {  	[sflag:s30] =	ssyncset.done $0x0  }
0x119: {  	s16 =	rddreg [dreg:$0xc];
	[sflag:s30] =	ssyncadd.s32 $0xFFFFEC00  }
0x11a: {  	[spmem:s2] =	stream.indirect.scatter.add.f32 [tilespmem:s25], [sflag:$0x8], $0x40, s16, s22, $0xb8;
	[tilespmem:$0x1F000] =	vst v63  }
0x11b: {  	_ =	swait.ge [sflag:s31], $0x1400  }
0x11c: {  	[sflag:s31] =	ssyncset.done $0x0  }
0x11d: {  	[sflag:s31] =	ssyncadd.s32 $0xFFFFEC00  }
0x11e: {  	_ =	swait.ge [sflag:s1], $0x1400  }
0x11f: {  	[sflag:s1] =	ssyncset.done $0x0  }
0x120: {  	[sflag:s1] =	ssyncadd.s32 $0xFFFFEC00  }
0x121: {  	_ =	swait.ge [sflag:s0], $0x1400  }
0x122: {  	[sflag:s0] =	ssyncset.done $0x0  }
0x123: {  	[sflag:s0] =	ssyncadd.s32 $0xFFFFEC00  }
0x124: {  	_ =	swait.ge [sflag:s5], $0x1400  }
0x125: {  	[sflag:s5] =	ssyncset.done $0x0  }
0x126: {  	s7 =	rddreg [dreg:$0xd];
	[sflag:s5] =	ssyncadd.s32 $0xFFFFEC00  }
0x127: {  	[tilespmem:s19], [sflag:$0x1] =	stream.indirect.gather [spmem:s3], $0x40, s7, s22, $0xb8;
	[tilespmem:$0x1F000] =	vst v63  }
0x128: {  	s16 =	rddreg [dreg:$0xe]  }
0x129: {  	[tilespmem:s23], [sflag:$0x2] =	stream.indirect.gather [spmem:s3], $0x40, s16, s22, $0xb8;
	[tilespmem:$0x1F000] =	vst v63  }
0x12a: {  	s7 =	rddreg [dreg:$0xf]  }
0x12b: {  	[tilespmem:s24], [sflag:$0x3] =	stream.indirect.gather [spmem:s3], $0x40, s7, s22, $0xb8;
	[tilespmem:$0x1F000] =	vst v63  }
0x12c: {  	s16 =	rddreg [dreg:$0x10]  }
0x12d: {  	[tilespmem:s25], [sflag:$0x4] =	stream.indirect.gather [spmem:s3], $0x40, s16, s22, $0xb8;
	[tilespmem:$0x1F000] =	vst v63  }
0x12e: {  	_ =	swait.ge [sflag:s26], $0x1400  }
0x12f: {  	[sflag:s26] =	ssyncset.done $0x0  }
0x130: {  	s16 =	rddreg [dreg:$0x11];
	[sflag:s26] =	ssyncadd.s32 $0xFFFFEC00  }
0x131: {  	[spmem:s2] =	stream.indirect.scatter.add.f32 [tilespmem:s19], [sflag:$0x5], $0x40, s16, s22, $0xb8;
	[tilespmem:$0x1F000] =	vst v63  }
0x132: {  	_ =	swait.ge [sflag:s28], $0x1400  }
0x133: {  	[sflag:s28] =	ssyncset.done $0x0  }
0x134: {  	s16 =	rddreg [dreg:$0x12];
	[sflag:s28] =	ssyncadd.s32 $0xFFFFEC00  }
0x135: {  	[spmem:s2] =	stream.indirect.scatter.add.f32 [tilespmem:s23], [sflag:$0x6], $0x40, s16, s22, $0xb8;
	[tilespmem:$0x1F000] =	vst v63  }
0x136: {  	_ =	swait.ge [sflag:s29], $0x1400  }
0x137: {  	[sflag:s29] =	ssyncset.done $0x0  }
0x138: {  	s16 =	rddreg [dreg:$0x13];
	[sflag:s29] =	ssyncadd.s32 $0xFFFFEC00  }
0x139: {  	[spmem:s2] =	stream.indirect.scatter.add.f32 [tilespmem:s24], [sflag:$0x7], $0x40, s16, s22, $0xb8;
	[tilespmem:$0x1F000] =	vst v63  }
0x13a: {  	_ =	swait.ge [sflag:s30], $0x1400  }
0x13b: {  	[sflag:s30] =	ssyncset.done $0x0  }
0x13c: {  	s16 =	rddreg [dreg:$0x14];
	[sflag:s30] =	ssyncadd.s32 $0xFFFFEC00  }
0x13d: {  	[spmem:s2] =	stream.indirect.scatter.add.f32 [tilespmem:s25], [sflag:$0x8], $0x40, s16, s22, $0xb8;
	[tilespmem:$0x1F000] =	vst v63  }
0x13e: {  	_ =	swait.ge [sflag:s31], $0x1400  }
0x13f: {  	[sflag:s31] =	ssyncset.done $0x0  }
0x140: {  	[sflag:s31] =	ssyncadd.s32 $0xFFFFEC00  }
0x141: {  	_ =	swait.ge [sflag:s1], $0x1400  }
0x142: {  	[sflag:s1] =	ssyncset.done $0x0  }
0x143: {  	[sflag:s1] =	ssyncadd.s32 $0xFFFFEC00  }
0x144: {  	_ =	swait.ge [sflag:s0], $0x1400  }
0x145: {  	[sflag:s0] =	ssyncset.done $0x0  }
0x146: {  	[sflag:s0] =	ssyncadd.s32 $0xFFFFEC00  }
0x147: {  	_ =	swait.ge [sflag:s5], $0x1400  }
0x148: {  	[sflag:s5] =	ssyncset.done $0x0  }
0x149: {  	s7 =	rddreg [dreg:$0x15];
	[sflag:s5] =	ssyncadd.s32 $0xFFFFEC00  }
0x14a: {  	[tilespmem:s19], [sflag:$0x1] =	stream.indirect.gather [spmem:s3], $0x40, s7, s22, $0xb8;
	[tilespmem:$0x1F000] =	vst v63  }
0x14b: {  	s16 =	rddreg [dreg:$0x16]  }
0x14c: {  	[tilespmem:s23], [sflag:$0x2] =	stream.indirect.gather [spmem:s3], $0x40, s16, s22, $0xb8;
	[tilespmem:$0x1F000] =	vst v63  }
0x14d: {  	s7 =	rddreg [dreg:$0x17]  }
0x14e: {  	[tilespmem:s24], [sflag:$0x3] =	stream.indirect.gather [spmem:s3], $0x40, s7, s22, $0xb8;
	[tilespmem:$0x1F000] =	vst v63  }
0x14f: {  	s16 =	rddreg [dreg:$0x18]  }
0x150: {  	[tilespmem:s25], [sflag:$0x4] =	stream.indirect.gather [spmem:s3], $0x40, s16, s22, $0xb8;
	[tilespmem:$0x1F000] =	vst v63  }
0x151: {  	_ =	swait.ge [sflag:s26], $0x1400  }
0x152: {  	[sflag:s26] =	ssyncset.done $0x0  }
0x153: {  	s16 =	rddreg [dreg:$0x19];
	[sflag:s26] =	ssyncadd.s32 $0xFFFFEC00  }
0x154: {  	[spmem:s2] =	stream.indirect.scatter.add.f32 [tilespmem:s19], [sflag:$0x5], $0x40, s16, s22, $0xb8;
	[tilespmem:$0x1F000] =	vst v63  }
0x155: {  	_ =	swait.ge [sflag:s28], $0x1400  }
0x156: {  	[sflag:s28] =	ssyncset.done $0x0  }
0x157: {  	s16 =	rddreg [dreg:$0x1a];
	[sflag:s28] =	ssyncadd.s32 $0xFFFFEC00  }
0x158: {  	[spmem:s2] =	stream.indirect.scatter.add.f32 [tilespmem:s23], [sflag:$0x6], $0x40, s16, s22, $0xb8;
	[tilespmem:$0x1F000] =	vst v63  }
0x159: {  	_ =	swait.ge [sflag:s29], $0x1400  }
0x15a: {  	[sflag:s29] =	ssyncset.done $0x0  }
0x15b: {  	s16 =	rddreg [dreg:$0x1b];
	[sflag:s29] =	ssyncadd.s32 $0xFFFFEC00  }
0x15c: {  	[spmem:s2] =	stream.indirect.scatter.add.f32 [tilespmem:s24], [sflag:$0x7], $0x40, s16, s22, $0xb8;
	[tilespmem:$0x1F000] =	vst v63  }
0x15d: {  	_ =	swait.ge [sflag:s30], $0x1400  }
0x15e: {  	[sflag:s30] =	ssyncset.done $0x0  }
0x15f: {  	s16 =	rddreg [dreg:$0x1c];
	[sflag:s30] =	ssyncadd.s32 $0xFFFFEC00  }
0x160: {  	[spmem:s2] =	stream.indirect.scatter.add.f32 [tilespmem:s25], [sflag:$0x8], $0x40, s16, s22, $0xb8;
	[tilespmem:$0x1F000] =	vst v63  }
0x161: {  	_ =	swait.ge [sflag:s31], $0x1400  }
0x162: {  	[sflag:s31] =	ssyncset.done $0x0  }
0x163: {  	[sflag:s31] =	ssyncadd.s32 $0xFFFFEC00  }
0x164: {  	_ =	swait.ge [sflag:s1], $0x1400  }
0x165: {  	[sflag:s1] =	ssyncset.done $0x0  }
0x166: {  	[sflag:s1] =	ssyncadd.s32 $0xFFFFEC00  }
0x167: {  	_ =	swait.ge [sflag:s0], $0x1400  }
0x168: {  	[sflag:s0] =	ssyncset.done $0x0  }
0x169: {  	[sflag:s0] =	ssyncadd.s32 $0xFFFFEC00  }
0x16a: {  	_ =	swait.ge [sflag:s5], $0x1400  }
0x16b: {  	[sflag:s5] =	ssyncset.done $0x0  }
0x16c: {  	[sflag:s5] =	ssyncadd.s32 $0xFFFFEC00  }
0x16d: {  	[tilespmem:s19], [sflag:$0x1] =	stream.indirect.gather [spmem:s3], $0x40, s8, s22, $0xb8;
	[tilespmem:$0x1F000] =	vst v63  }
0x16e: {  	_ = 	snop  }
0x16f: {  	[tilespmem:s23], [sflag:$0x2] =	stream.indirect.gather [spmem:s3], $0x40, s9, s22, $0xb8;
	[tilespmem:$0x1F000] =	vst v63  }
0x170: {  	_ = 	snop  }
0x171: {  	[tilespmem:s24], [sflag:$0x3] =	stream.indirect.gather [spmem:s3], $0x40, s10, s22, $0xb8;
	[tilespmem:$0x1F000] =	vst v63  }
0x172: {  	_ = 	snop  }
0x173: {  	[tilespmem:s25], [sflag:$0x4] =	stream.indirect.gather [spmem:s3], $0x40, s11, s22, $0xb8;
	[tilespmem:$0x1F000] =	vst v63  }
0x174: {  	_ =	swait.ge [sflag:s26], $0x1400  }
0x175: {  	[sflag:s26] =	ssyncset.done $0x0  }
0x176: {  	[sflag:s26] =	ssyncadd.s32 $0xFFFFEC00  }
0x177: {  	[spmem:s2] =	stream.indirect.scatter.add.f32 [tilespmem:s19], [sflag:$0x5], $0x40, s12, s22, $0xb8;
	[tilespmem:$0x1F000] =	vst v63  }
0x178: {  	_ =	swait.ge [sflag:s28], $0x1400  }
0x179: {  	[sflag:s28] =	ssyncset.done $0x0  }
0x17a: {  	[sflag:s28] =	ssyncadd.s32 $0xFFFFEC00  }
0x17b: {  	[spmem:s2] =	stream.indirect.scatter.add.f32 [tilespmem:s23], [sflag:$0x6], $0x40, s13, s22, $0xb8;
	[tilespmem:$0x1F000] =	vst v63  }
0x17c: {  	_ =	swait.ge [sflag:s29], $0x1400  }
0x17d: {  	[sflag:s29] =	ssyncset.done $0x0  }
0x17e: {  	[sflag:s29] =	ssyncadd.s32 $0xFFFFEC00  }
0x17f: {  	[spmem:s2] =	stream.indirect.scatter.add.f32 [tilespmem:s24], [sflag:$0x7], $0x40, s14, s22, $0xb8;
	[tilespmem:$0x1F000] =	vst v63  }
0x180: {  	_ =	swait.ge [sflag:s30], $0x1400  }
0x181: {  	[sflag:s30] =	ssyncset.done $0x0  }
0x182: {  	[sflag:s30] =	ssyncadd.s32 $0xFFFFEC00  }
0x183: {  	[spmem:s2] =	stream.indirect.scatter.add.f32 [tilespmem:s25], [sflag:$0x8], $0x40, s15, s22, $0xb8;
	[tilespmem:$0x1F000] =	vst v63  }
0x184: {  	_ =	swait.ge [sflag:s31], $0x1400  }
0x185: {  	[sflag:s31] =	ssyncset.done $0x0  }
0x186: {  	[sflag:s31] =	ssyncadd.s32 $0xFFFFEC00  }
0x187: {  	_ =	swait.ge [sflag:s1], $0x1400  }
0x188: {  	[sflag:s1] =	ssyncset.done $0x0  }
0x189: {  	p0 =	sne.s32 s6, $0x1F00;
	[sflag:s1] =	ssyncadd.s32 $0xFFFFEC00  }
.Ltmp1:
0x18a: {  	_ =	swait.ge [sflag:s0], $0x1400;
	(pc) =	sbr.rel @p0 .LBB2_4-.Ltmp1, $4  }
0x18b: {  	[sflag:s0] =	ssyncset.done $0x0  }
0x18c: {  	[sflag:s0] =	ssyncadd.s32 $0xFFFFEC00  }
0x18d: {  	_ =	swait.ge [sflag:s5], $0x1400  }
0x18e: {  	s6 =	sadd.s32 $0x100, s6;
	s7 =	rddreg [dreg:$0x6];
	[sflag:s5] =	ssyncset.done $0x0  }
0x18f: {  	[sflag:s5] =	ssyncadd.s32 $0xFFFFEC00;
	s6 =	sadd.s32 s17, s7  }
0x190: {  	[tilespmem:s20], [sflag:$0x9] =	stream.linear.gather [hbm4b:s6+s4], $0x800, $0x38;
	[tilespmem:$0x1F000] =	vst v63  }
0x191: {  	_ =	swait.ge [sflag:s18], $0x800  }
0x192: {  	s16 =	rddreg [dreg:$0x5];
	[sflag:s18] =	ssyncset.done $0x0  }
0x193: {  	[sflag:s18] =	ssyncadd.s32 $0xFFFFF800;
	s6 =	sadd.s32 s17, s16  }
0x194: {  	[tilespmem:s21], [sflag:$0x9] =	stream.linear.gather [hbm4b:s6+s4], $0x800, $0x38;
	[tilespmem:$0x1F000] =	vst v63  }
0x195: {  	_ =	swait.ge [sflag:s18], $0x800  }
0x196: {  	[sflag:s18] =	ssyncset.done $0x0  }
0x197: {  	[sflag:s18] =	ssyncadd.s32 $0xFFFFF800  }
0x198: {  	[tilespmem:s19], [sflag:$0x1] =	stream.indirect.gather [spmem:s3], $0x40, s20, s22, $0xb8;
	[tilespmem:$0x1F000] =	vst v63  }
0x199: {  	s7 =	rddreg [dreg:$0x7]  }
0x19a: {  	[tilespmem:s23], [sflag:$0x2] =	stream.indirect.gather [spmem:s3], $0x40, s7, s22, $0xb8;
	[tilespmem:$0x1F000] =	vst v63  }
0x19b: {  	s16 =	rddreg [dreg:$0x8]  }
0x19c: {  	[tilespmem:s24], [sflag:$0x3] =	stream.indirect.gather [spmem:s3], $0x40, s16, s22, $0xb8;
	[tilespmem:$0x1F000] =	vst v63  }
0x19d: {  	s17 =	rddreg [dreg:$0x9]  }
0x19e: {  	[tilespmem:s25], [sflag:$0x4] =	stream.indirect.gather [spmem:s3], $0x40, s17, s22, $0xb8;
	[tilespmem:$0x1F000] =	vst v63  }
0x19f: {  	_ =	swait.ge [sflag:s26], $0x1400  }
0x1a0: {  	[sflag:s26] =	ssyncset.done $0x0  }
0x1a1: {  	[sflag:s26] =	ssyncadd.s32 $0xFFFFEC00  }
0x1a2: {  	[spmem:s2] =	stream.indirect.scatter.add.f32 [tilespmem:s19], [sflag:$0x5], $0x40, s21, s22, $0xb8;
	[tilespmem:$0x1F000] =	vst v63  }
0x1a3: {  	_ =	swait.ge [sflag:s28], $0x1400  }
0x1a4: {  	[sflag:s28] =	ssyncset.done $0x0  }
0x1a5: {  	s16 =	rddreg [dreg:$0xa];
	[sflag:s28] =	ssyncadd.s32 $0xFFFFEC00  }
0x1a6: {  	[spmem:s2] =	stream.indirect.scatter.add.f32 [tilespmem:s23], [sflag:$0x6], $0x40, s16, s22, $0xb8;
	[tilespmem:$0x1F000] =	vst v63  }
0x1a7: {  	_ =	swait.ge [sflag:s29], $0x1400  }
0x1a8: {  	[sflag:s29] =	ssyncset.done $0x0  }
0x1a9: {  	s17 =	rddreg [dreg:$0xb];
	[sflag:s29] =	ssyncadd.s32 $0xFFFFEC00  }
0x1aa: {  	[spmem:s2] =	stream.indirect.scatter.add.f32 [tilespmem:s24], [sflag:$0x7], $0x40, s17, s22, $0xb8;
	[tilespmem:$0x1F000] =	vst v63  }
0x1ab: {  	_ =	swait.ge [sflag:s30], $0x1400  }
0x1ac: {  	[sflag:s30] =	ssyncset.done $0x0  }
0x1ad: {  	s7 =	rddreg [dreg:$0xc];
	[sflag:s30] =	ssyncadd.s32 $0xFFFFEC00  }
0x1ae: {  	[spmem:s2] =	stream.indirect.scatter.add.f32 [tilespmem:s25], [sflag:$0x8], $0x40, s7, s22, $0xb8;
	[tilespmem:$0x1F000] =	vst v63  }
0x1af: {  	_ =	swait.ge [sflag:s31], $0x1400  }
0x1b0: {  	[sflag:s31] =	ssyncset.done $0x0  }
0x1b1: {  	[sflag:s31] =	ssyncadd.s32 $0xFFFFEC00  }
0x1b2: {  	_ =	swait.ge [sflag:s1], $0x1400  }
0x1b3: {  	[sflag:s1] =	ssyncset.done $0x0  }
0x1b4: {  	[sflag:s1] =	ssyncadd.s32 $0xFFFFEC00  }
0x1b5: {  	_ =	swait.ge [sflag:s0], $0x1400  }
0x1b6: {  	[sflag:s0] =	ssyncset.done $0x0  }
0x1b7: {  	[sflag:s0] =	ssyncadd.s32 $0xFFFFEC00  }
0x1b8: {  	_ =	swait.ge [sflag:s5], $0x1400  }
0x1b9: {  	[sflag:s5] =	ssyncset.done $0x0  }
0x1ba: {  	s16 =	rddreg [dreg:$0xd];
	[sflag:s5] =	ssyncadd.s32 $0xFFFFEC00  }
0x1bb: {  	[tilespmem:s19], [sflag:$0x1] =	stream.indirect.gather [spmem:s3], $0x40, s16, s22, $0xb8;
	[tilespmem:$0x1F000] =	vst v63  }
0x1bc: {  	s17 =	rddreg [dreg:$0xe]  }
0x1bd: {  	[tilespmem:s23], [sflag:$0x2] =	stream.indirect.gather [spmem:s3], $0x40, s17, s22, $0xb8;
	[tilespmem:$0x1F000] =	vst v63  }
0x1be: {  	s16 =	rddreg [dreg:$0xf]  }
0x1bf: {  	[tilespmem:s24], [sflag:$0x3] =	stream.indirect.gather [spmem:s3], $0x40, s16, s22, $0xb8;
	[tilespmem:$0x1F000] =	vst v63  }
0x1c0: {  	s17 =	rddreg [dreg:$0x10]  }
0x1c1: {  	[tilespmem:s25], [sflag:$0x4] =	stream.indirect.gather [spmem:s3], $0x40, s17, s22, $0xb8;
	[tilespmem:$0x1F000] =	vst v63  }
0x1c2: {  	_ =	swait.ge [sflag:s26], $0x1400  }
0x1c3: {  	[sflag:s26] =	ssyncset.done $0x0  }
0x1c4: {  	s7 =	rddreg [dreg:$0x11];
	[sflag:s26] =	ssyncadd.s32 $0xFFFFEC00  }
0x1c5: {  	[spmem:s2] =	stream.indirect.scatter.add.f32 [tilespmem:s19], [sflag:$0x5], $0x40, s7, s22, $0xb8;
	[tilespmem:$0x1F000] =	vst v63  }
0x1c6: {  	_ =	swait.ge [sflag:s28], $0x1400  }
0x1c7: {  	[sflag:s28] =	ssyncset.done $0x0  }
0x1c8: {  	s16 =	rddreg [dreg:$0x12];
	[sflag:s28] =	ssyncadd.s32 $0xFFFFEC00  }
0x1c9: {  	[spmem:s2] =	stream.indirect.scatter.add.f32 [tilespmem:s23], [sflag:$0x6], $0x40, s16, s22, $0xb8;
	[tilespmem:$0x1F000] =	vst v63  }
0x1ca: {  	_ =	swait.ge [sflag:s29], $0x1400  }
0x1cb: {  	[sflag:s29] =	ssyncset.done $0x0  }
0x1cc: {  	s17 =	rddreg [dreg:$0x13];
	[sflag:s29] =	ssyncadd.s32 $0xFFFFEC00  }
0x1cd: {  	[spmem:s2] =	stream.indirect.scatter.add.f32 [tilespmem:s24], [sflag:$0x7], $0x40, s17, s22, $0xb8;
	[tilespmem:$0x1F000] =	vst v63  }
0x1ce: {  	_ =	swait.ge [sflag:s30], $0x1400  }
0x1cf: {  	[sflag:s30] =	ssyncset.done $0x0  }
0x1d0: {  	s7 =	rddreg [dreg:$0x14];
	[sflag:s30] =	ssyncadd.s32 $0xFFFFEC00  }
0x1d1: {  	[spmem:s2] =	stream.indirect.scatter.add.f32 [tilespmem:s25], [sflag:$0x8], $0x40, s7, s22, $0xb8;
	[tilespmem:$0x1F000] =	vst v63  }
0x1d2: {  	_ =	swait.ge [sflag:s31], $0x1400  }
0x1d3: {  	[sflag:s31] =	ssyncset.done $0x0  }
0x1d4: {  	[sflag:s31] =	ssyncadd.s32 $0xFFFFEC00  }
0x1d5: {  	_ =	swait.ge [sflag:s1], $0x1400  }
0x1d6: {  	[sflag:s1] =	ssyncset.done $0x0  }
0x1d7: {  	[sflag:s1] =	ssyncadd.s32 $0xFFFFEC00  }
0x1d8: {  	_ =	swait.ge [sflag:s0], $0x1400  }
0x1d9: {  	[sflag:s0] =	ssyncset.done $0x0  }
0x1da: {  	[sflag:s0] =	ssyncadd.s32 $0xFFFFEC00  }
0x1db: {  	_ =	swait.ge [sflag:s5], $0x1400  }
0x1dc: {  	[sflag:s5] =	ssyncset.done $0x0  }
0x1dd: {  	s16 =	rddreg [dreg:$0x15];
	[sflag:s5] =	ssyncadd.s32 $0xFFFFEC00  }
0x1de: {  	[tilespmem:s19], [sflag:$0x1] =	stream.indirect.gather [spmem:s3], $0x40, s16, s22, $0xb8;
	[tilespmem:$0x1F000] =	vst v63  }
0x1df: {  	s17 =	rddreg [dreg:$0x16]  }
0x1e0: {  	[tilespmem:s23], [sflag:$0x2] =	stream.indirect.gather [spmem:s3], $0x40, s17, s22, $0xb8;
	[tilespmem:$0x1F000] =	vst v63  }
0x1e1: {  	s16 =	rddreg [dreg:$0x17]  }
0x1e2: {  	[tilespmem:s24], [sflag:$0x3] =	stream.indirect.gather [spmem:s3], $0x40, s16, s22, $0xb8;
	[tilespmem:$0x1F000] =	vst v63  }
0x1e3: {  	s17 =	rddreg [dreg:$0x18]  }
0x1e4: {  	[tilespmem:s25], [sflag:$0x4] =	stream.indirect.gather [spmem:s3], $0x40, s17, s22, $0xb8;
	[tilespmem:$0x1F000] =	vst v63  }
0x1e5: {  	_ =	swait.ge [sflag:s26], $0x1400  }
0x1e6: {  	[sflag:s26] =	ssyncset.done $0x0  }
0x1e7: {  	s7 =	rddreg [dreg:$0x19];
	[sflag:s26] =	ssyncadd.s32 $0xFFFFEC00  }
0x1e8: {  	[spmem:s2] =	stream.indirect.scatter.add.f32 [tilespmem:s19], [sflag:$0x5], $0x40, s7, s22, $0xb8;
	[tilespmem:$0x1F000] =	vst v63  }
0x1e9: {  	_ =	swait.ge [sflag:s28], $0x1400  }
0x1ea: {  	[sflag:s28] =	ssyncset.done $0x0  }
0x1eb: {  	s16 =	rddreg [dreg:$0x1a];
	[sflag:s28] =	ssyncadd.s32 $0xFFFFEC00  }
0x1ec: {  	[spmem:s2] =	stream.indirect.scatter.add.f32 [tilespmem:s23], [sflag:$0x6], $0x40, s16, s22, $0xb8;
	[tilespmem:$0x1F000] =	vst v63  }
0x1ed: {  	_ =	swait.ge [sflag:s29], $0x1400  }
0x1ee: {  	[sflag:s29] =	ssyncset.done $0x0  }
0x1ef: {  	s17 =	rddreg [dreg:$0x1b];
	[sflag:s29] =	ssyncadd.s32 $0xFFFFEC00  }
0x1f0: {  	[spmem:s2] =	stream.indirect.scatter.add.f32 [tilespmem:s24], [sflag:$0x7], $0x40, s17, s22, $0xb8;
	[tilespmem:$0x1F000] =	vst v63  }
0x1f1: {  	_ =	swait.ge [sflag:s30], $0x1400  }
0x1f2: {  	[sflag:s30] =	ssyncset.done $0x0  }
0x1f3: {  	s7 =	rddreg [dreg:$0x1c];
	[sflag:s30] =	ssyncadd.s32 $0xFFFFEC00  }
0x1f4: {  	[spmem:s2] =	stream.indirect.scatter.add.f32 [tilespmem:s25], [sflag:$0x8], $0x40, s7, s22, $0xb8;
	[tilespmem:$0x1F000] =	vst v63  }
0x1f5: {  	_ =	swait.ge [sflag:s31], $0x1400  }
0x1f6: {  	[sflag:s31] =	ssyncset.done $0x0  }
0x1f7: {  	[sflag:s31] =	ssyncadd.s32 $0xFFFFEC00  }
0x1f8: {  	_ =	swait.ge [sflag:s1], $0x1400  }
0x1f9: {  	[sflag:s1] =	ssyncset.done $0x0  }
0x1fa: {  	[sflag:s1] =	ssyncadd.s32 $0xFFFFEC00  }
0x1fb: {  	_ =	swait.ge [sflag:s0], $0x1400  }
0x1fc: {  	[sflag:s0] =	ssyncset.done $0x0  }
0x1fd: {  	[sflag:s0] =	ssyncadd.s32 $0xFFFFEC00  }
0x1fe: {  	_ =	swait.ge [sflag:s5], $0x1400  }
0x1ff: {  	[sflag:s5] =	ssyncset.done $0x0  }
0x200: {  	[sflag:s5] =	ssyncadd.s32 $0xFFFFEC00  }
0x201: {  	[tilespmem:s19], [sflag:$0x1] =	stream.indirect.gather [spmem:s3], $0x40, s8, s22, $0xb8;
	[tilespmem:$0x1F000] =	vst v63  }
0x202: {  	_ = 	snop  }
0x203: {  	[tilespmem:s23], [sflag:$0x2] =	stream.indirect.gather [spmem:s3], $0x40, s9, s22, $0xb8;
	[tilespmem:$0x1F000] =	vst v63  }
0x204: {  	_ = 	snop  }
0x205: {  	[tilespmem:s24], [sflag:$0x3] =	stream.indirect.gather [spmem:s3], $0x40, s10, s22, $0xb8;
	[tilespmem:$0x1F000] =	vst v63  }
0x206: {  	_ = 	snop  }
0x207: {  	[tilespmem:s25], [sflag:$0x4] =	stream.indirect.gather [spmem:s3], $0x40, s11, s22, $0xb8;
	[tilespmem:$0x1F000] =	vst v63  }
0x208: {  	_ =	swait.ge [sflag:s26], $0x1400  }
0x209: {  	[sflag:s26] =	ssyncset.done $0x0  }
0x20a: {  	[sflag:s26] =	ssyncadd.s32 $0xFFFFEC00  }
0x20b: {  	[spmem:s2] =	stream.indirect.scatter.add.f32 [tilespmem:s19], [sflag:$0x5], $0x40, s12, s22, $0xb8;
	[tilespmem:$0x1F000] =	vst v63  }
0x20c: {  	_ =	swait.ge [sflag:s28], $0x1400  }
0x20d: {  	[sflag:s28] =	ssyncset.done $0x0  }
0x20e: {  	[sflag:s28] =	ssyncadd.s32 $0xFFFFEC00  }
0x20f: {  	[spmem:s2] =	stream.indirect.scatter.add.f32 [tilespmem:s23], [sflag:$0x6], $0x40, s13, s22, $0xb8;
	[tilespmem:$0x1F000] =	vst v63  }
0x210: {  	_ =	swait.ge [sflag:s29], $0x1400  }
0x211: {  	[sflag:s29] =	ssyncset.done $0x0  }
0x212: {  	[sflag:s29] =	ssyncadd.s32 $0xFFFFEC00  }
0x213: {  	[spmem:s2] =	stream.indirect.scatter.add.f32 [tilespmem:s24], [sflag:$0x7], $0x40, s14, s22, $0xb8;
	[tilespmem:$0x1F000] =	vst v63  }
0x214: {  	_ =	swait.ge [sflag:s30], $0x1400  }
0x215: {  	[sflag:s30] =	ssyncset.done $0x0  }
0x216: {  	[sflag:s30] =	ssyncadd.s32 $0xFFFFEC00  }
0x217: {  	[spmem:s2] =	stream.indirect.scatter.add.f32 [tilespmem:s25], [sflag:$0x8], $0x40, s15, s22, $0xb8;
	[tilespmem:$0x1F000] =	vst v63  }
0x218: {  	_ =	swait.ge [sflag:s31], $0x1400  }
0x219: {  	[sflag:s31] =	ssyncset.done $0x0  }
0x21a: {  	[sflag:s31] =	ssyncadd.s32 $0xFFFFEC00  }
0x21b: {  	_ =	swait.ge [sflag:s1], $0x1400  }
0x21c: {  	[sflag:s1] =	ssyncset.done $0x0  }
0x21d: {  	[sflag:s1] =	ssyncadd.s32 $0xFFFFEC00  }
0x21e: {  	_ =	swait.ge [sflag:s0], $0x1400  }
0x21f: {  	[sflag:s0] =	ssyncset.done $0x0  }
0x220: {  	[sflag:s0] =	ssyncadd.s32 $0xFFFFEC00  }
0x221: {  	_ =	swait.ge [sflag:s5], $0x1400  }
0x222: {  	[sflag:s5] =	ssyncset.done $0x0  }
0x223: {  	[sflag:s5] =	ssyncadd.s32 $0xFFFFEC00  }
0x224: {  	[bflag:$0x0] =	sbarrier.arrive $0xFFFF  }
0x225: {  	s17 =	sld [smem:$0x7FB]  }
0x226: {  	s16 =	rddreg [dreg:$0x1f]  }
0x227: {  	s6 =	sshrl.u32 s16, $0x3;
	s16 =	rddreg [dreg:$0x1e]  }
0x228: {  	[hbm:s17], [sflag:s16] =	dma.local [spmem:s6], $0x2800  }
0x229: {  	_ =	swait.ge [sflag:s18], $0x2800  }
0x22a: {  	s6 =	sld [smem:$0x7F3]  }
0x22b: {  	s17 =	sld [smem:$0x7FC];
	_ =	sdelay $0x1  }
0x22c: {  	s7 =	sadd.s32 $0x1, s6  }
0x22d: {  	p0 =	sne.s32 s7, s17  }
.Ltmp2:
0x22e: {  	_ = 	snop;
	(pc) =	sbr.rel @p0 .LBB2_1-.Ltmp2, $3  }
0x22f: {  	_ =	sdelay $0x1  }
0x230: {  	[sflag:s18] =	ssyncset.done $0x0  }
0x231: {  	[sflag:s18] =	ssyncadd.s32 $0xFFFFD800  }
0x232: {  	_ =	sfence.sel $0x180000  }
0x233: {  	[bflag:$0x0] =	sbarrier.arrive $0xFFFF  }
0x234: {  	_ =	strace $0x90000047  }
0x235: {  	s0 =	stileid.u32;
	[bflag:$0x2] =	sbarrier.arrive $0xFFFF  }
0x236: {  	p0 =	sne.s32 s0, $0x0;
	s0 =	rddreg [dreg:$0x4]  }
0x237: {  	s0 =	sadd.s32 @!p0 $0x100000, s0  }
0x238: {  	[sflag:s0] =	ssyncadd.tile.s32 @!p0 $0x1;
	_ =	shalt  }
.Lfunc_end2:
_tile_overlayer_lowered:
.L_overlay_start_2:
0x239: {  	(tag) =	ssettag $0x2  }
0x23a: {  	s0 =	rddreg [dreg:$0x0];
	s2 =	stileid.u32  }
0x23b: {  	s1 =	rddreg [dreg:$0x1];
	p0 =	sne.s32 s2, $0x0  }
0x23c: {  	s3 =	rddreg [dreg:$0x2];
	[bflag:$0x3] =	sbarrier.arrive $0xFFFF;
	s2 =	simm.s32 @!p0 $0x1C09  }
0x23d: {  	[timem:s3], [sflag:s2] =	dma.local @!p0 [hbm:s0], s1  }
0x23e: {  	s0 =	simm.s32 @!p0 $0x9  }
0x23f: {  	_ =	swait.ge @!p0 [sflag:s0], s1  }
0x240: {  	s1 =	ssub.s32 @!p0 $0x0, s1;
	[sflag:s0] =	ssyncset.done @!p0 $0x0  }
0x241: {  	[sflag:s0] =	ssyncadd.s32 @!p0 s1  }
0x242: {  	[bflag:$0x3] =	sbarrier.arrive $0xFFFF  }
0x243: {  	_ =	shalt  }

// kernel: kernel.13.cloned.1.call-start
scs
__scs_entry_jumppad:
0x0: {  	(pc) =	sbr.rel $0x88, $3  }
0x1: {  	(tag) =	ssettag $0x0;
	lr =	simm.s32 $0x1  }
0x2: {  	[smem:$0x3F95] =	sst lr;
	_ =	strace $0xD0000000  }
0x3: {  	_ = 	snop  }
0x4: {  	_ = 	snop  }
0x5: {  	_ = 	snop  }
0x6: {  	_ = 	snop  }
0x7: {  	_ = 	snop  }
__scs_overlays_trampoline_lowered:
0x8: {  	[smem:$0x3FA4] =	sst s0  }
0x9: {  	[smem:$0x3FA5] =	sst s1  }
0xa: {  	[smem:$0x3FA6] =	sst s2  }
0xb: {  	[smem:$0x3FA7] =	sst s3  }
0xc: {  	[smem:$0x3FA8] =	sst s4  }
0xd: {  	[smem:$0x3FA9] =	sst s5  }
0xe: {  	[smem:$0x3FAA] =	sst s6  }
0xf: {  	[smem:$0x3FAB] =	sst s7  }
0x10: {  	[smem:$0x3FAC] =	sst s8  }
0x11: {  	[smem:$0x3FAD] =	sst s9;
	s0 =	simm.s32 @!p0 $0x0  }
0x12: {  	s1 =	sld [smem:$0x3F93];
	s0 =	simm.s32 @p0 $0x1  }
0x13: {  	[smem:$0x3FAE] =	sst s0;
	s0 =	simm.s32 @!p1 $0x0  }
0x14: {  	s2 =	sld [smem:$0x3F92];
	s0 =	simm.s32 @p1 $0x1  }
0x15: {  	[smem:$0x3FAF] =	sst s0;
	s0 =	simm.s32 @!p2 $0x0  }
0x16: {  	s3 =	sld [smem:$0x3FDB];
	s0 =	simm.s32 @p2 $0x1  }
0x17: {  	s4 =	simm.s32 $0x1BF5;
	[smem:$0x3FB1] =	sst s0  }
0x18: {  	s0 =	sld [smem:$0x3F94];
	_ =	swait.ge [sflag:s4], $0x0  }
0x19: {  	s7 =	sld [smem:$0x3F95]  }
0x1a: {  	s8 =	sadd.s32 $0xFFFFE003, lr  }
0x1b: {  	s9 =	sadd.s32 $0xFFFFFEF7, lr;
	s5 =	simm.s32 $0xFFFFFFFF;
	p2 =	slt.u32 s8, $0xFFFFF086  }
0x1c: {  	p1 =	slt.u32 s9, $0xF7A;
	s5 =	simm.s32 @!p2 $0x0  }
0x1d: {  	s5 =	simm.s32 @p1 $0x1;
	p0 =	seq.s32 s7, s2  }
0x1e: {  	s7 =	smul.u32 @!p0 $0xF7A, s2;
	p2 =	seq.s32 @!p0 s5, $0x0  }
0x1f: {  	s9 =	smul.u32 $0xF7A, s1;
	s8 =	simm.s32 @!p0 $0x1BF5;
	p2 =	por !p2, p0  }
0x20: {  	[sflag:s8] =	ssyncset.s32 @!p0 $0xFFFFF086;
	s6 =	sadd.s32 @!p0 s3, s7;
	s7 =	simm.s32 @!p0 $0x108  }
0x21: {  	s3 =	sadd.s32 s3, s9;
	s6 =	sadd.s32 @!p0 $0x88, s6;
	s7 =	simm.s32 @p2 $0x1082  }
0x22: {  	[simem:s7], [sflag:s8] =	dma.local @!p0 [hbm:s6], $0xF7A  }
0x23: {  	s9 =	sor.u32 $0xD0000000, s2;
	s6 =	simm.s32 $0x108;
	_ =	swait.ge @!p0 [sflag:s8], $0x0  }
0x24: {  	s3 =	sadd.s32 $0x88, s3;
	s6 =	simm.s32 @!p1 $0x1082;
	[sflag:s4] =	ssyncset.s32 $0xFFFFF086  }
0x25: {  	[simem:s6], [sflag:s4] =	dma.local [hbm:s3], $0xF7A  }
0x26: {  	[smem:$0x3F95] =	sst s1;
	(tag) =	ssettag s2;
	_ =	strace s9  }
0x27: {  	s1 =	sld [smem:$0x3FA5]  }
0x28: {  	s2 =	sld [smem:$0x3FA6]  }
0x29: {  	s4 =	sld [smem:$0x3FA8]  }
0x2a: {  	p0 =	seq.s32 s5, $0x0;
	s5 =	sld [smem:$0x3FA9]  }
0x2b: {  	s6 =	sld [smem:$0x3FAA]  }
0x2c: {  	s7 =	sld [smem:$0x3FAB]  }
0x2d: {  	s3 =	simm.s32 $0x108;
	s8 =	sld [smem:$0x3FAC]  }
0x2e: {  	s3 =	simm.s32 @!p0 $0x1082;
	s9 =	sld [smem:$0x3FAD]  }
0x2f: {  	lr =	sadd.s32 s0, s3;
	s0 =	sld [smem:$0x3FA4]  }
0x30: {  	s3 =	sld [smem:$0x3FA7]  }
0x31: {  	[smem:$0x3FB0] =	sst s10  }
0x32: {  	s10 =	sld [smem:$0x3FAE];
	_ =	sdelay $0x3  }
0x33: {  	p0 =	seq.s32 s10, $0x1;
	s10 =	sld [smem:$0x3FB0];
	_ =	sdelay $0x3  }
0x34: {  	[smem:$0x3FB0] =	sst s10  }
0x35: {  	s10 =	sld [smem:$0x3FAF];
	_ =	sdelay $0x3  }
0x36: {  	p1 =	seq.s32 s10, $0x1;
	s10 =	sld [smem:$0x3FB0];
	_ =	sdelay $0x3  }
0x37: {  	[smem:$0x3FB0] =	sst s10  }
0x38: {  	s10 =	sld [smem:$0x3FB1]  }
0x39: {  	_ = 	snop;
	(pc) =	sbr.ind lr, $3  }
0x3a: {  	_ = 	snop  }
0x3b: {  	_ = 	snop  }
0x3c: {  	p2 =	seq.s32 s10, $0x1;
	s10 =	sld [smem:$0x3FB0]  }
0x3d: {  	_ =	shalt  }
0x3e: {  	_ =	shalt  }
0x3f: {  	_ =	shalt  }
0x40: {  	_ =	shalt  }
0x41: {  	_ =	shalt  }
0x42: {  	_ =	shalt  }
0x43: {  	_ =	shalt  }
0x44: {  	_ =	shalt  }
0x45: {  	_ =	shalt  }
0x46: {  	_ =	shalt  }
0x47: {  	_ =	shalt  }
0x48: {  	_ =	shalt  }
0x49: {  	_ =	shalt  }
0x4a: {  	_ =	shalt  }
0x4b: {  	_ =	shalt  }
0x4c: {  	_ =	shalt  }
0x4d: {  	_ =	shalt  }
0x4e: {  	_ =	shalt  }
0x4f: {  	_ =	shalt  }
0x50: {  	_ =	shalt  }
0x51: {  	_ =	shalt  }
0x52: {  	_ =	shalt  }
0x53: {  	_ =	shalt  }
0x54: {  	_ =	shalt  }
0x55: {  	_ =	shalt  }
0x56: {  	_ =	shalt  }
0x57: {  	_ =	shalt  }
0x58: {  	_ =	shalt  }
0x59: {  	_ =	shalt  }
0x5a: {  	_ =	shalt  }
0x5b: {  	_ =	shalt  }
0x5c: {  	_ =	shalt  }
0x5d: {  	_ =	shalt  }
0x5e: {  	_ =	shalt  }
0x5f: {  	_ =	shalt  }
0x60: {  	_ =	shalt  }
0x61: {  	_ =	shalt  }
0x62: {  	_ =	shalt  }
0x63: {  	_ =	shalt  }
0x64: {  	_ =	shalt  }
0x65: {  	_ =	shalt  }
0x66: {  	_ =	shalt  }
0x67: {  	_ =	shalt  }
0x68: {  	_ =	shalt  }
0x69: {  	_ =	shalt  }
0x6a: {  	_ =	shalt  }
0x6b: {  	_ =	shalt  }
0x6c: {  	_ =	shalt  }
0x6d: {  	_ =	shalt  }
0x6e: {  	_ =	shalt  }
0x6f: {  	_ =	shalt  }
0x70: {  	_ =	shalt  }
0x71: {  	_ =	shalt  }
0x72: {  	_ =	shalt  }
0x73: {  	_ =	shalt  }
0x74: {  	_ =	shalt  }
0x75: {  	_ =	shalt  }
0x76: {  	_ =	shalt  }
0x77: {  	_ =	shalt  }
0x78: {  	_ =	shalt  }
0x79: {  	_ =	shalt  }
0x7a: {  	_ =	shalt  }
0x7b: {  	_ =	shalt  }
0x7c: {  	_ =	shalt  }
0x7d: {  	_ =	shalt  }
0x7e: {  	_ =	shalt  }
0x7f: {  	_ =	shalt  }
0x80: {  	_ =	shalt  }
0x81: {  	_ =	shalt  }
0x82: {  	_ =	shalt  }
0x83: {  	_ =	shalt  }
0x84: {  	_ =	shalt  }
0x85: {  	_ =	shalt  }
0x86: {  	_ =	shalt  }
0x87: {  	_ =	shalt  }
.Lfunc_end0:
.L_simem_size_0:
called_computation.2_lowered:
.L_overlay_start_0:
0x88: {  	s2 =	sld [smem:$0x3FD9]  }
0x89: {  	s3 =	sld [smem:$0x3FFE];
	_ =	sdelay $0x1  }
0x8a: {  	s1 =	srdreg.scid  }
0x8b: {  	s0 =	sand.u32 $0x1, s1  }
0x8c: {  	s17 =	sshll.u32 s0, $0xA;
	s2 =	sadd.s32 s3, s2  }
0x8d: {  	s2 =	sadd.s32 s2, s17  }
0x8e: {  	[smem:$0x3FBC] =	sst s2  }
0x8f: {  	_ = 	snop  }
0x90: {  	s2 =	sld [smem:$0x3FD0];
	(tm) =	ssettm $0x1  }
0x91: {  	s18 =	sld [smem:$0x3FFB];
	_ =	sdelay $0x3  }
0x92: {  	_ =	strace s18  }
0x93: {  	s3 =	sld [smem:$0x3FFC];
	_ =	sdelay $0x3  }
0x94: {  	_ =	strace s3  }
0x95: {  	s3 =	sld [smem:$0x3FFD];
	_ =	sdelay $0x3  }
0x96: {  	_ =	strace s3  }
0x97: {  	_ =	strace $0x8FFFFFFF  }
0x98: {  	s19 =	sld [smem:$0x3FDB];
	_ =	sdelay $0x1  }
0x99: {  	s4 =	simm.s32 $_scs_section_size  }
0x9a: {  	s5 =	simm.s32 $_size__tile_overlayer_lowered;
	s6 =	simm.s32 $_tile_overlayer_lowered  }
0x9b: {  	s22 =	simm.s32 $0x1BFF;
	s21 =	sshll.u32 s6, $0x1;
	s3 =	sadd.s32 s4, s19  }
0x9c: {  	s7 =	simm.s32 $0x0;
	s20 =	sshll.u32 s5, $0x1;
	s5 =	sadd.s32 s21, s3  }
0x9d: {  	[timem:s7], [sflag:s22] =	dma.local [hbm:s5], s20  }
0x9e: {  	_ =	swait.ge [sflag:s22], s20  }
0x9f: {  	s4 =	ssub.s32 $0x0, s20;
	[sflag:s22] =	ssyncset.done $0x0  }
0xa0: {  	[sflag:s22] =	ssyncadd.s32 s4;
	_ =	sdelay $0x1  }
0xa1: {  	s23 =	simm.s32 $0x1B8B  }
0xa2: {  	_ =	swait.ge [sflag:s23], $0x1  }
0xa3: {  	[sflag:s23] =	ssyncset.done $0x0  }
0xa4: {  	s25 =	simm.s32 $0x1B8E;
	s24 =	sld [smem:$0x3FFE];
	[sflag:s23] =	ssyncadd.s32 $0xFFFFFFFF  }
0xa5: {  	s26 =	simm.s32 $execute0_lowered;
	[smem:$0x3FD2] =	sst s25  }
0xa6: {  	s5 =	sshll.u32 s26, $0x1;
	_ =	strace $0x8000004C;
	[dreg:$0x1] =	wrdreg $0xFFFFFFFF  }
0xa7: {  	s28 =	simm.s32 $_size_execute0_lowered;
	s3 =	sadd.s32 s3, s5;
	[dreg:$0x0] =	wrdreg $0x0  }
0xa8: {  	s5 =	sshll.u32 s28, $0x1;
	[dreg:$0x2] =	wrdreg s3  }
0xa9: {  	[dreg:$0x3] =	wrdreg s5  }
0xaa: {  	[dreg:$0x4] =	wrdreg $0xC0  }
0xab: {  	_ =	task [dreg:s7], $0x5FFFF  }
0xac: {  	[dreg:$0x1] =	wrdreg $0xFFFFFFFF  }
0xad: {  	[dreg:$0x0] =	wrdreg $0x60  }
0xae: {  	[dreg:$0x2] =	wrdreg s24  }
0xaf: {  	[dreg:$0x3] =	wrdreg s2  }
0xb0: {  	[dreg:$0x4] =	wrdreg $0x0  }
0xb1: {  	[dreg:$0x5] =	wrdreg $0xA8000  }
0xb2: {  	[dreg:$0x6] =	wrdreg $0x9  }
0xb3: {  	_ =	task.clear_ibuf [dreg:s7], $0x7FFFF;
	_ =	strace $0x9000004C  }
0xb4: {  	s29 =	simm.s32 $0x9;
	_ =	strace $0x8000004E  }
0xb5: {  	_ =	swait.ge [sflag:s29], $0x1  }
0xb6: {  	[sflag:s29] =	ssyncadd.s32 $0xFFFFFFFF  }
0xb7: {  	_ =	strace $0x9000004E  }
0xb8: {  	_ =	sfence  }
0xb9: {  	s30 =	sld [smem:$0x0];
	_ =	sdelay $0x2  }
0xba: {  	s31 =	sshll.u32 s1, $0xD;
	s1 =	sshrl.u32 s1, $0x2  }
0xbb: {  	s3 =	sand.u32 $0x4000, s31;
	s1 =	sadd.s32 s1, s30  }
0xbc: {  	s0 =	sor.u32 s3, s0;
	s1 =	sshll.u32 s1, $0x11  }
0xbd: {  	s0 =	sor.u32 s1, s0  }
0xbe: {  	s0 =	sadd.s32 $0x8F2B, s0  }
0xbf: {  	[sflag:s0] =	ssyncadd.remote.s32 $0x1  }
0xc0: {  	_ =	sfence.sel $0xFFFF  }
0xc1: {  	[dreg:$0x0] =	wrdreg $0xFFFFFFFF;
	(pc) =	sbr.abs _section_cstart, $3  }
0xc2: {  	[dreg:$0x1] =	wrdreg $0xFFFFFFFF  }
0xc3: {  	_ =	task.clear_ibuf [dreg:s7], $0x2FFFF;
	_ =	strace $0x9FFFFFFF  }
0xc4: {  	(tm) =	ssettm $0x7FFFFFFF  }
0xc5: {  	_ =	shalt  }
tec
execute0_lowered:
.L_overlay_start_1:
0x0: {  	(tag) =	ssettag $0x1  }
0x1: {  	s0 =	rddreg [dreg:$0x0]  }
0x2: {  	s1 =	rddreg [dreg:$0x1]  }
0x3: {  	s3 =	srdreg.scid;
	s2 =	rddreg [dreg:$0x2]  }
0x4: {  	s12 =	stileid.u32;
	s4 =	simm.s32 $0x0;
	s13 =	simm.s32 $0x1E980  }
0x5: {  	s15 =	simm.s32 $0xA080;
	s17 =	simm.s32 $0xA100;
	s19 =	simm.s32 $0xA180  }
0x6: {  	s20 =	simm.s32 $0x1EA00;
	s5 =	sand.u32 $0x1, s3;
	s3 =	rddreg [dreg:$0x3]  }
0x7: {  	s22 =	simm.s32 $0x1EA80;
	s28 =	simm.s32 $0x2;
	[smem:$0x7FF] =	sst s4  }
0x8: {  	s7 =	smul.u32 $0x13800, s12;
	_ =	strace $0x8000004D;
	[dreg:$0x9] =	wrdreg s13  }
0x9: {  	s29 =	simm.s32 $0x3;
	s8 =	smul.u32 $0x14000, s12;
	[dreg:$0xa] =	wrdreg s15  }
0xa: {  	s30 =	simm.s32 $0x4;
	s11 =	smul.u32 $0x4E000, s12;
	[dreg:$0xb] =	wrdreg s17  }
0xb: {  	s31 =	simm.s32 $0x5;
	s14 =	smul.u32 $0x50000, s12;
	[dreg:$0xc] =	wrdreg s19  }
0xc: {  	s9 =	sshll.u32 s12, $0xD;
	s6 =	smul.u32 $0x138800, s5;
	[dreg:$0xd] =	wrdreg s20  }
0xd: {  	s23 =	smul.u32 $0x140000, s5;
	s1 =	sadd.s32 s9, s1;
	[dreg:$0xe] =	wrdreg s22  }
0xe: {  	s10 =	sadd.s32 s9, s0;
	s9 =	simm.s32 $0x1E880;
	[dreg:$0x6] =	wrdreg s1  }
0xf: {  	s5 =	ssub.s32 $0x2, s5;
	s15 =	simm.s32 $0xA380;
	[dreg:$0x7] =	wrdreg s9  }
0x10: {  	s17 =	simm.s32 $0x1EC00;
	s19 =	simm.s32 $0x1EC80;
	[dreg:$0x14] =	wrdreg s15  }
0x11: {  	s22 =	simm.s32 $0x1ED80;
	s24 =	sshrl.u32 s5, $0x1;
	[dreg:$0x15] =	wrdreg s17  }
0x12: {  	s25 =	sadd.s32 $0x2A00, s10;
	s26 =	sshrl.u32 s11, $0x2;
	[dreg:$0x16] =	wrdreg s19  }
0x13: {  	s10 =	simm.s32 $0x1E900;
	s11 =	sshll.u32 s12, $0x6;
	[dreg:$0x18] =	wrdreg s22  }
0x14: {  	s18 =	sshrl.u32 s14, $0x2;
	s12 =	simm.s32 $0xA280;
	[dreg:$0x5] =	wrdreg s25  }
0x15: {  	s14 =	simm.s32 $0xA300;
	s6 =	sadd.s32 s7, s6;
	[dreg:$0x8] =	wrdreg s10  }
0x16: {  	s7 =	sadd.s32 s8, s23;
	s5 =	ssub.s32 s5, s24;
	[dreg:$0x12] =	wrdreg s12  }
0x17: {  	s16 =	sor.u32 $0x1C09, s11;
	s24 =	simm.s32 $0x1EB00;
	[dreg:$0x13] =	wrdreg s14  }
0x18: {  	s10 =	simm.s32 $0xA200;
	s6 =	sshrl.u32 s6, $0x3;
	[dreg:$0xf] =	wrdreg s24  }
0x19: {  	s7 =	sshrl.u32 s7, $0x3;
	[dreg:$0x11] =	wrdreg s10;
	s24 =	simm.s32 $0xA480  }
0x1a: {  	[dreg:$0x1e] =	wrdreg s16;
	s6 =	sadd.s32 s6, s0;
	s0 =	sadd.s32 s7, s0  }
0x1b: {  	s7 =	sadd.s32 s26, s3;
	s26 =	simm.s32 $0x1EB80;
	[dreg:$0x1a] =	wrdreg s24  }
0x1c: {  	s19 =	simm.s32 $0x14800;
	s6 =	sadd.s32 $0x22A00, s6;
	[dreg:$0x10] =	wrdreg s26  }
0x1d: {  	s22 =	simm.s32 $0x50;
	s0 =	sadd.s32 $0x70C00, s0;
	[dreg:$0x1d] =	wrdreg s6  }
0x1e: {  	s1 =	simm.s32 $0x6;
	s20 =	sshrl.u32 s7, $0x3;
	[smem:$0x7FB] =	sst s0  }
0x1f: {  	s15 =	simm.s32 $0xA780;
	s26 =	simm.s32 $0xA580;
	[smem:$0x7FD] =	sst s20  }
0x20: {  	s8 =	simm.s32 $0x1EE00;
	s6 =	sadd.s32 s18, s2;
	[dreg:$0x1c] =	wrdreg s26  }
0x21: {  	s12 =	simm.s32 $0xA600;
	s18 =	smax.u32 s5, $0x1;
	[dreg:$0x1f] =	wrdreg s6  }
0x22: {  	s14 =	simm.s32 $0xA700;
	s21 =	sadd.s32 $0x2800, s6;
	[smem:$0x7FC] =	sst s18  }
0x23: {  	s10 =	simm.s32 $0x1EF00;
	s23 =	sadd.s32 $0x5000, s6;
	[smem:$0x7F4] =	sst s21  }
0x24: {  	s24 =	simm.s32 $0x19800;
	s25 =	sadd.s32 $0x7800, s6;
	[smem:$0x7F5] =	sst s23  }
0x25: {  	s7 =	simm.s32 $0x0;
	s9 =	sadd.s32 $0xA000, s6;
	[smem:$0x7F6] =	sst s25  }
0x26: {  	s20 =	simm.s32 $0x1E800;
	s11 =	sadd.s32 $0xC800, s6;
	[smem:$0x7F7] =	sst s9  }
0x27: {  	s26 =	simm.s32 $0x1;
	s13 =	sadd.s32 $0xF000, s6;
	[smem:$0x7F8] =	sst s11  }
0x28: {  	s0 =	simm.s32 $0x7;
	s6 =	sadd.s32 $0x11800, s6;
	[smem:$0x7F9] =	sst s13  }
0x29: {  	s5 =	simm.s32 $0x8;
	s18 =	simm.s32 $0x9;
	[smem:$0x7FA] =	sst s6  }
0x2a: {  	s21 =	simm.s32 $0x1ED00;
	s23 =	simm.s32 $0xA400;
	s25 =	simm.s32 $0xA500  }
0x2b: {  	s9 =	simm.s32 $0x1EE80;
	s11 =	simm.s32 $0x1EF80;
	[dreg:$0x17] =	wrdreg s21  }
0x2c: {  	s13 =	simm.s32 $0xA680;
	[dreg:$0x19] =	wrdreg s23;
	s21 =	simm.s32 $0xA000  }
0x2d: {  	v0 =	vimm.f32 $0.0e+00;
	[dreg:$0x1b] =	wrdreg s25;
	s23 =	simm.s32 $0x17000;
	s25 =	simm.s32 $0x1C000  }
.LBB2_1:
0x2e: {  	s17 =	sld [smem:$0x7FD]  }
0x2f: {  	[smem:$0x7F3] =	sst s7  }
0x30: {  	s6 =	rddreg [dreg:$0x1d]  }
0x31: {  	[spmem:s17], [sflag:s16] =	dma.local [hbm:s6], $0x2800  }
0x32: {  	_ =	swait.ge [sflag:s18], $0x2800  }
0x33: {  	[sflag:s18] =	ssyncset.done $0x0  }
0x34: {  	s17 =	simm.s32 $0x200;
	s6 =	simm.s32 $0x0;
	[sflag:s18] =	ssyncadd.s32 $0xFFFFD800  }
.LBB2_2:
0x35: {  	p0 =	sne.s32 s17, $0x9E00;
	[tilespmem:s6+$0x14830] =	vst v0;
	s7 =	smov.u32 s17;
	s17 =	sadd.s32 $0x200, s17  }
.Ltmp0:
0x36: {  	[tilespmem:s6+$0x14820] =	vst v0;
	(pc) =	sbr.rel @p0 .LBB2_2-.Ltmp0, $3  }
0x37: {  	[tilespmem:s6+$0x14800] =	vst v0  }
0x38: {  	[tilespmem:s6+$0x14810] =	vst v0;
	_ =	sdelay $0x1  }
0x39: {  	s6 =	sshra.s32 s7, $0x2  }
0x3a: {  	[tilespmem:s6+$0x14830] =	vst v0  }
0x3b: {  	[tilespmem:s6+$0x14820] =	vst v0  }
0x3c: {  	[tilespmem:s6+$0x14800] =	vst v0  }
0x3d: {  	[tilespmem:s6+$0x14810] =	vst v0;
	s7 =	rddreg [dreg:$0x1f]  }
0x3e: {  	[spmem:s7] =	stream.linear.scatter [tilespmem:s19], [sflag:$0x9], $0x2800, $0x38;
	[tilespmem:$0x1F000] =	vst v63  }
0x3f: {  	_ =	swait.ge [sflag:s18], $0x2800  }
0x40: {  	s16 =	sld [smem:$0x7F4]  }
0x41: {  	[sflag:s18] =	ssyncset.done $0x0  }
0x42: {  	[sflag:s18] =	ssyncadd.s32 $0xFFFFD800  }
0x43: {  	[spmem:s16] =	stream.linear.scatter [tilespmem:s19], [sflag:$0x9], $0x2800, $0x38;
	[tilespmem:$0x1F000] =	vst v63  }
0x44: {  	_ =	swait.ge [sflag:s18], $0x2800  }
0x45: {  	s17 =	sld [smem:$0x7F5]  }
0x46: {  	[sflag:s18] =	ssyncset.done $0x0  }
0x47: {  	[sflag:s18] =	ssyncadd.s32 $0xFFFFD800  }
0x48: {  	[spmem:s17] =	stream.linear.scatter [tilespmem:s19], [sflag:$0x9], $0x2800, $0x38;
	[tilespmem:$0x1F000] =	vst v63  }
0x49: {  	_ =	swait.ge [sflag:s18], $0x2800  }
0x4a: {  	s7 =	sld [smem:$0x7F6]  }
0x4b: {  	[sflag:s18] =	ssyncset.done $0x0  }
0x4c: {  	[sflag:s18] =	ssyncadd.s32 $0xFFFFD800  }
0x4d: {  	[spmem:s7] =	stream.linear.scatter [tilespmem:s19], [sflag:$0x9], $0x2800, $0x38;
	[tilespmem:$0x1F000] =	vst v63  }
0x4e: {  	_ =	swait.ge [sflag:s18], $0x2800  }
0x4f: {  	s16 =	sld [smem:$0x7F7]  }
0x50: {  	[sflag:s18] =	ssyncset.done $0x0  }
0x51: {  	[sflag:s18] =	ssyncadd.s32 $0xFFFFD800  }
0x52: {  	[spmem:s16] =	stream.linear.scatter [tilespmem:s19], [sflag:$0x9], $0x2800, $0x38;
	[tilespmem:$0x1F000] =	vst v63  }
0x53: {  	_ =	swait.ge [sflag:s18], $0x2800  }
0x54: {  	s17 =	sld [smem:$0x7F8]  }
0x55: {  	[sflag:s18] =	ssyncset.done $0x0  }
0x56: {  	[sflag:s18] =	ssyncadd.s32 $0xFFFFD800  }
0x57: {  	[spmem:s17] =	stream.linear.scatter [tilespmem:s19], [sflag:$0x9], $0x2800, $0x38;
	[tilespmem:$0x1F000] =	vst v63  }
0x58: {  	_ =	swait.ge [sflag:s18], $0x2800  }
0x59: {  	s7 =	sld [smem:$0x7F9]  }
0x5a: {  	[sflag:s18] =	ssyncset.done $0x0  }
0x5b: {  	[sflag:s18] =	ssyncadd.s32 $0xFFFFD800  }
0x5c: {  	[spmem:s7] =	stream.linear.scatter [tilespmem:s19], [sflag:$0x9], $0x2800, $0x38;
	[tilespmem:$0x1F000] =	vst v63  }
0x5d: {  	_ =	swait.ge [sflag:s18], $0x2800  }
0x5e: {  	s16 =	sld [smem:$0x7FA]  }
0x5f: {  	[sflag:s18] =	ssyncset.done $0x0  }
0x60: {  	[sflag:s18] =	ssyncadd.s32 $0xFFFFD800  }
0x61: {  	[spmem:s16] =	stream.linear.scatter [tilespmem:s19], [sflag:$0x9], $0x2800, $0x38;
	[tilespmem:$0x1F000] =	vst v63  }
0x62: {  	_ =	swait.ge [sflag:s18], $0x2800  }
0x63: {  	[sflag:s18] =	ssyncset.done $0x0  }
0x64: {  	[sflag:s18] =	ssyncadd.s32 $0xFFFFD800  }
0x65: {  	[bflag:$0x0] =	sbarrier.arrive $0xFFFF  }
0x66: {  	s17 =	rddreg [dreg:$0x6]  }
0x67: {  	s6 =	sadd.s32 $0x0, s17  }
0x68: {  	[tilespmem:s20], [sflag:$0x9] =	stream.linear.gather [hbm4b:s6+s4], $0x800, $0x38;
	[tilespmem:$0x1F000] =	vst v63  }
0x69: {  	_ =	swait.ge [sflag:s18], $0x800  }
0x6a: {  	s7 =	rddreg [dreg:$0x5];
	[sflag:s18] =	ssyncset.done $0x0  }
0x6b: {  	[sflag:s18] =	ssyncadd.s32 $0xFFFFF800;
	s6 =	sadd.s32 $0x0, s7  }
0x6c: {  	[tilespmem:s21], [sflag:$0x9] =	stream.linear.gather [hbm4b:s6+s4], $0x800, $0x38;
	[tilespmem:$0x1F000] =	vst v63  }
0x6d: {  	_ =	swait.ge [sflag:s18], $0x800  }
0x6e: {  	[sflag:s18] =	ssyncset.done $0x0  }
0x6f: {  	[sflag:s18] =	ssyncadd.s32 $0xFFFFF800  }
0x70: {  	[tilespmem:s19], [sflag:$0x1] =	stream.indirect.gather [spmem:s3], $0x40, s20, s22, $0xb8;
	[tilespmem:$0x1F000] =	vst v63  }
0x71: {  	s16 =	rddreg [dreg:$0x7]  }
0x72: {  	[tilespmem:s23], [sflag:$0x2] =	stream.indirect.gather [spmem:s3], $0x40, s16, s22, $0xb8;
	[tilespmem:$0x1F000] =	vst v63  }
0x73: {  	s7 =	rddreg [dreg:$0x8]  }
0x74: {  	[tilespmem:s24], [sflag:$0x3] =	stream.indirect.gather [spmem:s3], $0x40, s7, s22, $0xb8;
	[tilespmem:$0x1F000] =	vst v63  }
0x75: {  	s17 =	rddreg [dreg:$0x9]  }
0x76: {  	[tilespmem:s25], [sflag:$0x4] =	stream.indirect.gather [spmem:s3], $0x40, s17, s22, $0xb8;
	[tilespmem:$0x1F000] =	vst v63  }
0x77: {  	_ =	swait.ge [sflag:s26], $0x1400  }
0x78: {  	[sflag:s26] =	ssyncset.done $0x0  }
0x79: {  	[sflag:s26] =	ssyncadd.s32 $0xFFFFEC00  }
0x7a: {  	[spmem:s2] =	stream.indirect.scatter.add.f32 [tilespmem:s19], [sflag:$0x5], $0x40, s21, s22, $0xb8;
	[tilespmem:$0x1F000] =	vst v63  }
0x7b: {  	_ =	swait.ge [sflag:s28], $0x1400  }
0x7c: {  	[sflag:s28] =	ssyncset.done $0x0  }
0x7d: {  	s7 =	rddreg [dreg:$0xa];
	[sflag:s28] =	ssyncadd.s32 $0xFFFFEC00  }
0x7e: {  	[spmem:s2] =	stream.indirect.scatter.add.f32 [tilespmem:s23], [sflag:$0x6], $0x40, s7, s22, $0xb8;
	[tilespmem:$0x1F000] =	vst v63  }
0x7f: {  	_ =	swait.ge [sflag:s29], $0x1400  }
0x80: {  	[sflag:s29] =	ssyncset.done $0x0  }
0x81: {  	s16 =	rddreg [dreg:$0xb];
	[sflag:s29] =	ssyncadd.s32 $0xFFFFEC00  }
0x82: {  	[spmem:s2] =	stream.indirect.scatter.add.f32 [tilespmem:s24], [sflag:$0x7], $0x40, s16, s22, $0xb8;
	[tilespmem:$0x1F000] =	vst v63  }
0x83: {  	_ =	swait.ge [sflag:s30], $0x1400  }
0x84: {  	[sflag:s30] =	ssyncset.done $0x0  }
0x85: {  	s17 =	rddreg [dreg:$0xc];
	[sflag:s30] =	ssyncadd.s32 $0xFFFFEC00  }
0x86: {  	[spmem:s2] =	stream.indirect.scatter.add.f32 [tilespmem:s25], [sflag:$0x8], $0x40, s17, s22, $0xb8;
	[tilespmem:$0x1F000] =	vst v63  }
0x87: {  	_ =	swait.ge [sflag:s31], $0x1400  }
0x88: {  	[sflag:s31] =	ssyncset.done $0x0  }
0x89: {  	[sflag:s31] =	ssyncadd.s32 $0xFFFFEC00  }
0x8a: {  	_ =	swait.ge [sflag:s1], $0x1400  }
0x8b: {  	[sflag:s1] =	ssyncset.done $0x0  }
0x8c: {  	[sflag:s1] =	ssyncadd.s32 $0xFFFFEC00  }
0x8d: {  	_ =	swait.ge [sflag:s0], $0x1400  }
0x8e: {  	[sflag:s0] =	ssyncset.done $0x0  }
0x8f: {  	[sflag:s0] =	ssyncadd.s32 $0xFFFFEC00  }
0x90: {  	_ =	swait.ge [sflag:s5], $0x1400  }
0x91: {  	[sflag:s5] =	ssyncset.done $0x0  }
0x92: {  	s7 =	rddreg [dreg:$0xd];
	[sflag:s5] =	ssyncadd.s32 $0xFFFFEC00  }
0x93: {  	[tilespmem:s19], [sflag:$0x1] =	stream.indirect.gather [spmem:s3], $0x40, s7, s22, $0xb8;
	[tilespmem:$0x1F000] =	vst v63  }
0x94: {  	s16 =	rddreg [dreg:$0xe]  }
0x95: {  	[tilespmem:s23], [sflag:$0x2] =	stream.indirect.gather [spmem:s3], $0x40, s16, s22, $0xb8;
	[tilespmem:$0x1F000] =	vst v63  }
0x96: {  	s17 =	rddreg [dreg:$0xf]  }
0x97: {  	[tilespmem:s24], [sflag:$0x3] =	stream.indirect.gather [spmem:s3], $0x40, s17, s22, $0xb8;
	[tilespmem:$0x1F000] =	vst v63  }
0x98: {  	s16 =	rddreg [dreg:$0x10]  }
0x99: {  	[tilespmem:s25], [sflag:$0x4] =	stream.indirect.gather [spmem:s3], $0x40, s16, s22, $0xb8;
	[tilespmem:$0x1F000] =	vst v63  }
0x9a: {  	_ =	swait.ge [sflag:s26], $0x1400  }
0x9b: {  	[sflag:s26] =	ssyncset.done $0x0  }
0x9c: {  	s17 =	rddreg [dreg:$0x11];
	[sflag:s26] =	ssyncadd.s32 $0xFFFFEC00  }
0x9d: {  	[spmem:s2] =	stream.indirect.scatter.add.f32 [tilespmem:s19], [sflag:$0x5], $0x40, s17, s22, $0xb8;
	[tilespmem:$0x1F000] =	vst v63  }
0x9e: {  	_ =	swait.ge [sflag:s28], $0x1400  }
0x9f: {  	[sflag:s28] =	ssyncset.done $0x0  }
0xa0: {  	s7 =	rddreg [dreg:$0x12];
	[sflag:s28] =	ssyncadd.s32 $0xFFFFEC00  }
0xa1: {  	[spmem:s2] =	stream.indirect.scatter.add.f32 [tilespmem:s23], [sflag:$0x6], $0x40, s7, s22, $0xb8;
	[tilespmem:$0x1F000] =	vst v63  }
0xa2: {  	_ =	swait.ge [sflag:s29], $0x1400  }
0xa3: {  	[sflag:s29] =	ssyncset.done $0x0  }
0xa4: {  	s16 =	rddreg [dreg:$0x13];
	[sflag:s29] =	ssyncadd.s32 $0xFFFFEC00  }
0xa5: {  	[spmem:s2] =	stream.indirect.scatter.add.f32 [tilespmem:s24], [sflag:$0x7], $0x40, s16, s22, $0xb8;
	[tilespmem:$0x1F000] =	vst v63  }
0xa6: {  	_ =	swait.ge [sflag:s30], $0x1400  }
0xa7: {  	[sflag:s30] =	ssyncset.done $0x0  }
0xa8: {  	s17 =	rddreg [dreg:$0x14];
	[sflag:s30] =	ssyncadd.s32 $0xFFFFEC00  }
0xa9: {  	[spmem:s2] =	stream.indirect.scatter.add.f32 [tilespmem:s25], [sflag:$0x8], $0x40, s17, s22, $0xb8;
	[tilespmem:$0x1F000] =	vst v63  }
0xaa: {  	_ =	swait.ge [sflag:s31], $0x1400  }
0xab: {  	[sflag:s31] =	ssyncset.done $0x0  }
0xac: {  	[sflag:s31] =	ssyncadd.s32 $0xFFFFEC00  }
0xad: {  	_ =	swait.ge [sflag:s1], $0x1400  }
0xae: {  	[sflag:s1] =	ssyncset.done $0x0  }
0xaf: {  	[sflag:s1] =	ssyncadd.s32 $0xFFFFEC00  }
0xb0: {  	_ =	swait.ge [sflag:s0], $0x1400  }
0xb1: {  	[sflag:s0] =	ssyncset.done $0x0  }
0xb2: {  	[sflag:s0] =	ssyncadd.s32 $0xFFFFEC00  }
0xb3: {  	_ =	swait.ge [sflag:s5], $0x1400  }
0xb4: {  	[sflag:s5] =	ssyncset.done $0x0  }
0xb5: {  	s7 =	rddreg [dreg:$0x15];
	[sflag:s5] =	ssyncadd.s32 $0xFFFFEC00  }
0xb6: {  	[tilespmem:s19], [sflag:$0x1] =	stream.indirect.gather [spmem:s3], $0x40, s7, s22, $0xb8;
	[tilespmem:$0x1F000] =	vst v63  }
0xb7: {  	s16 =	rddreg [dreg:$0x16]  }
0xb8: {  	[tilespmem:s23], [sflag:$0x2] =	stream.indirect.gather [spmem:s3], $0x40, s16, s22, $0xb8;
	[tilespmem:$0x1F000] =	vst v63  }
0xb9: {  	s17 =	rddreg [dreg:$0x17]  }
0xba: {  	[tilespmem:s24], [sflag:$0x3] =	stream.indirect.gather [spmem:s3], $0x40, s17, s22, $0xb8;
	[tilespmem:$0x1F000] =	vst v63  }
0xbb: {  	s16 =	rddreg [dreg:$0x18]  }
0xbc: {  	[tilespmem:s25], [sflag:$0x4] =	stream.indirect.gather [spmem:s3], $0x40, s16, s22, $0xb8;
	[tilespmem:$0x1F000] =	vst v63  }
0xbd: {  	_ =	swait.ge [sflag:s26], $0x1400  }
0xbe: {  	[sflag:s26] =	ssyncset.done $0x0  }
0xbf: {  	s17 =	rddreg [dreg:$0x19];
	[sflag:s26] =	ssyncadd.s32 $0xFFFFEC00  }
0xc0: {  	[spmem:s2] =	stream.indirect.scatter.add.f32 [tilespmem:s19], [sflag:$0x5], $0x40, s17, s22, $0xb8;
	[tilespmem:$0x1F000] =	vst v63  }
0xc1: {  	_ =	swait.ge [sflag:s28], $0x1400  }
0xc2: {  	[sflag:s28] =	ssyncset.done $0x0  }
0xc3: {  	s7 =	rddreg [dreg:$0x1a];
	[sflag:s28] =	ssyncadd.s32 $0xFFFFEC00  }
0xc4: {  	[spmem:s2] =	stream.indirect.scatter.add.f32 [tilespmem:s23], [sflag:$0x6], $0x40, s7, s22, $0xb8;
	[tilespmem:$0x1F000] =	vst v63  }
0xc5: {  	_ =	swait.ge [sflag:s29], $0x1400  }
0xc6: {  	[sflag:s29] =	ssyncset.done $0x0  }
0xc7: {  	s16 =	rddreg [dreg:$0x1b];
	[sflag:s29] =	ssyncadd.s32 $0xFFFFEC00  }
0xc8: {  	[spmem:s2] =	stream.indirect.scatter.add.f32 [tilespmem:s24], [sflag:$0x7], $0x40, s16, s22, $0xb8;
	[tilespmem:$0x1F000] =	vst v63  }
0xc9: {  	_ =	swait.ge [sflag:s30], $0x1400  }
0xca: {  	[sflag:s30] =	ssyncset.done $0x0  }
0xcb: {  	s17 =	rddreg [dreg:$0x1c];
	[sflag:s30] =	ssyncadd.s32 $0xFFFFEC00  }
0xcc: {  	[spmem:s2] =	stream.indirect.scatter.add.f32 [tilespmem:s25], [sflag:$0x8], $0x40, s17, s22, $0xb8;
	[tilespmem:$0x1F000] =	vst v63  }
0xcd: {  	_ =	swait.ge [sflag:s31], $0x1400  }
0xce: {  	[sflag:s31] =	ssyncset.done $0x0  }
0xcf: {  	[sflag:s31] =	ssyncadd.s32 $0xFFFFEC00  }
0xd0: {  	_ =	swait.ge [sflag:s1], $0x1400  }
0xd1: {  	[sflag:s1] =	ssyncset.done $0x0  }
0xd2: {  	[sflag:s1] =	ssyncadd.s32 $0xFFFFEC00  }
0xd3: {  	_ =	swait.ge [sflag:s0], $0x1400  }
0xd4: {  	[sflag:s0] =	ssyncset.done $0x0  }
0xd5: {  	[sflag:s0] =	ssyncadd.s32 $0xFFFFEC00  }
0xd6: {  	_ =	swait.ge [sflag:s5], $0x1400  }
0xd7: {  	[sflag:s5] =	ssyncset.done $0x0  }
0xd8: {  	[sflag:s5] =	ssyncadd.s32 $0xFFFFEC00  }
0xd9: {  	[tilespmem:s19], [sflag:$0x1] =	stream.indirect.gather [spmem:s3], $0x40, s8, s22, $0xb8;
	[tilespmem:$0x1F000] =	vst v63  }
0xda: {  	_ = 	snop  }
0xdb: {  	[tilespmem:s23], [sflag:$0x2] =	stream.indirect.gather [spmem:s3], $0x40, s9, s22, $0xb8;
	[tilespmem:$0x1F000] =	vst v63  }
0xdc: {  	_ = 	snop  }
0xdd: {  	[tilespmem:s24], [sflag:$0x3] =	stream.indirect.gather [spmem:s3], $0x40, s10, s22, $0xb8;
	[tilespmem:$0x1F000] =	vst v63  }
0xde: {  	_ = 	snop  }
0xdf: {  	[tilespmem:s25], [sflag:$0x4] =	stream.indirect.gather [spmem:s3], $0x40, s11, s22, $0xb8;
	[tilespmem:$0x1F000] =	vst v63  }
0xe0: {  	_ =	swait.ge [sflag:s26], $0x1400  }
0xe1: {  	[sflag:s26] =	ssyncset.done $0x0  }
0xe2: {  	[sflag:s26] =	ssyncadd.s32 $0xFFFFEC00  }
0xe3: {  	[spmem:s2] =	stream.indirect.scatter.add.f32 [tilespmem:s19], [sflag:$0x5], $0x40, s12, s22, $0xb8;
	[tilespmem:$0x1F000] =	vst v63  }
0xe4: {  	_ =	swait.ge [sflag:s28], $0x1400  }
0xe5: {  	[sflag:s28] =	ssyncset.done $0x0  }
0xe6: {  	[sflag:s28] =	ssyncadd.s32 $0xFFFFEC00  }
0xe7: {  	[spmem:s2] =	stream.indirect.scatter.add.f32 [tilespmem:s23], [sflag:$0x6], $0x40, s13, s22, $0xb8;
	[tilespmem:$0x1F000] =	vst v63  }
0xe8: {  	_ =	swait.ge [sflag:s29], $0x1400  }
0xe9: {  	[sflag:s29] =	ssyncset.done $0x0  }
0xea: {  	[sflag:s29] =	ssyncadd.s32 $0xFFFFEC00  }
0xeb: {  	[spmem:s2] =	stream.indirect.scatter.add.f32 [tilespmem:s24], [sflag:$0x7], $0x40, s14, s22, $0xb8;
	[tilespmem:$0x1F000] =	vst v63  }
0xec: {  	_ =	swait.ge [sflag:s30], $0x1400  }
0xed: {  	[sflag:s30] =	ssyncset.done $0x0  }
0xee: {  	[sflag:s30] =	ssyncadd.s32 $0xFFFFEC00  }
0xef: {  	[spmem:s2] =	stream.indirect.scatter.add.f32 [tilespmem:s25], [sflag:$0x8], $0x40, s15, s22, $0xb8;
	[tilespmem:$0x1F000] =	vst v63  }
0xf0: {  	_ =	swait.ge [sflag:s31], $0x1400  }
0xf1: {  	[sflag:s31] =	ssyncset.done $0x0  }
0xf2: {  	[sflag:s31] =	ssyncadd.s32 $0xFFFFEC00  }
0xf3: {  	_ =	swait.ge [sflag:s1], $0x1400  }
0xf4: {  	[sflag:s1] =	ssyncset.done $0x0  }
0xf5: {  	[sflag:s1] =	ssyncadd.s32 $0xFFFFEC00  }
0xf6: {  	_ =	swait.ge [sflag:s0], $0x1400  }
0xf7: {  	[sflag:s0] =	ssyncset.done $0x0  }
0xf8: {  	[sflag:s0] =	ssyncadd.s32 $0xFFFFEC00  }
0xf9: {  	s6 =	simm.s32 $0x200;
	_ =	swait.ge [sflag:s5], $0x1400  }
0xfa: {  	s17 =	simm.s32 $0x100;
	s7 =	rddreg [dreg:$0x6];
	[sflag:s5] =	ssyncset.done $0x0  }
.LBB2_4:
0xfb: {  	[sflag:s5] =	ssyncadd.s32 $0xFFFFEC00;
	s7 =	sadd.s32 s17, s7  }
0xfc: {  	[tilespmem:s20], [sflag:$0x9] =	stream.linear.gather [hbm4b:s7+s4], $0x800, $0x38;
	[tilespmem:$0x1F000] =	vst v63  }
0xfd: {  	_ =	swait.ge [sflag:s18], $0x800  }
0xfe: {  	s7 =	rddreg [dreg:$0x5];
	[sflag:s18] =	ssyncset.done $0x0  }
0xff: {  	[sflag:s18] =	ssyncadd.s32 $0xFFFFF800;
	s7 =	sadd.s32 s17, s7  }
0x100: {  	[tilespmem:s21], [sflag:$0x9] =	stream.linear.gather [hbm4b:s7+s4], $0x800, $0x38;
	[tilespmem:$0x1F000] =	vst v63  }
0x101: {  	_ =	swait.ge [sflag:s18], $0x800  }
0x102: {  	[sflag:s18] =	ssyncset.done $0x0  }
0x103: {  	[sflag:s18] =	ssyncadd.s32 $0xFFFFF800  }
0x104: {  	[tilespmem:s19], [sflag:$0x1] =	stream.indirect.gather [spmem:s3], $0x40, s20, s22, $0xb8;
	[tilespmem:$0x1F000] =	vst v63  }
0x105: {  	s16 =	smov.u32 s6;
	s7 =	rddreg [dreg:$0x7]  }
0x106: {  	[tilespmem:s23], [sflag:$0x2] =	stream.indirect.gather [spmem:s3], $0x40, s7, s22, $0xb8;
	[tilespmem:$0x1F000] =	vst v63  }
0x107: {  	s17 =	smov.u32 s16;
	s16 =	rddreg [dreg:$0x8]  }
0x108: {  	[tilespmem:s24], [sflag:$0x3] =	stream.indirect.gather [spmem:s3], $0x40, s16, s22, $0xb8;
	[tilespmem:$0x1F000] =	vst v63  }
0x109: {  	s7 =	rddreg [dreg:$0x9]  }
0x10a: {  	[tilespmem:s25], [sflag:$0x4] =	stream.indirect.gather [spmem:s3], $0x40, s7, s22, $0xb8;
	[tilespmem:$0x1F000] =	vst v63  }
0x10b: {  	_ =	swait.ge [sflag:s26], $0x1400  }
0x10c: {  	[sflag:s26] =	ssyncset.done $0x0  }
0x10d: {  	[sflag:s26] =	ssyncadd.s32 $0xFFFFEC00  }
0x10e: {  	[spmem:s2] =	stream.indirect.scatter.add.f32 [tilespmem:s19], [sflag:$0x5], $0x40, s21, s22, $0xb8;
	[tilespmem:$0x1F000] =	vst v63  }
0x10f: {  	_ =	swait.ge [sflag:s28], $0x1400  }
0x110: {  	[sflag:s28] =	ssyncset.done $0x0  }
0x111: {  	s16 =	rddreg [dreg:$0xa];
	[sflag:s28] =	ssyncadd.s32 $0xFFFFEC00  }
0x112: {  	[spmem:s2] =	stream.indirect.scatter.add.f32 [tilespmem:s23], [sflag:$0x6], $0x40, s16, s22, $0xb8;
	[tilespmem:$0x1F000] =	vst v63  }
0x113: {  	_ =	swait.ge [sflag:s29], $0x1400  }
0x114: {  	[sflag:s29] =	ssyncset.done $0x0  }
0x115: {  	s16 =	rddreg [dreg:$0xb];
	[sflag:s29] =	ssyncadd.s32 $0xFFFFEC00  }
0x116: {  	[spmem:s2] =	stream.indirect.scatter.add.f32 [tilespmem:s24], [sflag:$0x7], $0x40, s16, s22, $0xb8;
	[tilespmem:$0x1F000] =	vst v63  }
0x117: {  	_ =	swait.ge [sflag:s30], $0x1400  }
0x118: {  	[sflag:s30] =	ssyncset.done $0x0  }
0x119: {  	s16 =	rddreg [dreg:$0xc];
	[sflag:s30] =	ssyncadd.s32 $0xFFFFEC00  }
0x11a: {  	[spmem:s2] =	stream.indirect.scatter.add.f32 [tilespmem:s25], [sflag:$0x8], $0x40, s16, s22, $0xb8;
	[tilespmem:$0x1F000] =	vst v63  }
0x11b: {  	_ =	swait.ge [sflag:s31], $0x1400  }
0x11c: {  	[sflag:s31] =	ssyncset.done $0x0  }
0x11d: {  	[sflag:s31] =	ssyncadd.s32 $0xFFFFEC00  }
0x11e: {  	_ =	swait.ge [sflag:s1], $0x1400  }
0x11f: {  	[sflag:s1] =	ssyncset.done $0x0  }
0x120: {  	[sflag:s1] =	ssyncadd.s32 $0xFFFFEC00  }
0x121: {  	_ =	swait.ge [sflag:s0], $0x1400  }
0x122: {  	[sflag:s0] =	ssyncset.done $0x0  }
0x123: {  	[sflag:s0] =	ssyncadd.s32 $0xFFFFEC00  }
0x124: {  	_ =	swait.ge [sflag:s5], $0x1400  }
0x125: {  	[sflag:s5] =	ssyncset.done $0x0  }
0x126: {  	s7 =	rddreg [dreg:$0xd];
	[sflag:s5] =	ssyncadd.s32 $0xFFFFEC00  }
0x127: {  	[tilespmem:s19], [sflag:$0x1] =	stream.indirect.gather [spmem:s3], $0x40, s7, s22, $0xb8;
	[tilespmem:$0x1F000] =	vst v63  }
0x128: {  	s16 =	rddreg [dreg:$0xe]  }
0x129: {  	[tilespmem:s23], [sflag:$0x2] =	stream.indirect.gather [spmem:s3], $0x40, s16, s22, $0xb8;
	[tilespmem:$0x1F000] =	vst v63  }
0x12a: {  	s7 =	rddreg [dreg:$0xf]  }
0x12b: {  	[tilespmem:s24], [sflag:$0x3] =	stream.indirect.gather [spmem:s3], $0x40, s7, s22, $0xb8;
	[tilespmem:$0x1F000] =	vst v63  }
0x12c: {  	s16 =	rddreg [dreg:$0x10]  }
0x12d: {  	[tilespmem:s25], [sflag:$0x4] =	stream.indirect.gather [spmem:s3], $0x40, s16, s22, $0xb8;
	[tilespmem:$0x1F000] =	vst v63  }
0x12e: {  	_ =	swait.ge [sflag:s26], $0x1400  }
0x12f: {  	[sflag:s26] =	ssyncset.done $0x0  }
0x130: {  	s16 =	rddreg [dreg:$0x11];
	[sflag:s26] =	ssyncadd.s32 $0xFFFFEC00  }
0x131: {  	[spmem:s2] =	stream.indirect.scatter.add.f32 [tilespmem:s19], [sflag:$0x5], $0x40, s16, s22, $0xb8;
	[tilespmem:$0x1F000] =	vst v63  }
0x132: {  	_ =	swait.ge [sflag:s28], $0x1400  }
0x133: {  	[sflag:s28] =	ssyncset.done $0x0  }
0x134: {  	s16 =	rddreg [dreg:$0x12];
	[sflag:s28] =	ssyncadd.s32 $0xFFFFEC00  }
0x135: {  	[spmem:s2] =	stream.indirect.scatter.add.f32 [tilespmem:s23], [sflag:$0x6], $0x40, s16, s22, $0xb8;
	[tilespmem:$0x1F000] =	vst v63  }
0x136: {  	_ =	swait.ge [sflag:s29], $0x1400  }
0x137: {  	[sflag:s29] =	ssyncset.done $0x0  }
0x138: {  	s16 =	rddreg [dreg:$0x13];
	[sflag:s29] =	ssyncadd.s32 $0xFFFFEC00  }
0x139: {  	[spmem:s2] =	stream.indirect.scatter.add.f32 [tilespmem:s24], [sflag:$0x7], $0x40, s16, s22, $0xb8;
	[tilespmem:$0x1F000] =	vst v63  }
0x13a: {  	_ =	swait.ge [sflag:s30], $0x1400  }
0x13b: {  	[sflag:s30] =	ssyncset.done $0x0  }
0x13c: {  	s16 =	rddreg [dreg:$0x14];
	[sflag:s30] =	ssyncadd.s32 $0xFFFFEC00  }
0x13d: {  	[spmem:s2] =	stream.indirect.scatter.add.f32 [tilespmem:s25], [sflag:$0x8], $0x40, s16, s22, $0xb8;
	[tilespmem:$0x1F000] =	vst v63  }
0x13e: {  	_ =	swait.ge [sflag:s31], $0x1400  }
0x13f: {  	[sflag:s31] =	ssyncset.done $0x0  }
0x140: {  	[sflag:s31] =	ssyncadd.s32 $0xFFFFEC00  }
0x141: {  	_ =	swait.ge [sflag:s1], $0x1400  }
0x142: {  	[sflag:s1] =	ssyncset.done $0x0  }
0x143: {  	[sflag:s1] =	ssyncadd.s32 $0xFFFFEC00  }
0x144: {  	_ =	swait.ge [sflag:s0], $0x1400  }
0x145: {  	[sflag:s0] =	ssyncset.done $0x0  }
0x146: {  	[sflag:s0] =	ssyncadd.s32 $0xFFFFEC00  }
0x147: {  	_ =	swait.ge [sflag:s5], $0x1400  }
0x148: {  	[sflag:s5] =	ssyncset.done $0x0  }
0x149: {  	s7 =	rddreg [dreg:$0x15];
	[sflag:s5] =	ssyncadd.s32 $0xFFFFEC00  }
0x14a: {  	[tilespmem:s19], [sflag:$0x1] =	stream.indirect.gather [spmem:s3], $0x40, s7, s22, $0xb8;
	[tilespmem:$0x1F000] =	vst v63  }
0x14b: {  	s16 =	rddreg [dreg:$0x16]  }
0x14c: {  	[tilespmem:s23], [sflag:$0x2] =	stream.indirect.gather [spmem:s3], $0x40, s16, s22, $0xb8;
	[tilespmem:$0x1F000] =	vst v63  }
0x14d: {  	s7 =	rddreg [dreg:$0x17]  }
0x14e: {  	[tilespmem:s24], [sflag:$0x3] =	stream.indirect.gather [spmem:s3], $0x40, s7, s22, $0xb8;
	[tilespmem:$0x1F000] =	vst v63  }
0x14f: {  	s16 =	rddreg [dreg:$0x18]  }
0x150: {  	[tilespmem:s25], [sflag:$0x4] =	stream.indirect.gather [spmem:s3], $0x40, s16, s22, $0xb8;
	[tilespmem:$0x1F000] =	vst v63  }
0x151: {  	_ =	swait.ge [sflag:s26], $0x1400  }
0x152: {  	[sflag:s26] =	ssyncset.done $0x0  }
0x153: {  	s16 =	rddreg [dreg:$0x19];
	[sflag:s26] =	ssyncadd.s32 $0xFFFFEC00  }
0x154: {  	[spmem:s2] =	stream.indirect.scatter.add.f32 [tilespmem:s19], [sflag:$0x5], $0x40, s16, s22, $0xb8;
	[tilespmem:$0x1F000] =	vst v63  }
0x155: {  	_ =	swait.ge [sflag:s28], $0x1400  }
0x156: {  	[sflag:s28] =	ssyncset.done $0x0  }
0x157: {  	s16 =	rddreg [dreg:$0x1a];
	[sflag:s28] =	ssyncadd.s32 $0xFFFFEC00  }
0x158: {  	[spmem:s2] =	stream.indirect.scatter.add.f32 [tilespmem:s23], [sflag:$0x6], $0x40, s16, s22, $0xb8;
	[tilespmem:$0x1F000] =	vst v63  }
0x159: {  	_ =	swait.ge [sflag:s29], $0x1400  }
0x15a: {  	[sflag:s29] =	ssyncset.done $0x0  }
0x15b: {  	s16 =	rddreg [dreg:$0x1b];
	[sflag:s29] =	ssyncadd.s32 $0xFFFFEC00  }
0x15c: {  	[spmem:s2] =	stream.indirect.scatter.add.f32 [tilespmem:s24], [sflag:$0x7], $0x40, s16, s22, $0xb8;
	[tilespmem:$0x1F000] =	vst v63  }
0x15d: {  	_ =	swait.ge [sflag:s30], $0x1400  }
0x15e: {  	[sflag:s30] =	ssyncset.done $0x0  }
0x15f: {  	s16 =	rddreg [dreg:$0x1c];
	[sflag:s30] =	ssyncadd.s32 $0xFFFFEC00  }
0x160: {  	[spmem:s2] =	stream.indirect.scatter.add.f32 [tilespmem:s25], [sflag:$0x8], $0x40, s16, s22, $0xb8;
	[tilespmem:$0x1F000] =	vst v63  }
0x161: {  	_ =	swait.ge [sflag:s31], $0x1400  }
0x162: {  	[sflag:s31] =	ssyncset.done $0x0  }
0x163: {  	[sflag:s31] =	ssyncadd.s32 $0xFFFFEC00  }
0x164: {  	_ =	swait.ge [sflag:s1], $0x1400  }
0x165: {  	[sflag:s1] =	ssyncset.done $0x0  }
0x166: {  	[sflag:s1] =	ssyncadd.s32 $0xFFFFEC00  }
0x167: {  	_ =	swait.ge [sflag:s0], $0x1400  }
0x168: {  	[sflag:s0] =	ssyncset.done $0x0  }
0x169: {  	[sflag:s0] =	ssyncadd.s32 $0xFFFFEC00  }
0x16a: {  	_ =	swait.ge [sflag:s5], $0x1400  }
0x16b: {  	[sflag:s5] =	ssyncset.done $0x0  }
0x16c: {  	[sflag:s5] =	ssyncadd.s32 $0xFFFFEC00  }
0x16d: {  	[tilespmem:s19], [sflag:$0x1] =	stream.indirect.gather [spmem:s3], $0x40, s8, s22, $0xb8;
	[tilespmem:$0x1F000] =	vst v63  }
0x16e: {  	_ = 	snop  }
0x16f: {  	[tilespmem:s23], [sflag:$0x2] =	stream.indirect.gather [spmem:s3], $0x40, s9, s22, $0xb8;
	[tilespmem:$0x1F000] =	vst v63  }
0x170: {  	_ = 	snop  }
0x171: {  	[tilespmem:s24], [sflag:$0x3] =	stream.indirect.gather [spmem:s3], $0x40, s10, s22, $0xb8;
	[tilespmem:$0x1F000] =	vst v63  }
0x172: {  	_ = 	snop  }
0x173: {  	[tilespmem:s25], [sflag:$0x4] =	stream.indirect.gather [spmem:s3], $0x40, s11, s22, $0xb8;
	[tilespmem:$0x1F000] =	vst v63  }
0x174: {  	_ =	swait.ge [sflag:s26], $0x1400  }
0x175: {  	[sflag:s26] =	ssyncset.done $0x0  }
0x176: {  	[sflag:s26] =	ssyncadd.s32 $0xFFFFEC00  }
0x177: {  	[spmem:s2] =	stream.indirect.scatter.add.f32 [tilespmem:s19], [sflag:$0x5], $0x40, s12, s22, $0xb8;
	[tilespmem:$0x1F000] =	vst v63  }
0x178: {  	_ =	swait.ge [sflag:s28], $0x1400  }
0x179: {  	[sflag:s28] =	ssyncset.done $0x0  }
0x17a: {  	[sflag:s28] =	ssyncadd.s32 $0xFFFFEC00  }
0x17b: {  	[spmem:s2] =	stream.indirect.scatter.add.f32 [tilespmem:s23], [sflag:$0x6], $0x40, s13, s22, $0xb8;
	[tilespmem:$0x1F000] =	vst v63  }
0x17c: {  	_ =	swait.ge [sflag:s29], $0x1400  }
0x17d: {  	[sflag:s29] =	ssyncset.done $0x0  }
0x17e: {  	[sflag:s29] =	ssyncadd.s32 $0xFFFFEC00  }
0x17f: {  	[spmem:s2] =	stream.indirect.scatter.add.f32 [tilespmem:s24], [sflag:$0x7], $0x40, s14, s22, $0xb8;
	[tilespmem:$0x1F000] =	vst v63  }
0x180: {  	_ =	swait.ge [sflag:s30], $0x1400  }
0x181: {  	[sflag:s30] =	ssyncset.done $0x0  }
0x182: {  	[sflag:s30] =	ssyncadd.s32 $0xFFFFEC00  }
0x183: {  	[spmem:s2] =	stream.indirect.scatter.add.f32 [tilespmem:s25], [sflag:$0x8], $0x40, s15, s22, $0xb8;
	[tilespmem:$0x1F000] =	vst v63  }
0x184: {  	_ =	swait.ge [sflag:s31], $0x1400  }
0x185: {  	[sflag:s31] =	ssyncset.done $0x0  }
0x186: {  	[sflag:s31] =	ssyncadd.s32 $0xFFFFEC00  }
0x187: {  	_ =	swait.ge [sflag:s1], $0x1400  }
0x188: {  	[sflag:s1] =	ssyncset.done $0x0  }
0x189: {  	p0 =	sne.s32 s6, $0x1F00;
	[sflag:s1] =	ssyncadd.s32 $0xFFFFEC00  }
.Ltmp1:
0x18a: {  	_ =	swait.ge [sflag:s0], $0x1400;
	(pc) =	sbr.rel @p0 .LBB2_4-.Ltmp1, $4  }
0x18b: {  	[sflag:s0] =	ssyncset.done $0x0  }
0x18c: {  	[sflag:s0] =	ssyncadd.s32 $0xFFFFEC00  }
0x18d: {  	_ =	swait.ge [sflag:s5], $0x1400  }
0x18e: {  	s6 =	sadd.s32 $0x100, s6;
	s7 =	rddreg [dreg:$0x6];
	[sflag:s5] =	ssyncset.done $0x0  }
0x18f: {  	[sflag:s5] =	ssyncadd.s32 $0xFFFFEC00;
	s6 =	sadd.s32 s17, s7  }
0x190: {  	[tilespmem:s20], [sflag:$0x9] =	stream.linear.gather [hbm4b:s6+s4], $0x800, $0x38;
	[tilespmem:$0x1F000] =	vst v63  }
0x191: {  	_ =	swait.ge [sflag:s18], $0x800  }
0x192: {  	s16 =	rddreg [dreg:$0x5];
	[sflag:s18] =	ssyncset.done $0x0  }
0x193: {  	[sflag:s18] =	ssyncadd.s32 $0xFFFFF800;
	s6 =	sadd.s32 s17, s16  }
0x194: {  	[tilespmem:s21], [sflag:$0x9] =	stream.linear.gather [hbm4b:s6+s4], $0x800, $0x38;
	[tilespmem:$0x1F000] =	vst v63  }
0x195: {  	_ =	swait.ge [sflag:s18], $0x800  }
0x196: {  	[sflag:s18] =	ssyncset.done $0x0  }
0x197: {  	[sflag:s18] =	ssyncadd.s32 $0xFFFFF800  }
0x198: {  	[tilespmem:s19], [sflag:$0x1] =	stream.indirect.gather [spmem:s3], $0x40, s20, s22, $0xb8;
	[tilespmem:$0x1F000] =	vst v63  }
0x199: {  	s7 =	rddreg [dreg:$0x7]  }
0x19a: {  	[tilespmem:s23], [sflag:$0x2] =	stream.indirect.gather [spmem:s3], $0x40, s7, s22, $0xb8;
	[tilespmem:$0x1F000] =	vst v63  }
0x19b: {  	s16 =	rddreg [dreg:$0x8]  }
0x19c: {  	[tilespmem:s24], [sflag:$0x3] =	stream.indirect.gather [spmem:s3], $0x40, s16, s22, $0xb8;
	[tilespmem:$0x1F000] =	vst v63  }
0x19d: {  	s17 =	rddreg [dreg:$0x9]  }
0x19e: {  	[tilespmem:s25], [sflag:$0x4] =	stream.indirect.gather [spmem:s3], $0x40, s17, s22, $0xb8;
	[tilespmem:$0x1F000] =	vst v63  }
0x19f: {  	_ =	swait.ge [sflag:s26], $0x1400  }
0x1a0: {  	[sflag:s26] =	ssyncset.done $0x0  }
0x1a1: {  	[sflag:s26] =	ssyncadd.s32 $0xFFFFEC00  }
0x1a2: {  	[spmem:s2] =	stream.indirect.scatter.add.f32 [tilespmem:s19], [sflag:$0x5], $0x40, s21, s22, $0xb8;
	[tilespmem:$0x1F000] =	vst v63  }
0x1a3: {  	_ =	swait.ge [sflag:s28], $0x1400  }
0x1a4: {  	[sflag:s28] =	ssyncset.done $0x0  }
0x1a5: {  	s16 =	rddreg [dreg:$0xa];
	[sflag:s28] =	ssyncadd.s32 $0xFFFFEC00  }
0x1a6: {  	[spmem:s2] =	stream.indirect.scatter.add.f32 [tilespmem:s23], [sflag:$0x6], $0x40, s16, s22, $0xb8;
	[tilespmem:$0x1F000] =	vst v63  }
0x1a7: {  	_ =	swait.ge [sflag:s29], $0x1400  }
0x1a8: {  	[sflag:s29] =	ssyncset.done $0x0  }
0x1a9: {  	s17 =	rddreg [dreg:$0xb];
	[sflag:s29] =	ssyncadd.s32 $0xFFFFEC00  }
0x1aa: {  	[spmem:s2] =	stream.indirect.scatter.add.f32 [tilespmem:s24], [sflag:$0x7], $0x40, s17, s22, $0xb8;
	[tilespmem:$0x1F000] =	vst v63  }
0x1ab: {  	_ =	swait.ge [sflag:s30], $0x1400  }
0x1ac: {  	[sflag:s30] =	ssyncset.done $0x0  }
0x1ad: {  	s7 =	rddreg [dreg:$0xc];
	[sflag:s30] =	ssyncadd.s32 $0xFFFFEC00  }
0x1ae: {  	[spmem:s2] =	stream.indirect.scatter.add.f32 [tilespmem:s25], [sflag:$0x8], $0x40, s7, s22, $0xb8;
	[tilespmem:$0x1F000] =	vst v63  }
0x1af: {  	_ =	swait.ge [sflag:s31], $0x1400  }
0x1b0: {  	[sflag:s31] =	ssyncset.done $0x0  }
0x1b1: {  	[sflag:s31] =	ssyncadd.s32 $0xFFFFEC00  }
0x1b2: {  	_ =	swait.ge [sflag:s1], $0x1400  }
0x1b3: {  	[sflag:s1] =	ssyncset.done $0x0  }
0x1b4: {  	[sflag:s1] =	ssyncadd.s32 $0xFFFFEC00  }
0x1b5: {  	_ =	swait.ge [sflag:s0], $0x1400  }
0x1b6: {  	[sflag:s0] =	ssyncset.done $0x0  }
0x1b7: {  	[sflag:s0] =	ssyncadd.s32 $0xFFFFEC00  }
0x1b8: {  	_ =	swait.ge [sflag:s5], $0x1400  }
0x1b9: {  	[sflag:s5] =	ssyncset.done $0x0  }
0x1ba: {  	s16 =	rddreg [dreg:$0xd];
	[sflag:s5] =	ssyncadd.s32 $0xFFFFEC00  }
0x1bb: {  	[tilespmem:s19], [sflag:$0x1] =	stream.indirect.gather [spmem:s3], $0x40, s16, s22, $0xb8;
	[tilespmem:$0x1F000] =	vst v63  }
0x1bc: {  	s17 =	rddreg [dreg:$0xe]  }
0x1bd: {  	[tilespmem:s23], [sflag:$0x2] =	stream.indirect.gather [spmem:s3], $0x40, s17, s22, $0xb8;
	[tilespmem:$0x1F000] =	vst v63  }
0x1be: {  	s16 =	rddreg [dreg:$0xf]  }
0x1bf: {  	[tilespmem:s24], [sflag:$0x3] =	stream.indirect.gather [spmem:s3], $0x40, s16, s22, $0xb8;
	[tilespmem:$0x1F000] =	vst v63  }
0x1c0: {  	s17 =	rddreg [dreg:$0x10]  }
0x1c1: {  	[tilespmem:s25], [sflag:$0x4] =	stream.indirect.gather [spmem:s3], $0x40, s17, s22, $0xb8;
	[tilespmem:$0x1F000] =	vst v63  }
0x1c2: {  	_ =	swait.ge [sflag:s26], $0x1400  }
0x1c3: {  	[sflag:s26] =	ssyncset.done $0x0  }
0x1c4: {  	s7 =	rddreg [dreg:$0x11];
	[sflag:s26] =	ssyncadd.s32 $0xFFFFEC00  }
0x1c5: {  	[spmem:s2] =	stream.indirect.scatter.add.f32 [tilespmem:s19], [sflag:$0x5], $0x40, s7, s22, $0xb8;
	[tilespmem:$0x1F000] =	vst v63  }
0x1c6: {  	_ =	swait.ge [sflag:s28], $0x1400  }
0x1c7: {  	[sflag:s28] =	ssyncset.done $0x0  }
0x1c8: {  	s16 =	rddreg [dreg:$0x12];
	[sflag:s28] =	ssyncadd.s32 $0xFFFFEC00  }
0x1c9: {  	[spmem:s2] =	stream.indirect.scatter.add.f32 [tilespmem:s23], [sflag:$0x6], $0x40, s16, s22, $0xb8;
	[tilespmem:$0x1F000] =	vst v63  }
0x1ca: {  	_ =	swait.ge [sflag:s29], $0x1400  }
0x1cb: {  	[sflag:s29] =	ssyncset.done $0x0  }
0x1cc: {  	s17 =	rddreg [dreg:$0x13];
	[sflag:s29] =	ssyncadd.s32 $0xFFFFEC00  }
0x1cd: {  	[spmem:s2] =	stream.indirect.scatter.add.f32 [tilespmem:s24], [sflag:$0x7], $0x40, s17, s22, $0xb8;
	[tilespmem:$0x1F000] =	vst v63  }
0x1ce: {  	_ =	swait.ge [sflag:s30], $0x1400  }
0x1cf: {  	[sflag:s30] =	ssyncset.done $0x0  }
0x1d0: {  	s7 =	rddreg [dreg:$0x14];
	[sflag:s30] =	ssyncadd.s32 $0xFFFFEC00  }
0x1d1: {  	[spmem:s2] =	stream.indirect.scatter.add.f32 [tilespmem:s25], [sflag:$0x8], $0x40, s7, s22, $0xb8;
	[tilespmem:$0x1F000] =	vst v63  }
0x1d2: {  	_ =	swait.ge [sflag:s31], $0x1400  }
0x1d3: {  	[sflag:s31] =	ssyncset.done $0x0  }
0x1d4: {  	[sflag:s31] =	ssyncadd.s32 $0xFFFFEC00  }
0x1d5: {  	_ =	swait.ge [sflag:s1], $0x1400  }
0x1d6: {  	[sflag:s1] =	ssyncset.done $0x0  }
0x1d7: {  	[sflag:s1] =	ssyncadd.s32 $0xFFFFEC00  }
0x1d8: {  	_ =	swait.ge [sflag:s0], $0x1400  }
0x1d9: {  	[sflag:s0] =	ssyncset.done $0x0  }
0x1da: {  	[sflag:s0] =	ssyncadd.s32 $0xFFFFEC00  }
0x1db: {  	_ =	swait.ge [sflag:s5], $0x1400  }
0x1dc: {  	[sflag:s5] =	ssyncset.done $0x0  }
0x1dd: {  	s16 =	rddreg [dreg:$0x15];
	[sflag:s5] =	ssyncadd.s32 $0xFFFFEC00  }
0x1de: {  	[tilespmem:s19], [sflag:$0x1] =	stream.indirect.gather [spmem:s3], $0x40, s16, s22, $0xb8;
	[tilespmem:$0x1F000] =	vst v63  }
0x1df: {  	s17 =	rddreg [dreg:$0x16]  }
0x1e0: {  	[tilespmem:s23], [sflag:$0x2] =	stream.indirect.gather [spmem:s3], $0x40, s17, s22, $0xb8;
	[tilespmem:$0x1F000] =	vst v63  }
0x1e1: {  	s16 =	rddreg [dreg:$0x17]  }
0x1e2: {  	[tilespmem:s24], [sflag:$0x3] =	stream.indirect.gather [spmem:s3], $0x40, s16, s22, $0xb8;
	[tilespmem:$0x1F000] =	vst v63  }
0x1e3: {  	s17 =	rddreg [dreg:$0x18]  }
0x1e4: {  	[tilespmem:s25], [sflag:$0x4] =	stream.indirect.gather [spmem:s3], $0x40, s17, s22, $0xb8;
	[tilespmem:$0x1F000] =	vst v63  }
0x1e5: {  	_ =	swait.ge [sflag:s26], $0x1400  }
0x1e6: {  	[sflag:s26] =	ssyncset.done $0x0  }
0x1e7: {  	s7 =	rddreg [dreg:$0x19];
	[sflag:s26] =	ssyncadd.s32 $0xFFFFEC00  }
0x1e8: {  	[spmem:s2] =	stream.indirect.scatter.add.f32 [tilespmem:s19], [sflag:$0x5], $0x40, s7, s22, $0xb8;
	[tilespmem:$0x1F000] =	vst v63  }
0x1e9: {  	_ =	swait.ge [sflag:s28], $0x1400  }
0x1ea: {  	[sflag:s28] =	ssyncset.done $0x0  }
0x1eb: {  	s16 =	rddreg [dreg:$0x1a];
	[sflag:s28] =	ssyncadd.s32 $0xFFFFEC00  }
0x1ec: {  	[spmem:s2] =	stream.indirect.scatter.add.f32 [tilespmem:s23], [sflag:$0x6], $0x40, s16, s22, $0xb8;
	[tilespmem:$0x1F000] =	vst v63  }
0x1ed: {  	_ =	swait.ge [sflag:s29], $0x1400  }
0x1ee: {  	[sflag:s29] =	ssyncset.done $0x0  }
0x1ef: {  	s17 =	rddreg [dreg:$0x1b];
	[sflag:s29] =	ssyncadd.s32 $0xFFFFEC00  }
0x1f0: {  	[spmem:s2] =	stream.indirect.scatter.add.f32 [tilespmem:s24], [sflag:$0x7], $0x40, s17, s22, $0xb8;
	[tilespmem:$0x1F000] =	vst v63  }
0x1f1: {  	_ =	swait.ge [sflag:s30], $0x1400  }
0x1f2: {  	[sflag:s30] =	ssyncset.done $0x0  }
0x1f3: {  	s7 =	rddreg [dreg:$0x1c];
	[sflag:s30] =	ssyncadd.s32 $0xFFFFEC00  }
0x1f4: {  	[spmem:s2] =	stream.indirect.scatter.add.f32 [tilespmem:s25], [sflag:$0x8], $0x40, s7, s22, $0xb8;
	[tilespmem:$0x1F000] =	vst v63  }
0x1f5: {  	_ =	swait.ge [sflag:s31], $0x1400  }
0x1f6: {  	[sflag:s31] =	ssyncset.done $0x0  }
0x1f7: {  	[sflag:s31] =	ssyncadd.s32 $0xFFFFEC00  }
0x1f8: {  	_ =	swait.ge [sflag:s1], $0x1400  }
0x1f9: {  	[sflag:s1] =	ssyncset.done $0x0  }
0x1fa: {  	[sflag:s1] =	ssyncadd.s32 $0xFFFFEC00  }
0x1fb: {  	_ =	swait.ge [sflag:s0], $0x1400  }
0x1fc: {  	[sflag:s0] =	ssyncset.done $0x0  }
0x1fd: {  	[sflag:s0] =	ssyncadd.s32 $0xFFFFEC00  }
0x1fe: {  	_ =	swait.ge [sflag:s5], $0x1400  }
0x1ff: {  	[sflag:s5] =	ssyncset.done $0x0  }
0x200: {  	[sflag:s5] =	ssyncadd.s32 $0xFFFFEC00  }
0x201: {  	[tilespmem:s19], [sflag:$0x1] =	stream.indirect.gather [spmem:s3], $0x40, s8, s22, $0xb8;
	[tilespmem:$0x1F000] =	vst v63  }
0x202: {  	_ = 	snop  }
0x203: {  	[tilespmem:s23], [sflag:$0x2] =	stream.indirect.gather [spmem:s3], $0x40, s9, s22, $0xb8;
	[tilespmem:$0x1F000] =	vst v63  }
0x204: {  	_ = 	snop  }
0x205: {  	[tilespmem:s24], [sflag:$0x3] =	stream.indirect.gather [spmem:s3], $0x40, s10, s22, $0xb8;
	[tilespmem:$0x1F000] =	vst v63  }
0x206: {  	_ = 	snop  }
0x207: {  	[tilespmem:s25], [sflag:$0x4] =	stream.indirect.gather [spmem:s3], $0x40, s11, s22, $0xb8;
	[tilespmem:$0x1F000] =	vst v63  }
0x208: {  	_ =	swait.ge [sflag:s26], $0x1400  }
0x209: {  	[sflag:s26] =	ssyncset.done $0x0  }
0x20a: {  	[sflag:s26] =	ssyncadd.s32 $0xFFFFEC00  }
0x20b: {  	[spmem:s2] =	stream.indirect.scatter.add.f32 [tilespmem:s19], [sflag:$0x5], $0x40, s12, s22, $0xb8;
	[tilespmem:$0x1F000] =	vst v63  }
0x20c: {  	_ =	swait.ge [sflag:s28], $0x1400  }
0x20d: {  	[sflag:s28] =	ssyncset.done $0x0  }
0x20e: {  	[sflag:s28] =	ssyncadd.s32 $0xFFFFEC00  }
0x20f: {  	[spmem:s2] =	stream.indirect.scatter.add.f32 [tilespmem:s23], [sflag:$0x6], $0x40, s13, s22, $0xb8;
	[tilespmem:$0x1F000] =	vst v63  }
0x210: {  	_ =	swait.ge [sflag:s29], $0x1400  }
0x211: {  	[sflag:s29] =	ssyncset.done $0x0  }
0x212: {  	[sflag:s29] =	ssyncadd.s32 $0xFFFFEC00  }
0x213: {  	[spmem:s2] =	stream.indirect.scatter.add.f32 [tilespmem:s24], [sflag:$0x7], $0x40, s14, s22, $0xb8;
	[tilespmem:$0x1F000] =	vst v63  }
0x214: {  	_ =	swait.ge [sflag:s30], $0x1400  }
0x215: {  	[sflag:s30] =	ssyncset.done $0x0  }
0x216: {  	[sflag:s30] =	ssyncadd.s32 $0xFFFFEC00  }
0x217: {  	[spmem:s2] =	stream.indirect.scatter.add.f32 [tilespmem:s25], [sflag:$0x8], $0x40, s15, s22, $0xb8;
	[tilespmem:$0x1F000] =	vst v63  }
0x218: {  	_ =	swait.ge [sflag:s31], $0x1400  }
0x219: {  	[sflag:s31] =	ssyncset.done $0x0  }
0x21a: {  	[sflag:s31] =	ssyncadd.s32 $0xFFFFEC00  }
0x21b: {  	_ =	swait.ge [sflag:s1], $0x1400  }
0x21c: {  	[sflag:s1] =	ssyncset.done $0x0  }
0x21d: {  	[sflag:s1] =	ssyncadd.s32 $0xFFFFEC00  }
0x21e: {  	_ =	swait.ge [sflag:s0], $0x1400  }
0x21f: {  	[sflag:s0] =	ssyncset.done $0x0  }
0x220: {  	[sflag:s0] =	ssyncadd.s32 $0xFFFFEC00  }
0x221: {  	_ =	swait.ge [sflag:s5], $0x1400  }
0x222: {  	[sflag:s5] =	ssyncset.done $0x0  }
0x223: {  	[sflag:s5] =	ssyncadd.s32 $0xFFFFEC00  }
0x224: {  	[bflag:$0x0] =	sbarrier.arrive $0xFFFF  }
0x225: {  	s17 =	sld [smem:$0x7FB]  }
0x226: {  	s16 =	rddreg [dreg:$0x1f]  }
0x227: {  	s6 =	sshrl.u32 s16, $0x3;
	s16 =	rddreg [dreg:$0x1e]  }
0x228: {  	[hbm:s17], [sflag:s16] =	dma.local [spmem:s6], $0x2800  }
0x229: {  	_ =	swait.ge [sflag:s18], $0x2800  }
0x22a: {  	s6 =	sld [smem:$0x7F3]  }
0x22b: {  	s17 =	sld [smem:$0x7FC];
	_ =	sdelay $0x1  }
0x22c: {  	s7 =	sadd.s32 $0x1, s6  }
0x22d: {  	p0 =	sne.s32 s7, s17  }
.Ltmp2:
0x22e: {  	_ = 	snop;
	(pc) =	sbr.rel @p0 .LBB2_1-.Ltmp2, $3  }
0x22f: {  	_ =	sdelay $0x1  }
0x230: {  	[sflag:s18] =	ssyncset.done $0x0  }
0x231: {  	[sflag:s18] =	ssyncadd.s32 $0xFFFFD800  }
0x232: {  	_ =	sfence.sel $0x180000  }
0x233: {  	[bflag:$0x0] =	sbarrier.arrive $0xFFFF  }
0x234: {  	_ =	strace $0x9000004D  }
0x235: {  	s0 =	stileid.u32;
	[bflag:$0x2] =	sbarrier.arrive $0xFFFF  }
0x236: {  	p0 =	sne.s32 s0, $0x0;
	s0 =	rddreg [dreg:$0x4]  }
0x237: {  	s0 =	sadd.s32 @!p0 $0x100000, s0  }
0x238: {  	[sflag:s0] =	ssyncadd.tile.s32 @!p0 $0x1;
	_ =	shalt  }
.Lfunc_end2:
_tile_overlayer_lowered:
.L_overlay_start_2:
0x239: {  	(tag) =	ssettag $0x2  }
0x23a: {  	s0 =	rddreg [dreg:$0x0];
	s2 =	stileid.u32  }
0x23b: {  	s1 =	rddreg [dreg:$0x1];
	p0 =	sne.s32 s2, $0x0  }
0x23c: {  	s3 =	rddreg [dreg:$0x2];
	[bflag:$0x3] =	sbarrier.arrive $0xFFFF;
	s2 =	simm.s32 @!p0 $0x1C09  }
0x23d: {  	[timem:s3], [sflag:s2] =	dma.local @!p0 [hbm:s0], s1  }
0x23e: {  	s0 =	simm.s32 @!p0 $0x9  }
0x23f: {  	_ =	swait.ge @!p0 [sflag:s0], s1  }
0x240: {  	s1 =	ssub.s32 @!p0 $0x0, s1;
	[sflag:s0] =	ssyncset.done @!p0 $0x0  }
0x241: {  	[sflag:s0] =	ssyncadd.s32 @!p0 s1  }
0x242: {  	[bflag:$0x3] =	sbarrier.arrive $0xFFFF  }
0x243: {  	_ =	shalt  }

// kernel: kernel.7.cloned.1.call-start
scs
__scs_entry_jumppad:
0x0: {  	(pc) =	sbr.rel $0x88, $3  }
0x1: {  	(tag) =	ssettag $0x0;
	lr =	simm.s32 $0x1  }
0x2: {  	[smem:$0x3F95] =	sst lr;
	_ =	strace $0xD0000000  }
0x3: {  	_ = 	snop  }
0x4: {  	_ = 	snop  }
0x5: {  	_ = 	snop  }
0x6: {  	_ = 	snop  }
0x7: {  	_ = 	snop  }
__scs_overlays_trampoline_lowered:
0x8: {  	[smem:$0x3FA4] =	sst s0  }
0x9: {  	[smem:$0x3FA5] =	sst s1  }
0xa: {  	[smem:$0x3FA6] =	sst s2  }
0xb: {  	[smem:$0x3FA7] =	sst s3  }
0xc: {  	[smem:$0x3FA8] =	sst s4  }
0xd: {  	[smem:$0x3FA9] =	sst s5  }
0xe: {  	[smem:$0x3FAA] =	sst s6  }
0xf: {  	[smem:$0x3FAB] =	sst s7  }
0x10: {  	[smem:$0x3FAC] =	sst s8  }
0x11: {  	[smem:$0x3FAD] =	sst s9;
	s0 =	simm.s32 @!p0 $0x0  }
0x12: {  	s1 =	sld [smem:$0x3F93];
	s0 =	simm.s32 @p0 $0x1  }
0x13: {  	[smem:$0x3FAE] =	sst s0;
	s0 =	simm.s32 @!p1 $0x0  }
0x14: {  	s2 =	sld [smem:$0x3F92];
	s0 =	simm.s32 @p1 $0x1  }
0x15: {  	[smem:$0x3FAF] =	sst s0;
	s0 =	simm.s32 @!p2 $0x0  }
0x16: {  	s3 =	sld [smem:$0x3FDB];
	s0 =	simm.s32 @p2 $0x1  }
0x17: {  	s4 =	simm.s32 $0x1BF5;
	[smem:$0x3FB1] =	sst s0  }
0x18: {  	s0 =	sld [smem:$0x3F94];
	_ =	swait.ge [sflag:s4], $0x0  }
0x19: {  	s7 =	sld [smem:$0x3F95]  }
0x1a: {  	s8 =	sadd.s32 $0xFFFFE003, lr  }
0x1b: {  	s9 =	sadd.s32 $0xFFFFFEF7, lr;
	s5 =	simm.s32 $0xFFFFFFFF;
	p2 =	slt.u32 s8, $0xFFFFF086  }
0x1c: {  	p1 =	slt.u32 s9, $0xF7A;
	s5 =	simm.s32 @!p2 $0x0  }
0x1d: {  	s5 =	simm.s32 @p1 $0x1;
	p0 =	seq.s32 s7, s2  }
0x1e: {  	s7 =	smul.u32 @!p0 $0xF7A, s2;
	p2 =	seq.s32 @!p0 s5, $0x0  }
0x1f: {  	s9 =	smul.u32 $0xF7A, s1;
	s8 =	simm.s32 @!p0 $0x1BF5;
	p2 =	por !p2, p0  }
0x20: {  	[sflag:s8] =	ssyncset.s32 @!p0 $0xFFFFF086;
	s6 =	sadd.s32 @!p0 s3, s7;
	s7 =	simm.s32 @!p0 $0x108  }
0x21: {  	s3 =	sadd.s32 s3, s9;
	s6 =	sadd.s32 @!p0 $0x88, s6;
	s7 =	simm.s32 @p2 $0x1082  }
0x22: {  	[simem:s7], [sflag:s8] =	dma.local @!p0 [hbm:s6], $0xF7A  }
0x23: {  	s9 =	sor.u32 $0xD0000000, s2;
	s6 =	simm.s32 $0x108;
	_ =	swait.ge @!p0 [sflag:s8], $0x0  }
0x24: {  	s3 =	sadd.s32 $0x88, s3;
	s6 =	simm.s32 @!p1 $0x1082;
	[sflag:s4] =	ssyncset.s32 $0xFFFFF086  }
0x25: {  	[simem:s6], [sflag:s4] =	dma.local [hbm:s3], $0xF7A  }
0x26: {  	[smem:$0x3F95] =	sst s1;
	(tag) =	ssettag s2;
	_ =	strace s9  }
0x27: {  	s1 =	sld [smem:$0x3FA5]  }
0x28: {  	s2 =	sld [smem:$0x3FA6]  }
0x29: {  	s4 =	sld [smem:$0x3FA8]  }
0x2a: {  	p0 =	seq.s32 s5, $0x0;
	s5 =	sld [smem:$0x3FA9]  }
0x2b: {  	s6 =	sld [smem:$0x3FAA]  }
0x2c: {  	s7 =	sld [smem:$0x3FAB]  }
0x2d: {  	s3 =	simm.s32 $0x108;
	s8 =	sld [smem:$0x3FAC]  }
0x2e: {  	s3 =	simm.s32 @!p0 $0x1082;
	s9 =	sld [smem:$0x3FAD]  }
0x2f: {  	lr =	sadd.s32 s0, s3;
	s0 =	sld [smem:$0x3FA4]  }
0x30: {  	s3 =	sld [smem:$0x3FA7]  }
0x31: {  	[smem:$0x3FB0] =	sst s10  }
0x32: {  	s10 =	sld [smem:$0x3FAE];
	_ =	sdelay $0x3  }
0x33: {  	p0 =	seq.s32 s10, $0x1;
	s10 =	sld [smem:$0x3FB0];
	_ =	sdelay $0x3  }
0x34: {  	[smem:$0x3FB0] =	sst s10  }
0x35: {  	s10 =	sld [smem:$0x3FAF];
	_ =	sdelay $0x3  }
0x36: {  	p1 =	seq.s32 s10, $0x1;
	s10 =	sld [smem:$0x3FB0];
	_ =	sdelay $0x3  }
0x37: {  	[smem:$0x3FB0] =	sst s10  }
0x38: {  	s10 =	sld [smem:$0x3FB1]  }
0x39: {  	_ = 	snop;
	(pc) =	sbr.ind lr, $3  }
0x3a: {  	_ = 	snop  }
0x3b: {  	_ = 	snop  }
0x3c: {  	p2 =	seq.s32 s10, $0x1;
	s10 =	sld [smem:$0x3FB0]  }
0x3d: {  	_ =	shalt  }
0x3e: {  	_ =	shalt  }
0x3f: {  	_ =	shalt  }
0x40: {  	_ =	shalt  }
0x41: {  	_ =	shalt  }
0x42: {  	_ =	shalt  }
0x43: {  	_ =	shalt  }
0x44: {  	_ =	shalt  }
0x45: {  	_ =	shalt  }
0x46: {  	_ =	shalt  }
0x47: {  	_ =	shalt  }
0x48: {  	_ =	shalt  }
0x49: {  	_ =	shalt  }
0x4a: {  	_ =	shalt  }
0x4b: {  	_ =	shalt  }
0x4c: {  	_ =	shalt  }
0x4d: {  	_ =	shalt  }
0x4e: {  	_ =	shalt  }
0x4f: {  	_ =	shalt  }
0x50: {  	_ =	shalt  }
0x51: {  	_ =	shalt  }
0x52: {  	_ =	shalt  }
0x53: {  	_ =	shalt  }
0x54: {  	_ =	shalt  }
0x55: {  	_ =	shalt  }
0x56: {  	_ =	shalt  }
0x57: {  	_ =	shalt  }
0x58: {  	_ =	shalt  }
0x59: {  	_ =	shalt  }
0x5a: {  	_ =	shalt  }
0x5b: {  	_ =	shalt  }
0x5c: {  	_ =	shalt  }
0x5d: {  	_ =	shalt  }
0x5e: {  	_ =	shalt  }
0x5f: {  	_ =	shalt  }
0x60: {  	_ =	shalt  }
0x61: {  	_ =	shalt  }
0x62: {  	_ =	shalt  }
0x63: {  	_ =	shalt  }
0x64: {  	_ =	shalt  }
0x65: {  	_ =	shalt  }
0x66: {  	_ =	shalt  }
0x67: {  	_ =	shalt  }
0x68: {  	_ =	shalt  }
0x69: {  	_ =	shalt  }
0x6a: {  	_ =	shalt  }
0x6b: {  	_ =	shalt  }
0x6c: {  	_ =	shalt  }
0x6d: {  	_ =	shalt  }
0x6e: {  	_ =	shalt  }
0x6f: {  	_ =	shalt  }
0x70: {  	_ =	shalt  }
0x71: {  	_ =	shalt  }
0x72: {  	_ =	shalt  }
0x73: {  	_ =	shalt  }
0x74: {  	_ =	shalt  }
0x75: {  	_ =	shalt  }
0x76: {  	_ =	shalt  }
0x77: {  	_ =	shalt  }
0x78: {  	_ =	shalt  }
0x79: {  	_ =	shalt  }
0x7a: {  	_ =	shalt  }
0x7b: {  	_ =	shalt  }
0x7c: {  	_ =	shalt  }
0x7d: {  	_ =	shalt  }
0x7e: {  	_ =	shalt  }
0x7f: {  	_ =	shalt  }
0x80: {  	_ =	shalt  }
0x81: {  	_ =	shalt  }
0x82: {  	_ =	shalt  }
0x83: {  	_ =	shalt  }
0x84: {  	_ =	shalt  }
0x85: {  	_ =	shalt  }
0x86: {  	_ =	shalt  }
0x87: {  	_ =	shalt  }
.Lfunc_end0:
.L_simem_size_0:
called_computation_lowered:
.L_overlay_start_0:
0x88: {  	s2 =	sld [smem:$0x3FD9]  }
0x89: {  	s3 =	sld [smem:$0x3FFE];
	_ =	sdelay $0x1  }
0x8a: {  	s1 =	srdreg.scid  }
0x8b: {  	s0 =	sand.u32 $0x1, s1  }
0x8c: {  	s17 =	sshll.u32 s0, $0xA;
	s2 =	sadd.s32 s3, s2  }
0x8d: {  	s2 =	sadd.s32 s2, s17  }
0x8e: {  	[smem:$0x3FBC] =	sst s2  }
0x8f: {  	_ = 	snop  }
0x90: {  	(tm) =	ssettm $0x1  }
0x91: {  	s18 =	sld [smem:$0x3FFB];
	_ =	sdelay $0x3  }
0x92: {  	_ =	strace s18  }
0x93: {  	s2 =	sld [smem:$0x3FFC];
	_ =	sdelay $0x3  }
0x94: {  	_ =	strace s2  }
0x95: {  	s2 =	sld [smem:$0x3FFD];
	_ =	sdelay $0x3  }
0x96: {  	_ =	strace s2  }
0x97: {  	_ =	strace $0x8FFFFFFF  }
0x98: {  	s19 =	sld [smem:$0x3FDB];
	_ =	sdelay $0x1  }
0x99: {  	s20 =	simm.s32 $_scs_section_size  }
0x9a: {  	s4 =	simm.s32 $_size__tile_overlayer_lowered;
	s5 =	simm.s32 $_tile_overlayer_lowered  }
0x9b: {  	s6 =	simm.s32 $0x1BFF;
	s21 =	sshll.u32 s5, $0x1;
	s3 =	sadd.s32 s20, s19  }
0x9c: {  	s22 =	simm.s32 $0x0;
	s4 =	sshll.u32 s4, $0x1;
	s5 =	sadd.s32 s21, s3  }
0x9d: {  	[timem:s22], [sflag:s6] =	dma.local [hbm:s5], s4  }
0x9e: {  	_ =	swait.ge [sflag:s6], s4  }
0x9f: {  	s4 =	ssub.s32 $0x0, s4;
	[sflag:s6] =	ssyncset.done $0x0  }
0xa0: {  	[sflag:s6] =	ssyncadd.s32 s4;
	_ =	sdelay $0x1  }
0xa1: {  	s23 =	simm.s32 $0x1B8B  }
0xa2: {  	_ =	swait.ge [sflag:s23], $0x1  }
0xa3: {  	[sflag:s23] =	ssyncset.done $0x0  }
0xa4: {  	[sflag:s23] =	ssyncadd.s32 $0xFFFFFFFF  }
0xa5: {  	s4 =	sld [smem:$0x0]  }
0xa6: {  	s5 =	sand.u32 $0xFFFFFFFE, s1  }
0xa7: {  	p0 =	sne.s32 s1, s5  }
0xa8: {  	s5 =	sshll.u32 @p0 s5, $0xE  }
0xa9: {  	s5 =	sadd.s32 @p0 $0x11B8D, s5;
	s6 =	sshll.u32 @p0 s4, $0x11  }
0xaa: {  	s5 =	sor.u32 @p0 s6, s5  }
0xab: {  	[sflag:s5] =	ssyncadd.remote.s32 @p0 $0x1;
	_ =	sdelay $0x1  }
0xac: {  	s5 =	simm.s32 @p0 $0x1B8D  }
0xad: {  	_ =	swait.eq @p0 [sflag:s5], $0x1  }
0xae: {  	[sflag:s5] =	ssyncadd.s32 @p0 $0xFFFFFFFF  }
0xaf: {  	s6 =	sshll.u32 @!p0 s1, $0xE  }
0xb0: {  	s6 =	sor.u32 @!p0 $0x4000, s6;
	s5 =	simm.s32 @!p0 $0x1B8D  }
0xb1: {  	s4 =	sshll.u32 @!p0 s4, $0x11;
	s6 =	sadd.s32 @!p0 $0x11B8D, s6;
	_ =	swait.eq @!p0 [sflag:s5], $0x1  }
0xb2: {  	s4 =	sor.u32 @!p0 s4, s6;
	[sflag:s5] =	ssyncadd.s32 @!p0 $0xFFFFFFFF  }
0xb3: {  	s25 =	simm.s32 $0x1B8E;
	s24 =	sld [smem:$0x3FFE];
	[sflag:s4] =	ssyncadd.remote.s32 @!p0 $0x1  }
0xb4: {  	s26 =	simm.s32 $execute0_lowered;
	[smem:$0x3FD2] =	sst s25  }
0xb5: {  	s5 =	sshll.u32 s26, $0x1;
	_ =	strace $0x80000049;
	[dreg:$0x1] =	wrdreg $0xFFFFFFFF  }
0xb6: {  	s28 =	simm.s32 $_size_execute0_lowered;
	s3 =	sadd.s32 s3, s5;
	[dreg:$0x0] =	wrdreg $0x0  }
0xb7: {  	s5 =	sshll.u32 s28, $0x1;
	[dreg:$0x2] =	wrdreg s3  }
0xb8: {  	[dreg:$0x3] =	wrdreg s5  }
0xb9: {  	[dreg:$0x4] =	wrdreg $0xC0  }
0xba: {  	_ =	task [dreg:s22], $0x5FFFF  }
0xbb: {  	[dreg:$0x1] =	wrdreg $0xFFFFFFFF  }
0xbc: {  	[dreg:$0x0] =	wrdreg $0x60  }
0xbd: {  	[dreg:$0x2] =	wrdreg s24  }
0xbe: {  	[dreg:$0x3] =	wrdreg $0x198000  }
0xbf: {  	[dreg:$0x4] =	wrdreg $0x9  }
0xc0: {  	_ =	task.clear_ibuf [dreg:s22], $0x5FFFF;
	_ =	strace $0x90000049  }
0xc1: {  	s29 =	simm.s32 $0x9;
	_ =	strace $0x8000004B  }
0xc2: {  	_ =	swait.ge [sflag:s29], $0x1  }
0xc3: {  	[sflag:s29] =	ssyncadd.s32 $0xFFFFFFFF  }
0xc4: {  	_ =	strace $0x9000004B  }
0xc5: {  	_ =	sfence  }
0xc6: {  	s30 =	sld [smem:$0x0];
	_ =	sdelay $0x2  }
0xc7: {  	s31 =	sshll.u32 s1, $0xD;
	s1 =	sshrl.u32 s1, $0x2  }
0xc8: {  	s4 =	sand.u32 $0x4000, s31;
	s1 =	sadd.s32 s1, s30  }
0xc9: {  	s0 =	sor.u32 s4, s0;
	s1 =	sshll.u32 s1, $0x11  }
0xca: {  	s0 =	sor.u32 s1, s0  }
0xcb: {  	s0 =	sadd.s32 $0x8F2B, s0  }
0xcc: {  	[sflag:s0] =	ssyncadd.remote.s32 $0x1  }
0xcd: {  	_ =	sfence.sel $0xFFFF  }
0xce: {  	[dreg:$0x0] =	wrdreg $0xFFFFFFFF;
	(pc) =	sbr.abs _section_cstart, $3  }
0xcf: {  	[dreg:$0x1] =	wrdreg $0xFFFFFFFF  }
0xd0: {  	_ =	task.clear_ibuf [dreg:s22], $0x2FFFF;
	_ =	strace $0x9FFFFFFF  }
0xd1: {  	(tm) =	ssettm $0x7FFFFFFF  }
tec
execute0_lowered:
.L_overlay_start_1:
0x0: {  	(tag) =	ssettag $0x1  }
0x1: {  	s3 =	rddreg [dreg:$0x0]  }
0x2: {  	s0 =	srdreg.scid;
	s6 =	rddreg [dreg:$0x1]  }
0x3: {  	s1 =	rddreg [dreg:$0x2];
	s2 =	simm.s32 $0x0;
	s11 =	simm.s32 $0x80  }
0x4: {  	s12 =	simm.s32 $0x400;
	s13 =	simm.s32 $0x1400;
	s4 =	sand.u32 $0x1, s0  }
0x5: {  	s14 =	simm.s32 $0x17000;
	s0 =	stileid.u32;
	s5 =	smul.u32 $0x140000, s4  }
0x6: {  	s15 =	simm.s32 $0x0;
	[smem:$0x7FF] =	sst s2;
	s7 =	smul.u32 $0x14000, s0  }
0x7: {  	s8 =	sshll.u32 s4, $0xC;
	_ =	strace $0x8000004A;
	s25 =	ssub.s32 $0x2, s4  }
0x8: {  	s26 =	sshrl.u32 s0, $0x3;
	s9 =	sshll.u32 s0, $0xD;
	s30 =	smul.u32 $0x5000, s0  }
0x9: {  	s31 =	sshll.u32 s0, $0x7;
	s23 =	sadd.s32 s8, s3;
	s28 =	sshrl.u32 s25, $0x1  }
0xa: {  	s4 =	smul.u32 $0x50000, s26;
	s8 =	simm.s32 $0x14000;
	s5 =	sadd.s32 s7, s5  }
0xb: {  	s10 =	ssub.s32 s25, s28;
	s29 =	sadd.s32 s9, s23;
	s7 =	sand.u32 $0x380, s31  }
0xc: {  	s9 =	simm.s32 $0x1;
	s5 =	sshrl.u32 s5, $0x3;
	s4 =	sshrl.u32 s4, $0x2  }
0xd: {  	s24 =	sadd.s32 s5, s3;
	s4 =	sadd.s32 s4, s6;
	s5 =	sshrl.u32 s30, $0x2  }
0xe: {  	v2 =	vlaneseq.u32;
	s3 =	sadd.s32 $0x2A00, s29;
	s4 =	sadd.s32 s7, s4;
	s5 =	sadd.s32 s5, s6  }
0xf: {  	v0 =	vimm.f32 $0.0e+00;
	v1 =	vimm.f32 $1.000000000e+00;
	v2 =	vmul.u32 $0x80, v2;
	s6 =	sadd.s32 $0xC0C00, s24;
	s7 =	smax.u32 s10, $0x1;
	s10 =	simm.s32 $0x14800  }
.LBB2_1:
0x10: {  	s16 =	simm.s32 $0x40;
	s17 =	simm.s32 $0x0  }
.LBB2_2:
0x11: {  	p0 =	sne.s32 s16, $0x9FC0;
	[tilespmem:s17+$0x14800] =	vst v0;
	s17 =	smov.u32 s16;
	s16 =	sadd.s32 $0x40, s16  }
.Ltmp0:
0x12: {  	(pc) =	sbr.rel @p0 .LBB2_2-.Ltmp0, $2  }
0x13: {  	_ =	sdelay $0x2  }
0x14: {  	s17 =	sshra.s32 s17, $0x2  }
0x15: {  	[tilespmem:s17+$0x14800] =	vst v0;
	s16 =	simm.s32 $0x0;
	s17 =	simm.s32 $0x0  }
.LBB2_4:
0x16: {  	s18 =	sshll.u32 s17, $0x8  }
0x17: {  	s18 =	sadd.s32 s18, s3  }
0x18: {  	[tilespmem:s8], [sflag:$0x1] =	stream.linear.gather [hbm4b:s18+s16], $0x800, $0x38;
	[tilespmem:$0x1C000] =	vst v63  }
0x19: {  	_ =	swait.ge [sflag:s9], $0x800  }
0x1a: {  	[sflag:s9] =	ssyncset.done $0x0  }
0x1b: {  	s18 =	simm.s32 $0x0;
	[sflag:s9] =	ssyncadd.s32 $0xFFFFF800  }
.LBB2_5:
0x1c: {  	s19 =	sshra.s32 s18, $0x2  }
0x1d: {  	v3 =	vld [tilespmem:s19+$0x14000];
	_ =	sdelay $0x7  }
0x1e: {  	[tilespmem:v3+s10+$0x0] =	vst.idx.add.f32.msk $0xffff, v1  }
0x1f: {  	v3 =	vld [tilespmem:s19+$0x14010];
	_ =	sdelay $0x7  }
0x20: {  	[tilespmem:v3+s10+$0x0] =	vst.idx.add.f32.msk $0xffff, v1  }
0x21: {  	v3 =	vld [tilespmem:s19+$0x14020];
	_ =	sdelay $0x7  }
0x22: {  	[tilespmem:v3+s10+$0x0] =	vst.idx.add.f32.msk $0xffff, v1  }
0x23: {  	v3 =	vld [tilespmem:s19+$0x14030];
	_ =	sdelay $0x7  }
0x24: {  	[tilespmem:v3+s10+$0x0] =	vst.idx.add.f32.msk $0xffff, v1  }
0x25: {  	v3 =	vld [tilespmem:s19+$0x14040];
	_ =	sdelay $0x2  }
0x26: {  	p0 =	sne.s32 s18, $0x1E00  }
.Ltmp1:
0x27: {  	_ = 	snop;
	(pc) =	sbr.rel @p0 .LBB2_5-.Ltmp1, $2  }
0x28: {  	_ =	sdelay $0x2  }
0x29: {  	s18 =	sadd.s32 $0x200, s18;
	[tilespmem:v3+s10+$0x0] =	vst.idx.add.f32.msk $0xffff, v1  }
0x2a: {  	s17 =	sadd.s32 $0x1, s17  }
0x2b: {  	p0 =	sne.s32 s17, $0x10  }
.Ltmp2:
0x2c: {  	_ = 	snop;
	(pc) =	sbr.rel @p0 .LBB2_4-.Ltmp2, $1  }
0x2d: {  	_ =	sdelay $0x3  }
0x2e: {  	[spmem:s4] =	stream.strided.scatter [tilespmem:s10], [sflag:$0x1], $0x2800, s12, s11, $0x38;
	[tilespmem:$0x1C000] =	vst v63  }
0x2f: {  	_ =	swait.ge [sflag:s9], $0x2800  }
0x30: {  	[sflag:s9] =	ssyncset.done $0x0  }
0x31: {  	[sflag:s9] =	ssyncadd.s32 $0xFFFFD800  }
0x32: {  	s17 =	simm.s32 $0x0;
	[bflag:$0x0] =	sbarrier.arrive $0xFFFF  }
0x33: {  	[tilespmem:s14], [sflag:$0x1] =	stream.strided.gather [spmem:s5], $0x2800, s8, s13, $0x38;
	[tilespmem:$0x1C000] =	vst v63  }
0x34: {  	s16 =	sand.u32 $0x70, s17;
	s18 =	sand.u32 $0x1C00, s17;
	_ =	swait.ge [sflag:s9], $0x2800  }
0x35: {  	s16 =	sor.u32 s16, s18;
	[sflag:s9] =	ssyncset.done $0x0  }
0x36: {  	s18 =	sadd.s32 $0x17000, s16;
	[sflag:s9] =	ssyncadd.s32 $0xFFFFD800  }
0x37: {  	v3 =	vld [tilespmem:s18+$0x80]  }
0x38: {  	v4 =	vld [tilespmem:s16+$0x17000];
	_ =	sdelay $0x1  }
0x39: {  	v5 =	vld [tilespmem:s18+$0x100];
	_ =	sdelay $0x1  }
0x3a: {  	v6 =	vld [tilespmem:s18+$0x180]  }
0x3b: {  	v3 =	vadd.f32 v3, v4  }
0x3c: {  	v4 =	vld [tilespmem:s18+$0x200]  }
0x3d: {  	v3 =	vadd.f32 v5, v3  }
0x3e: {  	v5 =	vld [tilespmem:s18+$0x280]  }
0x3f: {  	v3 =	vadd.f32 v6, v3  }
0x40: {  	s30 =	sor.u32 s17, s17;
	v6 =	vld [tilespmem:s18+$0x300]  }
0x41: {  	s18 =	sor.u32 $0x380, s30;
	v3 =	vadd.f32 v4, v3  }
0x42: {  	v4 =	vld [tilespmem:s18+$0x17000]  }
0x43: {  	v3 =	vadd.f32 v5, v3  }
0x44: {  	v5 =	vld [tilespmem:s16+$0x18400]  }
0x45: {  	v3 =	vadd.f32 v6, v3  }
0x46: {  	v6 =	vld [tilespmem:s16+$0x18480]  }
0x47: {  	v3 =	vadd.f32 v4, v3  }
0x48: {  	v4 =	vld [tilespmem:s16+$0x18500]  }
0x49: {  	v3 =	vadd.f32 v5, v3  }
0x4a: {  	v5 =	vld [tilespmem:s16+$0x18580]  }
0x4b: {  	v3 =	vadd.f32 v6, v3  }
0x4c: {  	v6 =	vld [tilespmem:s16+$0x18600]  }
0x4d: {  	v3 =	vadd.f32 v4, v3  }
0x4e: {  	v4 =	vld [tilespmem:s16+$0x18680]  }
0x4f: {  	v3 =	vadd.f32 v5, v3  }
0x50: {  	v5 =	vld [tilespmem:s16+$0x18700]  }
0x51: {  	v3 =	vadd.f32 v6, v3;
	_ =	sdelay $0x1  }
0x52: {  	v3 =	vadd.f32 v4, v3  }
0x53: {  	v6 =	vld [tilespmem:s16+$0x18780];
	v4 =	vmov s17  }
0x54: {  	v5 =	vadd.f32 v5, v3;
	v3 =	vshll.u32 v4, $0x7  }
0x55: {  	v3 =	vor.u32 v2, v3;
	_ =	sdelay $0x1  }
0x56: {  	s16 =	simm.s32 $0x10;
	s17 =	simm.s32 $0x80  }
0x57: {  	s31 =	sand.u32 $0x70, s16;
	s19 =	sand.u32 $0x1C00, s17;
	v4 =	vadd.f32 v6, v5  }
0x58: {  	s18 =	sor.u32 s31, s19;
	s19 =	simm.s32 $0x20  }
.LBB2_8:
0x59: {  	p0 =	sne.s32 s19, $0x270;
	s20 =	sadd.s32 $0x17000, s18;
	[tilespmem:v3+s2+$0x0] =	vst.idx.msk $0xffff, v4  }
0x5a: {  	v3 =	vld [tilespmem:s20+$0x80]  }
0x5b: {  	v4 =	vld [tilespmem:s18+$0x17000];
	_ =	sdelay $0x1  }
0x5c: {  	v5 =	vld [tilespmem:s20+$0x100];
	_ =	sdelay $0x1  }
0x5d: {  	v6 =	vld [tilespmem:s20+$0x180]  }
0x5e: {  	v3 =	vadd.f32 v3, v4  }
0x5f: {  	v4 =	vld [tilespmem:s20+$0x200]  }
0x60: {  	v3 =	vadd.f32 v5, v3  }
0x61: {  	v5 =	vld [tilespmem:s20+$0x280]  }
0x62: {  	v3 =	vadd.f32 v6, v3  }
0x63: {  	v6 =	vld [tilespmem:s20+$0x300];
	s20 =	sor.u32 s17, s16  }
0x64: {  	v3 =	vadd.f32 v4, v3;
	s20 =	sor.u32 $0x380, s20  }
0x65: {  	v4 =	vld [tilespmem:s20+$0x17000]  }
0x66: {  	v3 =	vadd.f32 v5, v3  }
0x67: {  	v5 =	vld [tilespmem:s18+$0x18400]  }
0x68: {  	v3 =	vadd.f32 v6, v3  }
0x69: {  	v6 =	vld [tilespmem:s18+$0x18480]  }
0x6a: {  	v3 =	vadd.f32 v4, v3  }
0x6b: {  	v4 =	vld [tilespmem:s18+$0x18500]  }
0x6c: {  	v3 =	vadd.f32 v5, v3  }
0x6d: {  	v5 =	vld [tilespmem:s18+$0x18580]  }
0x6e: {  	v3 =	vadd.f32 v6, v3  }
0x6f: {  	v6 =	vld [tilespmem:s18+$0x18600]  }
0x70: {  	v3 =	vadd.f32 v4, v3  }
0x71: {  	v4 =	vld [tilespmem:s18+$0x18680]  }
0x72: {  	v3 =	vadd.f32 v5, v3  }
0x73: {  	v5 =	vld [tilespmem:s18+$0x18700]  }
0x74: {  	v3 =	vadd.f32 v6, v3  }
0x75: {  	v7 =	vmov s16;
	s16 =	smov.u32 s19;
	v6 =	vld [tilespmem:s18+$0x18780]  }
0x76: {  	v4 =	vadd.f32 v4, v3;
	v3 =	vshll.u32 v7, $0x7  }
.Ltmp3:
0x77: {  	v3 =	vor.u32 v2, v3;
	(pc) =	sbr.rel @p0 .LBB2_8-.Ltmp3, $4  }
0x78: {  	v4 =	vadd.f32 v5, v4  }
0x79: {  	s17 =	sadd.s32 $0x80, s17  }
0x7a: {  	s20 =	sand.u32 $0x1C00, s17;
	s18 =	sand.u32 $0x70, s19;
	v4 =	vadd.f32 v6, v4  }
0x7b: {  	s19 =	sadd.s32 $0x10, s19;
	s18 =	sor.u32 s18, s20  }
0x7c: {  	_ =	sdelay $0x3  }
0x7d: {  	s19 =	sadd.s32 $0x17000, s18;
	[tilespmem:v3+s2+$0x0] =	vst.idx.msk $0xffff, v4  }
0x7e: {  	v3 =	vld [tilespmem:s19+$0x80]  }
0x7f: {  	v4 =	vld [tilespmem:s18+$0x17000];
	_ =	sdelay $0x1  }
0x80: {  	v5 =	vld [tilespmem:s19+$0x100];
	_ =	sdelay $0x1  }
0x81: {  	v6 =	vld [tilespmem:s19+$0x180]  }
0x82: {  	v3 =	vadd.f32 v3, v4  }
0x83: {  	v51 =	vld [tilespmem:s19+$0x200]  }
0x84: {  	v3 =	vadd.f32 v5, v3  }
0x85: {  	v52 =	vld [tilespmem:s19+$0x280]  }
0x86: {  	v3 =	vadd.f32 v6, v3  }
0x87: {  	s17 =	sor.u32 s17, s16;
	v53 =	vld [tilespmem:s19+$0x300]  }
0x88: {  	s17 =	sor.u32 $0x380, s17;
	v3 =	vadd.f32 v51, v3  }
0x89: {  	v54 =	vld [tilespmem:s17+$0x17000]  }
0x8a: {  	v3 =	vadd.f32 v52, v3  }
0x8b: {  	v55 =	vld [tilespmem:s18+$0x18400]  }
0x8c: {  	v3 =	vadd.f32 v53, v3  }
0x8d: {  	v56 =	vld [tilespmem:s18+$0x18480]  }
0x8e: {  	v3 =	vadd.f32 v54, v3  }
0x8f: {  	v57 =	vld [tilespmem:s18+$0x18500]  }
0x90: {  	v3 =	vadd.f32 v55, v3  }
0x91: {  	v58 =	vld [tilespmem:s18+$0x18580]  }
0x92: {  	v3 =	vadd.f32 v56, v3  }
0x93: {  	v59 =	vld [tilespmem:s18+$0x18600]  }
0x94: {  	v3 =	vadd.f32 v57, v3  }
0x95: {  	v60 =	vld [tilespmem:s18+$0x18680]  }
0x96: {  	v3 =	vadd.f32 v58, v3  }
0x97: {  	v61 =	vld [tilespmem:s18+$0x18700]  }
0x98: {  	v3 =	vadd.f32 v59, v3  }
0x99: {  	v7 =	vmov s16;
	v62 =	vld [tilespmem:s18+$0x18780]  }
0x9a: {  	v63 =	vshll.u32 v7, $0x7;
	v3 =	vadd.f32 v60, v3  }
0x9b: {  	v4 =	vor.u32 v2, v63  }
0x9c: {  	v3 =	vadd.f32 v61, v3;
	_ =	sdelay $0x1  }
0x9d: {  	s15 =	sadd.s32 $0x1, s15;
	v3 =	vadd.f32 v62, v3  }
0x9e: {  	p0 =	sne.s32 s15, s7  }
.Ltmp4:
0x9f: {  	[tilespmem:v4+s2+$0x0] =	vst.idx.msk $0xffff, v3;
	(pc) =	sbr.rel @p0 .LBB2_1-.Ltmp4, $4  }
0xa0: {  	[hbm4b:s6+s2] =	stream.linear.scatter [tilespmem:s2], [sflag:$0x1], $0x14000, $0x38;
	[tilespmem:$0x1C000] =	vst v63  }
0xa1: {  	_ =	swait.ge [sflag:s9], $0x14000  }
0xa2: {  	[sflag:s9] =	ssyncset.done $0x0  }
0xa3: {  	[sflag:s9] =	ssyncadd.s32 $0xFFFEC000  }
0xa4: {  	_ =	sfence.sel $0x180000  }
0xa5: {  	[bflag:$0x0] =	sbarrier.arrive $0xFFFF  }
0xa6: {  	p0 =	sne.s32 s0, $0x0;
	_ =	strace $0x9000004A  }
0xa7: {  	s0 =	sadd.s32 @!p0 $0x100000, s1;
	[bflag:$0x2] =	sbarrier.arrive $0xFFFF  }
0xa8: {  	[sflag:s0] =	ssyncadd.tile.s32 @!p0 $0x1;
	_ =	shalt  }
.Lfunc_end2:
_tile_overlayer_lowered:
.L_overlay_start_2:
0xa9: {  	(tag) =	ssettag $0x2  }
0xaa: {  	s0 =	rddreg [dreg:$0x0];
	s2 =	stileid.u32  }
0xab: {  	s1 =	rddreg [dreg:$0x1];
	p0 =	sne.s32 s2, $0x0  }
0xac: {  	s3 =	rddreg [dreg:$0x2];
	[bflag:$0x3] =	sbarrier.arrive $0xFFFF;
	s2 =	simm.s32 @!p0 $0x1C01  }
0xad: {  	[timem:s3], [sflag:s2] =	dma.local @!p0 [hbm:s0], s1  }
0xae: {  	s0 =	simm.s32 @!p0 $0x1  }
0xaf: {  	_ =	swait.ge @!p0 [sflag:s0], s1  }
0xb0: {  	s1 =	ssub.s32 @!p0 $0x0, s1;
	[sflag:s0] =	ssyncset.done @!p0 $0x0  }
0xb1: {  	[sflag:s0] =	ssyncadd.s32 @!p0 s1  }
0xb2: {  	[bflag:$0x3] =	sbarrier.arrive $0xFFFF  }
0xb3: {  	_ =	shalt  }

</sc_bundles>
